<compile_context>
chip_gen: v7x
topology: tpu7x:2x2x1
jax: 0.10.2.dev20260603
libtpu: 0.0.44.dev20260713+nightly
codegen_flags: <defaults>
</compile_context>

<pallas_src>
import functools

import jax
import jax.numpy as jnp
from jax import lax
from jax.experimental import pallas as pl
from jax.experimental.pallas import tpu as pltpu
from jax.experimental.pallas import tpu_sc as plsc

_B = 16
_P = 4096
_S = 256
_L = 16
_NS = 16
_NPT = 32
_NCHUNK = 16

_sc_mesh = plsc.VectorSubcoreMesh(core_axis_name="c", subcore_axis_name="s")


@functools.partial(
    pl.kernel,
    mesh=_sc_mesh,
    compiler_params=pltpu.CompilerParams(needs_layout_passes=False),
    out_type=jax.ShapeDtypeStruct((_B, _S), jnp.float32),
    scratch_types=[
        pltpu.VMEM((_NPT, 8, 128), jnp.int32),
        pltpu.VMEM((_NPT, 8, 128), jnp.int32),
        pltpu.VMEM((_P,), jnp.int32),
        pltpu.VMEM((_P,), jnp.int32),
        pltpu.VMEM((_L * _S,), jnp.int32),
        pltpu.VMEM((_S,), jnp.float32),
        pltpu.VMEM_SHARED((_NS, _P), jnp.int32),
        pltpu.SemaphoreType.DMA,
        pltpu.SemaphoreType.DMA,
    ],
)
def _probs_sc(x_hbm, out_hbm, buf0, buf1, acc, prt, h2d, prow, shared, s0, s1):
    c = lax.axis_index("c")
    s = lax.axis_index("s")
    wid = c * _NS + s
    row = lax.div(wid, 2)
    half = lax.rem(wid, 2)

    iota = lax.iota(jnp.int32, _L)
    lane_off = iota * _S
    ones = jnp.ones((_L,), jnp.int32)
    zeros = jnp.zeros((_L,), jnp.int32)

    def zbody(j, carry):
        acc[pl.ds(j * _L, _L)] = zeros
        return carry

    lax.fori_loop(0, _P // _L, zbody, 0)

    def zhbody(j, carry):
        h2d[pl.ds(j * _L, _L)] = zeros
        return carry

    lax.fori_loop(0, (_L * _S) // _L, zhbody, 0)

    def start(t, buf, sem):
        r = half * 8 + lax.div(t, 2)
        ct = lax.rem(t, 2)
        pltpu.async_copy(x_hbm.at[row, r, ct], buf, sem)

    def wait(buf, sem):
        pltpu.make_async_copy(x_hbm.at[0, 0, 0], buf, sem).wait()

    def process(buf):
        def ptbody(pt):
            for ch in range(8):
                vs = [buf[pt, r8, pl.ds(ch * _L, _L)] for r8 in range(8)]
                while len(vs) > 1:
                    vs = [vs[i] + vs[i + 1] for i in range(0, len(vs), 2)]
                a = pl.ds(pt * 128 + ch * _L, _L)
                acc[a] = acc[a] + vs[0]

        plsc.parallel_loop(0, _NPT, 1, unroll=2)(ptbody)

    start(0, buf0, s0)
    start(1, buf1, s1)

    def cbody(cpair, carry):
        t = cpair * 2
        wait(buf0, s0)
        process(buf0)

        @pl.when(t + 2 < _NCHUNK)
        def _():
            start(t + 2, buf0, s0)

        wait(buf1, s1)
        process(buf1)

        @pl.when(t + 3 < _NCHUNK)
        def _():
            start(t + 3, buf1, s1)

        return carry

    lax.fori_loop(0, _NCHUNK // 2, cbody, 0)

    pltpu.sync_copy(acc, shared.at[s])
    plsc.subcore_barrier()

    @pl.when(lax.rem(s, 2) == 0)
    def _():
        pltpu.sync_copy(shared.at[s + 1], prt)

        def hbody(j, carry):
            cnt = acc[pl.ds(j * _L, _L)] + prt[pl.ds(j * _L, _L)]
            plsc.addupdate_scatter(h2d, [cnt + lane_off], ones, mask=cnt < _S)
            return carry

        lax.fori_loop(0, _P // _L, hbody, 0)

        def mbody(j, tot):
            hv = h2d[pl.ds(j * _L, _L)]
            for l in range(1, _L):
                hv = hv + h2d[pl.ds(l * _S + j * _L, _L)]
            vf = hv.astype(jnp.float32)
            prow[pl.ds(j * _L, _L)] = vf
            return tot + vf

        tot_vec = lax.fori_loop(0, _S // _L, mbody, jnp.zeros((_L,), jnp.float32))
        total = lax.broadcast_in_dim(jnp.sum(tot_vec), (_L,), ())

        def nbody(j, carry):
            prow[pl.ds(j * _L, _L)] = prow[pl.ds(j * _L, _L)] / total
            return carry

        lax.fori_loop(0, _S // _L, nbody, 0)
        pltpu.sync_copy(prow, out_hbm.at[row])


def kernel(inputs):
    x = inputs.reshape(_B, _P, _L, _L)
    x = x.transpose(0, 2, 3, 1)
    x = x.reshape(_B, _L, 2, 8, _NPT, 128)
    x = x.transpose(0, 1, 2, 4, 3, 5)
    probs = _probs_sc(x)
    return ((probs,),)

# --- scband reference (transcript-rebuilt; emitter-appended) ---
"""Pipeline reference for scband-probability-matrix-31885837205965 (READ-ONLY COPY).

The authoritative reference and input builder live on the scoring server;
editing this copy changes nothing except your own understanding.
"""

import jax, jax.numpy as jnp
import numpy as np


def _process_box(box):
    # box: int32 [B, P, s, s] with binary entries
    B, P, s, _ = box.shape
    maxlength = s * s
    # number of ones for every patch -> [B, P]
    counts = jnp.sum(box, axis=(2, 3)).astype(jnp.int32)
    # tf.math.bincount(..., minlength=1, maxlength=s*s, axis=-1):
    # per-row bincount of length maxlength; values >= maxlength are dropped
    def row_bincount(row):
        return jnp.zeros((maxlength,), jnp.int32).at[row].add(1, mode='drop')
    hist = jax.vmap(row_bincount)(counts)  # [B, maxlength]
    probs = hist.astype(jnp.float32) / jnp.asarray(P, jnp.float32)
    # per-row normalization: row / sum(row)
    probs = probs / jnp.sum(probs, axis=1, keepdims=True)
    return probs


def setup_inputs(seed: int = 0) -> dict:
    key = jax.random.key(seed)
    inputs = jax.random.randint(key, (1, 1, 16, 4096, 16, 16), 0, 2, dtype=jnp.int32)
    return {"inputs": inputs}


def reference(inputs):
    color_distance_outputs = []
    for color_distance_input in inputs:  # iterate axis 0
        box_outputs = []
        for box_input in color_distance_input:  # iterate axis 1 -> [B, P, s, s]
            box_outputs.append(_process_box(box_input))
        color_distance_outputs.append(tuple(box_outputs))
    return tuple(color_distance_outputs)

if __name__ == "__main__":
    import jax
    _d = setup_inputs()
    print(jax.jit(kernel)(*tuple(_d.values())))

</pallas_src>

<mosaic_0001>
#map = affine_map<(d0, d1) -> (0, 0, 0, 0, 0, 0)>
#map1 = affine_map<(d0, d1) -> (0, 0)>
module attributes {stable_mosaic.version = 14 : i64} {
  func.func @_probs_sc(%arg0: i32, %arg1: i32, %arg2: memref<16x16x2x32x8x128xi32, #tpu.memory_space<hbm>>, %arg3: memref<16x256xf32, #tpu.memory_space<hbm>>, %arg4: memref<32x8x128xi32, #tpu.memory_space<vmem>>, %arg5: memref<32x8x128xi32, #tpu.memory_space<vmem>>, %arg6: memref<4096xi32, #tpu.memory_space<vmem>>, %arg7: memref<4096xi32, #tpu.memory_space<vmem>>, %arg8: memref<4096xi32, #tpu.memory_space<vmem>>, %arg9: memref<256xf32, #tpu.memory_space<vmem>>, %arg10: memref<16x4096xi32, #tpu.memory_space<vmem_shared>>, %arg11: memref<!tpu.dma_semaphore, #tpu.memory_space<semaphore_mem>>, %arg12: memref<!tpu.dma_semaphore, #tpu.memory_space<semaphore_mem>>) attributes {dimension_semantics = [#tpu.dimension_semantics<core_parallel>, #tpu.dimension_semantics<subcore_parallel>], iteration_bounds = array<i64: 2, 16>, scalar_prefetch = 0 : i64, scratch_operands = 9 : i64, tpu.core_type = #tpu.core_type<sc_vector_subcore>, window_params = [{transform_indices = #map}, {transform_indices = #map1}]} {
    %mul3A = arith.constant 16 : i32
    %mul3A_0 = arith.muli %arg0, %mul3A : i32
    %add3A = arith.addi %mul3A_0, %arg1 : i32
    %div3A = arith.constant 2 : i32
    %div3A_1 = arith.divsi %add3A, %div3A : i32
    %rem3A = arith.constant 2 : i32
    %rem3A_2 = arith.remsi %add3A, %rem3A : i32
    %iota3A = tpu.iota {dimensions = array<i32: 0>} : vector<16xi32>
    %mul3A_3 = arith.constant 256 : i32
    %mul3A_4 = vector.broadcast %mul3A_3 : i32 to vector<16xi32>
    %mul3A_5 = arith.muli %iota3A, %mul3A_4 : vector<16xi32>
    %broadcast_in_dim3A = arith.constant 1 : i32
    %broadcast_in_dim3A_6 = vector.broadcast %broadcast_in_dim3A : i32 to vector<16xi32>
    %broadcast_in_dim3A_7 = arith.constant 0 : i32
    %broadcast_in_dim3A_8 = vector.broadcast %broadcast_in_dim3A_7 : i32 to vector<16xi32>
    %scan3A = arith.constant 0 : i32
    %scan3A_9 = arith.constant 0 : i32
    %scan3A_10 = arith.constant 256 : i32
    %scan3A_11 = arith.addi %scan3A_9, %scan3A_10 : i32
    %scan3A_12 = arith.constant 1 : i32
    scf.for %scan3A_67 = %scan3A_9 to %scan3A_11 step %scan3A_12  : i32 {
      %mul3A_68 = arith.constant 16 : i32
      %mul3A_69 = arith.muli %scan3A_67, %mul3A_68 : i32
      %swap3A = arith.index_cast %mul3A_69 : i32 to index
      %swap3A_70 = tpu.vector_load %arg6[%swap3A] {strides = array<i32>} : memref<4096xi32, #tpu.memory_space<vmem>>, vector<16xi32>,
      tpu.vector_store %arg6[%swap3A], %broadcast_in_dim3A_8 {strides = array<i32>} : memref<4096xi32, #tpu.memory_space<vmem>>, vector<16xi32>,
    }
    %scan3A_13 = arith.constant 256 : i32
    %scan3A_14 = arith.constant 0 : i32
    %scan3A_15 = arith.constant 0 : i32
    %scan3A_16 = arith.constant 256 : i32
    %scan3A_17 = arith.addi %scan3A_15, %scan3A_16 : i32
    %scan3A_18 = arith.constant 1 : i32
    scf.for %scan3A_67 = %scan3A_15 to %scan3A_17 step %scan3A_18  : i32 {
      %mul3A_68 = arith.constant 16 : i32
      %mul3A_69 = arith.muli %scan3A_67, %mul3A_68 : i32
      %swap3A = arith.index_cast %mul3A_69 : i32 to index
      %swap3A_70 = tpu.vector_load %arg8[%swap3A] {strides = array<i32>} : memref<4096xi32, #tpu.memory_space<vmem>>, vector<16xi32>,
      tpu.vector_store %arg8[%swap3A], %broadcast_in_dim3A_8 {strides = array<i32>} : memref<4096xi32, #tpu.memory_space<vmem>>, vector<16xi32>,
    }
    %scan3A_19 = arith.constant 256 : i32
    %mul3A_20 = arith.constant 8 : i32
    %mul3A_21 = arith.muli %rem3A_2, %mul3A_20 : i32
    %div3A_22 = arith.constant 0 : i32
    %div3A_23 = arith.constant 2 : i32
    %div3A_24 = arith.divsi %div3A_22, %div3A_23 : i32
    %add3A_25 = arith.addi %mul3A_21, %div3A_24 : i32
    %rem3A_26 = arith.constant 0 : i32
    %rem3A_27 = arith.constant 2 : i32
    %rem3A_28 = arith.remsi %rem3A_26, %rem3A_27 : i32
    %dma_start3A = arith.constant 0 : i32
    %dma_start3A_29 = arith.constant 0 : i32
    %dma_start3A_30 = arith.constant 0 : i32
    %dma_start3A_31 = tpu.memref_slice %arg2[%div3A_1, %add3A_25, %rem3A_28, %dma_start3A, %dma_start3A_29, %dma_start3A_30] : memref<16x16x2x32x8x128xi32, #tpu.memory_space<hbm>> -> memref<1x1x1x32x8x128xi32, #tpu.memory_space<hbm>>
    %dma_start3A_32 = tpu.memref_squeeze %dma_start3A_31 : memref<1x1x1x32x8x128xi32, #tpu.memory_space<hbm>> -> memref<32x8x128xi32, #tpu.memory_space<hbm>>
    %dma_start3A_33 = arith.constant 0 : i32
    %dma_start3A_34 = arith.constant 0 : i32
    %dma_start3A_35 = arith.constant 0 : i32
    %dma_start3A_36 = tpu.memref_slice %arg2[%div3A_1, %add3A_25, %rem3A_28, %dma_start3A_33, %dma_start3A_34, %dma_start3A_35] : memref<16x16x2x32x8x128xi32, #tpu.memory_space<hbm>> -> memref<1x1x1x32x8x128xi32, #tpu.memory_space<hbm>>
    %dma_start3A_37 = tpu.memref_squeeze %dma_start3A_36 : memref<1x1x1x32x8x128xi32, #tpu.memory_space<hbm>> -> memref<32x8x128xi32, #tpu.memory_space<hbm>>
    tpu.enqueue_dma source(%dma_start3A_37 : memref<32x8x128xi32, #tpu.memory_space<hbm>>) target(%arg4 : memref<32x8x128xi32, #tpu.memory_space<vmem>>) target_semaphore(%arg11 : memref<!tpu.dma_semaphore, #tpu.memory_space<semaphore_mem>>)
    %mul3A_38 = arith.constant 8 : i32
    %mul3A_39 = arith.muli %rem3A_2, %mul3A_38 : i32
    %div3A_40 = arith.constant 1 : i32
    %div3A_41 = arith.constant 2 : i32
    %div3A_42 = arith.divsi %div3A_40, %div3A_41 : i32
    %add3A_43 = arith.addi %mul3A_39, %div3A_42 : i32
    %rem3A_44 = arith.constant 1 : i32
    %rem3A_45 = arith.constant 2 : i32
    %rem3A_46 = arith.remsi %rem3A_44, %rem3A_45 : i32
    %dma_start3A_47 = arith.constant 0 : i32
    %dma_start3A_48 = arith.constant 0 : i32
    %dma_start3A_49 = arith.constant 0 : i32
    %dma_start3A_50 = tpu.memref_slice %arg2[%div3A_1, %add3A_43, %rem3A_46, %dma_start3A_47, %dma_start3A_48, %dma_start3A_49] : memref<16x16x2x32x8x128xi32, #tpu.memory_space<hbm>> -> memref<1x1x1x32x8x128xi32, #tpu.memory_space<hbm>>
    %dma_start3A_51 = tpu.memref_squeeze %dma_start3A_50 : memref<1x1x1x32x8x128xi32, #tpu.memory_space<hbm>> -> memref<32x8x128xi32, #tpu.memory_space<hbm>>
    %dma_start3A_52 = arith.constant 0 : i32
    %dma_start3A_53 = arith.constant 0 : i32
    %dma_start3A_54 = arith.constant 0 : i32
    %dma_start3A_55 = tpu.memref_slice %arg2[%div3A_1, %add3A_43, %rem3A_46, %dma_start3A_52, %dma_start3A_53, %dma_start3A_54] : memref<16x16x2x32x8x128xi32, #tpu.memory_space<hbm>> -> memref<1x1x1x32x8x128xi32, #tpu.memory_space<hbm>>
    %dma_start3A_56 = tpu.memref_squeeze %dma_start3A_55 : memref<1x1x1x32x8x128xi32, #tpu.memory_space<hbm>> -> memref<32x8x128xi32, #tpu.memory_space<hbm>>
    tpu.enqueue_dma source(%dma_start3A_56 : memref<32x8x128xi32, #tpu.memory_space<hbm>>) target(%arg5 : memref<32x8x128xi32, #tpu.memory_space<vmem>>) target_semaphore(%arg12 : memref<!tpu.dma_semaphore, #tpu.memory_space<semaphore_mem>>)
    %scan3A_57 = arith.constant 0 : i32
    %scan3A_58 = arith.constant 0 : i32
    %scan3A_59 = arith.constant 8 : i32
    %scan3A_60 = arith.addi %scan3A_58, %scan3A_59 : i32
    %scan3A_61 = arith.constant 1 : i32
    scf.for %scan3A_67 = %scan3A_58 to %scan3A_60 step %scan3A_61  : i32 {
      %mul3A_68 = arith.constant 2 : i32
      %mul3A_69 = arith.muli %scan3A_67, %mul3A_68 : i32
      %dma_wait3A = arith.constant 0 : i32
      %dma_wait3A_70 = arith.constant 0 : i32
      %dma_wait3A_71 = arith.constant 0 : i32
      %dma_wait3A_72 = arith.constant 0 : i32
      %dma_wait3A_73 = arith.constant 0 : i32
      %dma_wait3A_74 = arith.constant 0 : i32
      %dma_wait3A_75 = tpu.memref_slice %arg2[%dma_wait3A, %dma_wait3A_70, %dma_wait3A_71, %dma_wait3A_72, %dma_wait3A_73, %dma_wait3A_74] : memref<16x16x2x32x8x128xi32, #tpu.memory_space<hbm>> -> memref<1x1x1x32x8x128xi32, #tpu.memory_space<hbm>>
      %dma_wait3A_76 = tpu.memref_squeeze %dma_wait3A_75 : memref<1x1x1x32x8x128xi32, #tpu.memory_space<hbm>> -> memref<32x8x128xi32, #tpu.memory_space<hbm>>
      %dma_wait3A_77 = arith.constant 0 : i32
      %dma_wait3A_78 = arith.constant 0 : i32
      %dma_wait3A_79 = arith.constant 0 : i32
      %dma_wait3A_80 = tpu.memref_slice %arg2[%dma_wait3A, %dma_wait3A_70, %dma_wait3A_71, %dma_wait3A_77, %dma_wait3A_78, %dma_wait3A_79] : memref<16x16x2x32x8x128xi32, #tpu.memory_space<hbm>> -> memref<1x1x1x32x8x128xi32, #tpu.memory_space<hbm>>
      %dma_wait3A_81 = tpu.memref_squeeze %dma_wait3A_80 : memref<1x1x1x32x8x128xi32, #tpu.memory_space<hbm>> -> memref<32x8x128xi32, #tpu.memory_space<hbm>>
      tpu.wait_dma2 semaphore(%arg11 : memref<!tpu.dma_semaphore, #tpu.memory_space<semaphore_mem>>) src(%dma_wait3A_81 : memref<32x8x128xi32, #tpu.memory_space<hbm>>) dst(%arg4 : memref<32x8x128xi32, #tpu.memory_space<vmem>>)
      %parallel_loop3A = arith.constant 0 : i32
      %parallel_loop3A_82 = arith.constant 32 : i32
      %parallel_loop3A_83 = arith.constant 1 : i32
      scf.for %parallel_loop3A_113 = %parallel_loop3A to %parallel_loop3A_82 step %parallel_loop3A_83  : i32 {
        %parallel_loop3A_114 = arith.constant 0 : i32
        %parallel_loop3A_115 = arith.index_cast %parallel_loop3A_113 : i32 to index
        %parallel_loop3A_116 = arith.index_cast %parallel_loop3A_114 : i32 to index
        %parallel_loop3A_117 = arith.constant 0 : index
        %parallel_loop3A_118 = tpu.vector_load %arg4[%parallel_loop3A_115, %parallel_loop3A_116, %parallel_loop3A_117] {strides = array<i32>} : memref<32x8x128xi32, #tpu.memory_space<vmem>>, vector<16xi32>,
        %parallel_loop3A_119 = arith.constant 1 : i32
        %parallel_loop3A_120 = arith.index_cast %parallel_loop3A_113 : i32 to index
        %parallel_loop3A_121 = arith.index_cast %parallel_loop3A_119 : i32 to index
        %parallel_loop3A_122 = arith.constant 0 : index
        %parallel_loop3A_123 = tpu.vector_load %arg4[%parallel_loop3A_120, %parallel_loop3A_121, %parallel_loop3A_122] {strides = array<i32>} : memref<32x8x128xi32, #tpu.memory_space<vmem>>, vector<16xi32>,
        %parallel_loop3A_124 = arith.constant 2 : i32
        %parallel_loop3A_125 = arith.index_cast %parallel_loop3A_113 : i32 to index
        %parallel_loop3A_126 = arith.index_cast %parallel_loop3A_124 : i32 to index
        %parallel_loop3A_127 = arith.constant 0 : index
        %parallel_loop3A_128 = tpu.vector_load %arg4[%parallel_loop3A_125, %parallel_loop3A_126, %parallel_loop3A_127] {strides = array<i32>} : memref<32x8x128xi32, #tpu.memory_space<vmem>>, vector<16xi32>,
        %parallel_loop3A_129 = arith.constant 3 : i32
        %parallel_loop3A_130 = arith.index_cast %parallel_loop3A_113 : i32 to index
        %parallel_loop3A_131 = arith.index_cast %parallel_loop3A_129 : i32 to index
        %parallel_loop3A_132 = arith.constant 0 : index
        %parallel_loop3A_133 = tpu.vector_load %arg4[%parallel_loop3A_130, %parallel_loop3A_131, %parallel_loop3A_132] {strides = array<i32>} : memref<32x8x128xi32, #tpu.memory_space<vmem>>, vector<16xi32>,
        %parallel_loop3A_134 = arith.constant 4 : i32
        %parallel_loop3A_135 = arith.index_cast %parallel_loop3A_113 : i32 to index
        %parallel_loop3A_136 = arith.index_cast %parallel_loop3A_134 : i32 to index
        %parallel_loop3A_137 = arith.constant 0 : index
        %parallel_loop3A_138 = tpu.vector_load %arg4[%parallel_loop3A_135, %parallel_loop3A_136, %parallel_loop3A_137] {strides = array<i32>} : memref<32x8x128xi32, #tpu.memory_space<vmem>>, vector<16xi32>,
        %parallel_loop3A_139 = arith.constant 5 : i32
        %parallel_loop3A_140 = arith.index_cast %parallel_loop3A_113 : i32 to index
        %parallel_loop3A_141 = arith.index_cast %parallel_loop3A_139 : i32 to index
        %parallel_loop3A_142 = arith.constant 0 : index
        %parallel_loop3A_143 = tpu.vector_load %arg4[%parallel_loop3A_140, %parallel_loop3A_141, %parallel_loop3A_142] {strides = array<i32>} : memref<32x8x128xi32, #tpu.memory_space<vmem>>, vector<16xi32>,
        %parallel_loop3A_144 = arith.constant 6 : i32
        %parallel_loop3A_145 = arith.index_cast %parallel_loop3A_113 : i32 to index
        %parallel_loop3A_146 = arith.index_cast %parallel_loop3A_144 : i32 to index
        %parallel_loop3A_147 = arith.constant 0 : index
        %parallel_loop3A_148 = tpu.vector_load %arg4[%parallel_loop3A_145, %parallel_loop3A_146, %parallel_loop3A_147] {strides = array<i32>} : memref<32x8x128xi32, #tpu.memory_space<vmem>>, vector<16xi32>,
        %parallel_loop3A_149 = arith.constant 7 : i32
        %parallel_loop3A_150 = arith.index_cast %parallel_loop3A_113 : i32 to index
        %parallel_loop3A_151 = arith.index_cast %parallel_loop3A_149 : i32 to index
        %parallel_loop3A_152 = arith.constant 0 : index
        %parallel_loop3A_153 = tpu.vector_load %arg4[%parallel_loop3A_150, %parallel_loop3A_151, %parallel_loop3A_152] {strides = array<i32>} : memref<32x8x128xi32, #tpu.memory_space<vmem>>, vector<16xi32>,
        %parallel_loop3A_154 = arith.addi %parallel_loop3A_118, %parallel_loop3A_123 : vector<16xi32>
        %parallel_loop3A_155 = arith.addi %parallel_loop3A_128, %parallel_loop3A_133 : vector<16xi32>
        %parallel_loop3A_156 = arith.addi %parallel_loop3A_138, %parallel_loop3A_143 : vector<16xi32>
        %parallel_loop3A_157 = arith.addi %parallel_loop3A_148, %parallel_loop3A_153 : vector<16xi32>
        %parallel_loop3A_158 = arith.addi %parallel_loop3A_154, %parallel_loop3A_155 : vector<16xi32>
        %parallel_loop3A_159 = arith.addi %parallel_loop3A_156, %parallel_loop3A_157 : vector<16xi32>
        %parallel_loop3A_160 = arith.addi %parallel_loop3A_158, %parallel_loop3A_159 : vector<16xi32>
        %parallel_loop3A_161 = arith.constant 128 : i32
        %parallel_loop3A_162 = arith.muli %parallel_loop3A_113, %parallel_loop3A_161 : i32
        %parallel_loop3A_163 = arith.constant 0 : i32
        %parallel_loop3A_164 = arith.addi %parallel_loop3A_162, %parallel_loop3A_163 : i32
        %parallel_loop3A_165 = arith.index_cast %parallel_loop3A_164 : i32 to index
        %parallel_loop3A_166 = tpu.vector_load %arg6[%parallel_loop3A_165] {strides = array<i32>} : memref<4096xi32, #tpu.memory_space<vmem>>, vector<16xi32>,
        %parallel_loop3A_167 = arith.addi %parallel_loop3A_166, %parallel_loop3A_160 : vector<16xi32>
        %parallel_loop3A_168 = arith.index_cast %parallel_loop3A_164 : i32 to index
        %parallel_loop3A_169 = tpu.vector_load %arg6[%parallel_loop3A_168] {strides = array<i32>} : memref<4096xi32, #tpu.memory_space<vmem>>, vector<16xi32>,
        tpu.vector_store %arg6[%parallel_loop3A_168], %parallel_loop3A_167 {strides = array<i32>} : memref<4096xi32, #tpu.memory_space<vmem>>, vector<16xi32>,
        %parallel_loop3A_170 = arith.constant 0 : i32
        %parallel_loop3A_171 = arith.index_cast %parallel_loop3A_113 : i32 to index
        %parallel_loop3A_172 = arith.index_cast %parallel_loop3A_170 : i32 to index
        %parallel_loop3A_173 = arith.constant 16 : index
        %parallel_loop3A_174 = tpu.vector_load %arg4[%parallel_loop3A_171, %parallel_loop3A_172, %parallel_loop3A_173] {strides = array<i32>} : memref<32x8x128xi32, #tpu.memory_space<vmem>>, vector<16xi32>,
        %parallel_loop3A_175 = arith.constant 1 : i32
        %parallel_loop3A_176 = arith.index_cast %parallel_loop3A_113 : i32 to index
        %parallel_loop3A_177 = arith.index_cast %parallel_loop3A_175 : i32 to index
        %parallel_loop3A_178 = arith.constant 16 : index
        %parallel_loop3A_179 = tpu.vector_load %arg4[%parallel_loop3A_176, %parallel_loop3A_177, %parallel_loop3A_178] {strides = array<i32>} : memref<32x8x128xi32, #tpu.memory_space<vmem>>, vector<16xi32>,
        %parallel_loop3A_180 = arith.constant 2 : i32
        %parallel_loop3A_181 = arith.index_cast %parallel_loop3A_113 : i32 to index
        %parallel_loop3A_182 = arith.index_cast %parallel_loop3A_180 : i32 to index
        %parallel_loop3A_183 = arith.constant 16 : index
        %parallel_loop3A_184 = tpu.vector_load %arg4[%parallel_loop3A_181, %parallel_loop3A_182, %parallel_loop3A_183] {strides = array<i32>} : memref<32x8x128xi32, #tpu.memory_space<vmem>>, vector<16xi32>,
        %parallel_loop3A_185 = arith.constant 3 : i32
        %parallel_loop3A_186 = arith.index_cast %parallel_loop3A_113 : i32 to index
        %parallel_loop3A_187 = arith.index_cast %parallel_loop3A_185 : i32 to index
        %parallel_loop3A_188 = arith.constant 16 : index
        %parallel_loop3A_189 = tpu.vector_load %arg4[%parallel_loop3A_186, %parallel_loop3A_187, %parallel_loop3A_188] {strides = array<i32>} : memref<32x8x128xi32, #tpu.memory_space<vmem>>, vector<16xi32>,
        %parallel_loop3A_190 = arith.constant 4 : i32
        %parallel_loop3A_191 = arith.index_cast %parallel_loop3A_113 : i32 to index
        %parallel_loop3A_192 = arith.index_cast %parallel_loop3A_190 : i32 to index
        %parallel_loop3A_193 = arith.constant 16 : index
        %parallel_loop3A_194 = tpu.vector_load %arg4[%parallel_loop3A_191, %parallel_loop3A_192, %parallel_loop3A_193] {strides = array<i32>} : memref<32x8x128xi32, #tpu.memory_space<vmem>>, vector<16xi32>,
        %parallel_loop3A_195 = arith.constant 5 : i32
        %parallel_loop3A_196 = arith.index_cast %parallel_loop3A_113 : i32 to index
        %parallel_loop3A_197 = arith.index_cast %parallel_loop3A_195 : i32 to index
        %parallel_loop3A_198 = arith.constant 16 : index
        %parallel_loop3A_199 = tpu.vector_load %arg4[%parallel_loop3A_196, %parallel_loop3A_197, %parallel_loop3A_198] {strides = array<i32>} : memref<32x8x128xi32, #tpu.memory_space<vmem>>, vector<16xi32>,
        %parallel_loop3A_200 = arith.constant 6 : i32
        %parallel_loop3A_201 = arith.index_cast %parallel_loop3A_113 : i32 to index
        %parallel_loop3A_202 = arith.index_cast %parallel_loop3A_200 : i32 to index
        %parallel_loop3A_203 = arith.constant 16 : index
        %parallel_loop3A_204 = tpu.vector_load %arg4[%parallel_loop3A_201, %parallel_loop3A_202, %parallel_loop3A_203] {strides = array<i32>} : memref<32x8x128xi32, #tpu.memory_space<vmem>>, vector<16xi32>,
        %parallel_loop3A_205 = arith.constant 7 : i32
        %parallel_loop3A_206 = arith.index_cast %parallel_loop3A_113 : i32 to index
        %parallel_loop3A_207 = arith.index_cast %parallel_loop3A_205 : i32 to index
        %parallel_loop3A_208 = arith.constant 16 : index
        %parallel_loop3A_209 = tpu.vector_load %arg4[%parallel_loop3A_206, %parallel_loop3A_207, %parallel_loop3A_208] {strides = array<i32>} : memref<32x8x128xi32, #tpu.memory_space<vmem>>, vector<16xi32>,
        %parallel_loop3A_210 = arith.addi %parallel_loop3A_174, %parallel_loop3A_179 : vector<16xi32>
        %parallel_loop3A_211 = arith.addi %parallel_loop3A_184, %parallel_loop3A_189 : vector<16xi32>
        %parallel_loop3A_212 = arith.addi %parallel_loop3A_194, %parallel_loop3A_199 : vector<16xi32>
        %parallel_loop3A_213 = arith.addi %parallel_loop3A_204, %parallel_loop3A_209 : vector<16xi32>
        %parallel_loop3A_214 = arith.addi %parallel_loop3A_210, %parallel_loop3A_211 : vector<16xi32>
        %parallel_loop3A_215 = arith.addi %parallel_loop3A_212, %parallel_loop3A_213 : vector<16xi32>
        %parallel_loop3A_216 = arith.addi %parallel_loop3A_214, %parallel_loop3A_215 : vector<16xi32>
        %parallel_loop3A_217 = arith.constant 128 : i32
        %parallel_loop3A_218 = arith.muli %parallel_loop3A_113, %parallel_loop3A_217 : i32
        %parallel_loop3A_219 = arith.constant 16 : i32
        %parallel_loop3A_220 = arith.addi %parallel_loop3A_218, %parallel_loop3A_219 : i32
        %parallel_loop3A_221 = arith.index_cast %parallel_loop3A_220 : i32 to index
        %parallel_loop3A_222 = tpu.vector_load %arg6[%parallel_loop3A_221] {strides = array<i32>} : memref<4096xi32, #tpu.memory_space<vmem>>, vector<16xi32>,
        %parallel_loop3A_223 = arith.addi %parallel_loop3A_222, %parallel_loop3A_216 : vector<16xi32>
        %parallel_loop3A_224 = arith.index_cast %parallel_loop3A_220 : i32 to index
        %parallel_loop3A_225 = tpu.vector_load %arg6[%parallel_loop3A_224] {strides = array<i32>} : memref<4096xi32, #tpu.memory_space<vmem>>, vector<16xi32>,
        tpu.vector_store %arg6[%parallel_loop3A_224], %parallel_loop3A_223 {strides = array<i32>} : memref<4096xi32, #tpu.memory_space<vmem>>, vector<16xi32>,
        %parallel_loop3A_226 = arith.constant 0 : i32
        %parallel_loop3A_227 = arith.index_cast %parallel_loop3A_113 : i32 to index
        %parallel_loop3A_228 = arith.index_cast %parallel_loop3A_226 : i32 to index
        %parallel_loop3A_229 = arith.constant 32 : index
        %parallel_loop3A_230 = tpu.vector_load %arg4[%parallel_loop3A_227, %parallel_loop3A_228, %parallel_loop3A_229] {strides = array<i32>} : memref<32x8x128xi32, #tpu.memory_space<vmem>>, vector<16xi32>,
        %parallel_loop3A_231 = arith.constant 1 : i32
        %parallel_loop3A_232 = arith.index_cast %parallel_loop3A_113 : i32 to index
        %parallel_loop3A_233 = arith.index_cast %parallel_loop3A_231 : i32 to index
        %parallel_loop3A_234 = arith.constant 32 : index
        %parallel_loop3A_235 = tpu.vector_load %arg4[%parallel_loop3A_232, %parallel_loop3A_233, %parallel_loop3A_234] {strides = array<i32>} : memref<32x8x128xi32, #tpu.memory_space<vmem>>, vector<16xi32>,
        %parallel_loop3A_236 = arith.constant 2 : i32
        %parallel_loop3A_237 = arith.index_cast %parallel_loop3A_113 : i32 to index
        %parallel_loop3A_238 = arith.index_cast %parallel_loop3A_236 : i32 to index
        %parallel_loop3A_239 = arith.constant 32 : index
        %parallel_loop3A_240 = tpu.vector_load %arg4[%parallel_loop3A_237, %parallel_loop3A_238, %parallel_loop3A_239] {strides = array<i32>} : memref<32x8x128xi32, #tpu.memory_space<vmem>>, vector<16xi32>,
        %parallel_loop3A_241 = arith.constant 3 : i32
        %parallel_loop3A_242 = arith.index_cast %parallel_loop3A_113 : i32 to index
        %parallel_loop3A_243 = arith.index_cast %parallel_loop3A_241 : i32 to index
        %parallel_loop3A_244 = arith.constant 32 : index
        %parallel_loop3A_245 = tpu.vector_load %arg4[%parallel_loop3A_242, %parallel_loop3A_243, %parallel_loop3A_244] {strides = array<i32>} : memref<32x8x128xi32, #tpu.memory_space<vmem>>, vector<16xi32>,
        %parallel_loop3A_246 = arith.constant 4 : i32
        %parallel_loop3A_247 = arith.index_cast %parallel_loop3A_113 : i32 to index
        %parallel_loop3A_248 = arith.index_cast %parallel_loop3A_246 : i32 to index
        %parallel_loop3A_249 = arith.constant 32 : index
        %parallel_loop3A_250 = tpu.vector_load %arg4[%parallel_loop3A_247, %parallel_loop3A_248, %parallel_loop3A_249] {strides = array<i32>} : memref<32x8x128xi32, #tpu.memory_space<vmem>>, vector<16xi32>,
        %parallel_loop3A_251 = arith.constant 5 : i32
        %parallel_loop3A_252 = arith.index_cast %parallel_loop3A_113 : i32 to index
        %parallel_loop3A_253 = arith.index_cast %parallel_loop3A_251 : i32 to index
        %parallel_loop3A_254 = arith.constant 32 : index
        %parallel_loop3A_255 = tpu.vector_load %arg4[%parallel_loop3A_252, %parallel_loop3A_253, %parallel_loop3A_254] {strides = array<i32>} : memref<32x8x128xi32, #tpu.memory_space<vmem>>, vector<16xi32>,
        %parallel_loop3A_256 = arith.constant 6 : i32
        %parallel_loop3A_257 = arith.index_cast %parallel_loop3A_113 : i32 to index
        %parallel_loop3A_258 = arith.index_cast %parallel_loop3A_256 : i32 to index
        %parallel_loop3A_259 = arith.constant 32 : index
        %parallel_loop3A_260 = tpu.vector_load %arg4[%parallel_loop3A_257, %parallel_loop3A_258, %parallel_loop3A_259] {strides = array<i32>} : memref<32x8x128xi32, #tpu.memory_space<vmem>>, vector<16xi32>,
        %parallel_loop3A_261 = arith.constant 7 : i32
        %parallel_loop3A_262 = arith.index_cast %parallel_loop3A_113 : i32 to index
        %parallel_loop3A_263 = arith.index_cast %parallel_loop3A_261 : i32 to index
        %parallel_loop3A_264 = arith.constant 32 : index
        %parallel_loop3A_265 = tpu.vector_load %arg4[%parallel_loop3A_262, %parallel_loop3A_263, %parallel_loop3A_264] {strides = array<i32>} : memref<32x8x128xi32, #tpu.memory_space<vmem>>, vector<16xi32>,
        %parallel_loop3A_266 = arith.addi %parallel_loop3A_230, %parallel_loop3A_235 : vector<16xi32>
        %parallel_loop3A_267 = arith.addi %parallel_loop3A_240, %parallel_loop3A_245 : vector<16xi32>
        %parallel_loop3A_268 = arith.addi %parallel_loop3A_250, %parallel_loop3A_255 : vector<16xi32>
        %parallel_loop3A_269 = arith.addi %parallel_loop3A_260, %parallel_loop3A_265 : vector<16xi32>
        %parallel_loop3A_270 = arith.addi %parallel_loop3A_266, %parallel_loop3A_267 : vector<16xi32>
        %parallel_loop3A_271 = arith.addi %parallel_loop3A_268, %parallel_loop3A_269 : vector<16xi32>
        %parallel_loop3A_272 = arith.addi %parallel_loop3A_270, %parallel_loop3A_271 : vector<16xi32>
        %parallel_loop3A_273 = arith.constant 128 : i32
        %parallel_loop3A_274 = arith.muli %parallel_loop3A_113, %parallel_loop3A_273 : i32
        %parallel_loop3A_275 = arith.constant 32 : i32
        %parallel_loop3A_276 = arith.addi %parallel_loop3A_274, %parallel_loop3A_275 : i32
        %parallel_loop3A_277 = arith.index_cast %parallel_loop3A_276 : i32 to index
        %parallel_loop3A_278 = tpu.vector_load %arg6[%parallel_loop3A_277] {strides = array<i32>} : memref<4096xi32, #tpu.memory_space<vmem>>, vector<16xi32>,
        %parallel_loop3A_279 = arith.addi %parallel_loop3A_278, %parallel_loop3A_272 : vector<16xi32>
        %parallel_loop3A_280 = arith.index_cast %parallel_loop3A_276 : i32 to index
        %parallel_loop3A_281 = tpu.vector_load %arg6[%parallel_loop3A_280] {strides = array<i32>} : memref<4096xi32, #tpu.memory_space<vmem>>, vector<16xi32>,
        tpu.vector_store %arg6[%parallel_loop3A_280], %parallel_loop3A_279 {strides = array<i32>} : memref<4096xi32, #tpu.memory_space<vmem>>, vector<16xi32>,
        %parallel_loop3A_282 = arith.constant 0 : i32
        %parallel_loop3A_283 = arith.index_cast %parallel_loop3A_113 : i32 to index
        %parallel_loop3A_284 = arith.index_cast %parallel_loop3A_282 : i32 to index
        %parallel_loop3A_285 = arith.constant 48 : index
        %parallel_loop3A_286 = tpu.vector_load %arg4[%parallel_loop3A_283, %parallel_loop3A_284, %parallel_loop3A_285] {strides = array<i32>} : memref<32x8x128xi32, #tpu.memory_space<vmem>>, vector<16xi32>,
        %parallel_loop3A_287 = arith.constant 1 : i32
        %parallel_loop3A_288 = arith.index_cast %parallel_loop3A_113 : i32 to index
        %parallel_loop3A_289 = arith.index_cast %parallel_loop3A_287 : i32 to index
        %parallel_loop3A_290 = arith.constant 48 : index
        %parallel_loop3A_291 = tpu.vector_load %arg4[%parallel_loop3A_288, %parallel_loop3A_289, %parallel_loop3A_290] {strides = array<i32>} : memref<32x8x128xi32, #tpu.memory_space<vmem>>, vector<16xi32>,
        %parallel_loop3A_292 = arith.constant 2 : i32
        %parallel_loop3A_293 = arith.index_cast %parallel_loop3A_113 : i32 to index
        %parallel_loop3A_294 = arith.index_cast %parallel_loop3A_292 : i32 to index
        %parallel_loop3A_295 = arith.constant 48 : index
        %parallel_loop3A_296 = tpu.vector_load %arg4[%parallel_loop3A_293, %parallel_loop3A_294, %parallel_loop3A_295] {strides = array<i32>} : memref<32x8x128xi32, #tpu.memory_space<vmem>>, vector<16xi32>,
        %parallel_loop3A_297 = arith.constant 3 : i32
        %parallel_loop3A_298 = arith.index_cast %parallel_loop3A_113 : i32 to index
        %parallel_loop3A_299 = arith.index_cast %parallel_loop3A_297 : i32 to index
        %parallel_loop3A_300 = arith.constant 48 : index
        %parallel_loop3A_301 = tpu.vector_load %arg4[%parallel_loop3A_298, %parallel_loop3A_299, %parallel_loop3A_300] {strides = array<i32>} : memref<32x8x128xi32, #tpu.memory_space<vmem>>, vector<16xi32>,
        %parallel_loop3A_302 = arith.constant 4 : i32
        %parallel_loop3A_303 = arith.index_cast %parallel_loop3A_113 : i32 to index
        %parallel_loop3A_304 = arith.index_cast %parallel_loop3A_302 : i32 to index
        %parallel_loop3A_305 = arith.constant 48 : index
        %parallel_loop3A_306 = tpu.vector_load %arg4[%parallel_loop3A_303, %parallel_loop3A_304, %parallel_loop3A_305] {strides = array<i32>} : memref<32x8x128xi32, #tpu.memory_space<vmem>>, vector<16xi32>,
        %parallel_loop3A_307 = arith.constant 5 : i32
        %parallel_loop3A_308 = arith.index_cast %parallel_loop3A_113 : i32 to index
        %parallel_loop3A_309 = arith.index_cast %parallel_loop3A_307 : i32 to index
        %parallel_loop3A_310 = arith.constant 48 : index
        %parallel_loop3A_311 = tpu.vector_load %arg4[%parallel_loop3A_308, %parallel_loop3A_309, %parallel_loop3A_310] {strides = array<i32>} : memref<32x8x128xi32, #tpu.memory_space<vmem>>, vector<16xi32>,
        %parallel_loop3A_312 = arith.constant 6 : i32
        %parallel_loop3A_313 = arith.index_cast %parallel_loop3A_113 : i32 to index
        %parallel_loop3A_314 = arith.index_cast %parallel_loop3A_312 : i32 to index
        %parallel_loop3A_315 = arith.constant 48 : index
        %parallel_loop3A_316 = tpu.vector_load %arg4[%parallel_loop3A_313, %parallel_loop3A_314, %parallel_loop3A_315] {strides = array<i32>} : memref<32x8x128xi32, #tpu.memory_space<vmem>>, vector<16xi32>,
        %parallel_loop3A_317 = arith.constant 7 : i32
        %parallel_loop3A_318 = arith.index_cast %parallel_loop3A_113 : i32 to index
        %parallel_loop3A_319 = arith.index_cast %parallel_loop3A_317 : i32 to index
        %parallel_loop3A_320 = arith.constant 48 : index
        %parallel_loop3A_321 = tpu.vector_load %arg4[%parallel_loop3A_318, %parallel_loop3A_319, %parallel_loop3A_320] {strides = array<i32>} : memref<32x8x128xi32, #tpu.memory_space<vmem>>, vector<16xi32>,
        %parallel_loop3A_322 = arith.addi %parallel_loop3A_286, %parallel_loop3A_291 : vector<16xi32>
        %parallel_loop3A_323 = arith.addi %parallel_loop3A_296, %parallel_loop3A_301 : vector<16xi32>
        %parallel_loop3A_324 = arith.addi %parallel_loop3A_306, %parallel_loop3A_311 : vector<16xi32>
        %parallel_loop3A_325 = arith.addi %parallel_loop3A_316, %parallel_loop3A_321 : vector<16xi32>
        %parallel_loop3A_326 = arith.addi %parallel_loop3A_322, %parallel_loop3A_323 : vector<16xi32>
        %parallel_loop3A_327 = arith.addi %parallel_loop3A_324, %parallel_loop3A_325 : vector<16xi32>
        %parallel_loop3A_328 = arith.addi %parallel_loop3A_326, %parallel_loop3A_327 : vector<16xi32>
        %parallel_loop3A_329 = arith.constant 128 : i32
        %parallel_loop3A_330 = arith.muli %parallel_loop3A_113, %parallel_loop3A_329 : i32
        %parallel_loop3A_331 = arith.constant 48 : i32
        %parallel_loop3A_332 = arith.addi %parallel_loop3A_330, %parallel_loop3A_331 : i32
        %parallel_loop3A_333 = arith.index_cast %parallel_loop3A_332 : i32 to index
        %parallel_loop3A_334 = tpu.vector_load %arg6[%parallel_loop3A_333] {strides = array<i32>} : memref<4096xi32, #tpu.memory_space<vmem>>, vector<16xi32>,
        %parallel_loop3A_335 = arith.addi %parallel_loop3A_334, %parallel_loop3A_328 : vector<16xi32>
        %parallel_loop3A_336 = arith.index_cast %parallel_loop3A_332 : i32 to index
        %parallel_loop3A_337 = tpu.vector_load %arg6[%parallel_loop3A_336] {strides = array<i32>} : memref<4096xi32, #tpu.memory_space<vmem>>, vector<16xi32>,
        tpu.vector_store %arg6[%parallel_loop3A_336], %parallel_loop3A_335 {strides = array<i32>} : memref<4096xi32, #tpu.memory_space<vmem>>, vector<16xi32>,
        %parallel_loop3A_338 = arith.constant 0 : i32
        %parallel_loop3A_339 = arith.index_cast %parallel_loop3A_113 : i32 to index
        %parallel_loop3A_340 = arith.index_cast %parallel_loop3A_338 : i32 to index
        %parallel_loop3A_341 = arith.constant 64 : index
        %parallel_loop3A_342 = tpu.vector_load %arg4[%parallel_loop3A_339, %parallel_loop3A_340, %parallel_loop3A_341] {strides = array<i32>} : memref<32x8x128xi32, #tpu.memory_space<vmem>>, vector<16xi32>,
        %parallel_loop3A_343 = arith.constant 1 : i32
        %parallel_loop3A_344 = arith.index_cast %parallel_loop3A_113 : i32 to index
        %parallel_loop3A_345 = arith.index_cast %parallel_loop3A_343 : i32 to index
        %parallel_loop3A_346 = arith.constant 64 : index
        %parallel_loop3A_347 = tpu.vector_load %arg4[%parallel_loop3A_344, %parallel_loop3A_345, %parallel_loop3A_346] {strides = array<i32>} : memref<32x8x128xi32, #tpu.memory_space<vmem>>, vector<16xi32>,
        %parallel_loop3A_348 = arith.constant 2 : i32
        %parallel_loop3A_349 = arith.index_cast %parallel_loop3A_113 : i32 to index
        %parallel_loop3A_350 = arith.index_cast %parallel_loop3A_348 : i32 to index
        %parallel_loop3A_351 = arith.constant 64 : index
        %parallel_loop3A_352 = tpu.vector_load %arg4[%parallel_loop3A_349, %parallel_loop3A_350, %parallel_loop3A_351] {strides = array<i32>} : memref<32x8x128xi32, #tpu.memory_space<vmem>>, vector<16xi32>,
        %parallel_loop3A_353 = arith.constant 3 : i32
        %parallel_loop3A_354 = arith.index_cast %parallel_loop3A_113 : i32 to index
        %parallel_loop3A_355 = arith.index_cast %parallel_loop3A_353 : i32 to index
        %parallel_loop3A_356 = arith.constant 64 : index
        %parallel_loop3A_357 = tpu.vector_load %arg4[%parallel_loop3A_354, %parallel_loop3A_355, %parallel_loop3A_356] {strides = array<i32>} : memref<32x8x128xi32, #tpu.memory_space<vmem>>, vector<16xi32>,
        %parallel_loop3A_358 = arith.constant 4 : i32
        %parallel_loop3A_359 = arith.index_cast %parallel_loop3A_113 : i32 to index
        %parallel_loop3A_360 = arith.index_cast %parallel_loop3A_358 : i32 to index
        %parallel_loop3A_361 = arith.constant 64 : index
        %parallel_loop3A_362 = tpu.vector_load %arg4[%parallel_loop3A_359, %parallel_loop3A_360, %parallel_loop3A_361] {strides = array<i32>} : memref<32x8x128xi32, #tpu.memory_space<vmem>>, vector<16xi32>,
        %parallel_loop3A_363 = arith.constant 5 : i32
        %parallel_loop3A_364 = arith.index_cast %parallel_loop3A_113 : i32 to index
        %parallel_loop3A_365 = arith.index_cast %parallel_loop3A_363 : i32 to index
        %parallel_loop3A_366 = arith.constant 64 : index
        %parallel_loop3A_367 = tpu.vector_load %arg4[%parallel_loop3A_364, %parallel_loop3A_365, %parallel_loop3A_366] {strides = array<i32>} : memref<32x8x128xi32, #tpu.memory_space<vmem>>, vector<16xi32>,
        %parallel_loop3A_368 = arith.constant 6 : i32
        %parallel_loop3A_369 = arith.index_cast %parallel_loop3A_113 : i32 to index
        %parallel_loop3A_370 = arith.index_cast %parallel_loop3A_368 : i32 to index
        %parallel_loop3A_371 = arith.constant 64 : index
        %parallel_loop3A_372 = tpu.vector_load %arg4[%parallel_loop3A_369, %parallel_loop3A_370, %parallel_loop3A_371] {strides = array<i32>} : memref<32x8x128xi32, #tpu.memory_space<vmem>>, vector<16xi32>,
        %parallel_loop3A_373 = arith.constant 7 : i32
        %parallel_loop3A_374 = arith.index_cast %parallel_loop3A_113 : i32 to index
        %parallel_loop3A_375 = arith.index_cast %parallel_loop3A_373 : i32 to index
        %parallel_loop3A_376 = arith.constant 64 : index
        %parallel_loop3A_377 = tpu.vector_load %arg4[%parallel_loop3A_374, %parallel_loop3A_375, %parallel_loop3A_376] {strides = array<i32>} : memref<32x8x128xi32, #tpu.memory_space<vmem>>, vector<16xi32>,
        %parallel_loop3A_378 = arith.addi %parallel_loop3A_342, %parallel_loop3A_347 : vector<16xi32>
        %parallel_loop3A_379 = arith.addi %parallel_loop3A_352, %parallel_loop3A_357 : vector<16xi32>
        %parallel_loop3A_380 = arith.addi %parallel_loop3A_362, %parallel_loop3A_367 : vector<16xi32>
        %parallel_loop3A_381 = arith.addi %parallel_loop3A_372, %parallel_loop3A_377 : vector<16xi32>
        %parallel_loop3A_382 = arith.addi %parallel_loop3A_378, %parallel_loop3A_379 : vector<16xi32>
        %parallel_loop3A_383 = arith.addi %parallel_loop3A_380, %parallel_loop3A_381 : vector<16xi32>
        %parallel_loop3A_384 = arith.addi %parallel_loop3A_382, %parallel_loop3A_383 : vector<16xi32>
        %parallel_loop3A_385 = arith.constant 128 : i32
        %parallel_loop3A_386 = arith.muli %parallel_loop3A_113, %parallel_loop3A_385 : i32
        %parallel_loop3A_387 = arith.constant 64 : i32
        %parallel_loop3A_388 = arith.addi %parallel_loop3A_386, %parallel_loop3A_387 : i32
        %parallel_loop3A_389 = arith.index_cast %parallel_loop3A_388 : i32 to index
        %parallel_loop3A_390 = tpu.vector_load %arg6[%parallel_loop3A_389] {strides = array<i32>} : memref<4096xi32, #tpu.memory_space<vmem>>, vector<16xi32>,
        %parallel_loop3A_391 = arith.addi %parallel_loop3A_390, %parallel_loop3A_384 : vector<16xi32>
        %parallel_loop3A_392 = arith.index_cast %parallel_loop3A_388 : i32 to index
        %parallel_loop3A_393 = tpu.vector_load %arg6[%parallel_loop3A_392] {strides = array<i32>} : memref<4096xi32, #tpu.memory_space<vmem>>, vector<16xi32>,
        tpu.vector_store %arg6[%parallel_loop3A_392], %parallel_loop3A_391 {strides = array<i32>} : memref<4096xi32, #tpu.memory_space<vmem>>, vector<16xi32>,
        %parallel_loop3A_394 = arith.constant 0 : i32
        %parallel_loop3A_395 = arith.index_cast %parallel_loop3A_113 : i32 to index
        %parallel_loop3A_396 = arith.index_cast %parallel_loop3A_394 : i32 to index
        %parallel_loop3A_397 = arith.constant 80 : index
        %parallel_loop3A_398 = tpu.vector_load %arg4[%parallel_loop3A_395, %parallel_loop3A_396, %parallel_loop3A_397] {strides = array<i32>} : memref<32x8x128xi32, #tpu.memory_space<vmem>>, vector<16xi32>,
        %parallel_loop3A_399 = arith.constant 1 : i32
        %parallel_loop3A_400 = arith.index_cast %parallel_loop3A_113 : i32 to index
        %parallel_loop3A_401 = arith.index_cast %parallel_loop3A_399 : i32 to index
        %parallel_loop3A_402 = arith.constant 80 : index
        %parallel_loop3A_403 = tpu.vector_load %arg4[%parallel_loop3A_400, %parallel_loop3A_401, %parallel_loop3A_402] {strides = array<i32>} : memref<32x8x128xi32, #tpu.memory_space<vmem>>, vector<16xi32>,
        %parallel_loop3A_404 = arith.constant 2 : i32
        %parallel_loop3A_405 = arith.index_cast %parallel_loop3A_113 : i32 to index
        %parallel_loop3A_406 = arith.index_cast %parallel_loop3A_404 : i32 to index
        %parallel_loop3A_407 = arith.constant 80 : index
        %parallel_loop3A_408 = tpu.vector_load %arg4[%parallel_loop3A_405, %parallel_loop3A_406, %parallel_loop3A_407] {strides = array<i32>} : memref<32x8x128xi32, #tpu.memory_space<vmem>>, vector<16xi32>,
        %parallel_loop3A_409 = arith.constant 3 : i32
        %parallel_loop3A_410 = arith.index_cast %parallel_loop3A_113 : i32 to index
        %parallel_loop3A_411 = arith.index_cast %parallel_loop3A_409 : i32 to index
        %parallel_loop3A_412 = arith.constant 80 : index
        %parallel_loop3A_413 = tpu.vector_load %arg4[%parallel_loop3A_410, %parallel_loop3A_411, %parallel_loop3A_412] {strides = array<i32>} : memref<32x8x128xi32, #tpu.memory_space<vmem>>, vector<16xi32>,
        %parallel_loop3A_414 = arith.constant 4 : i32
        %parallel_loop3A_415 = arith.index_cast %parallel_loop3A_113 : i32 to index
        %parallel_loop3A_416 = arith.index_cast %parallel_loop3A_414 : i32 to index
        %parallel_loop3A_417 = arith.constant 80 : index
        %parallel_loop3A_418 = tpu.vector_load %arg4[%parallel_loop3A_415, %parallel_loop3A_416, %parallel_loop3A_417] {strides = array<i32>} : memref<32x8x128xi32, #tpu.memory_space<vmem>>, vector<16xi32>,
        %parallel_loop3A_419 = arith.constant 5 : i32
        %parallel_loop3A_420 = arith.index_cast %parallel_loop3A_113 : i32 to index
        %parallel_loop3A_421 = arith.index_cast %parallel_loop3A_419 : i32 to index
        %parallel_loop3A_422 = arith.constant 80 : index
        %parallel_loop3A_423 = tpu.vector_load %arg4[%parallel_loop3A_420, %parallel_loop3A_421, %parallel_loop3A_422] {strides = array<i32>} : memref<32x8x128xi32, #tpu.memory_space<vmem>>, vector<16xi32>,
        %parallel_loop3A_424 = arith.constant 6 : i32
        %parallel_loop3A_425 = arith.index_cast %parallel_loop3A_113 : i32 to index
        %parallel_loop3A_426 = arith.index_cast %parallel_loop3A_424 : i32 to index
        %parallel_loop3A_427 = arith.constant 80 : index
        %parallel_loop3A_428 = tpu.vector_load %arg4[%parallel_loop3A_425, %parallel_loop3A_426, %parallel_loop3A_427] {strides = array<i32>} : memref<32x8x128xi32, #tpu.memory_space<vmem>>, vector<16xi32>,
        %parallel_loop3A_429 = arith.constant 7 : i32
        %parallel_loop3A_430 = arith.index_cast %parallel_loop3A_113 : i32 to index
        %parallel_loop3A_431 = arith.index_cast %parallel_loop3A_429 : i32 to index
        %parallel_loop3A_432 = arith.constant 80 : index
        %parallel_loop3A_433 = tpu.vector_load %arg4[%parallel_loop3A_430, %parallel_loop3A_431, %parallel_loop3A_432] {strides = array<i32>} : memref<32x8x128xi32, #tpu.memory_space<vmem>>, vector<16xi32>,
        %parallel_loop3A_434 = arith.addi %parallel_loop3A_398, %parallel_loop3A_403 : vector<16xi32>
        %parallel_loop3A_435 = arith.addi %parallel_loop3A_408, %parallel_loop3A_413 : vector<16xi32>
        %parallel_loop3A_436 = arith.addi %parallel_loop3A_418, %parallel_loop3A_423 : vector<16xi32>
        %parallel_loop3A_437 = arith.addi %parallel_loop3A_428, %parallel_loop3A_433 : vector<16xi32>
        %parallel_loop3A_438 = arith.addi %parallel_loop3A_434, %parallel_loop3A_435 : vector<16xi32>
        %parallel_loop3A_439 = arith.addi %parallel_loop3A_436, %parallel_loop3A_437 : vector<16xi32>
        %parallel_loop3A_440 = arith.addi %parallel_loop3A_438, %parallel_loop3A_439 : vector<16xi32>
        %parallel_loop3A_441 = arith.constant 128 : i32
        %parallel_loop3A_442 = arith.muli %parallel_loop3A_113, %parallel_loop3A_441 : i32
        %parallel_loop3A_443 = arith.constant 80 : i32
        %parallel_loop3A_444 = arith.addi %parallel_loop3A_442, %parallel_loop3A_443 : i32
        %parallel_loop3A_445 = arith.index_cast %parallel_loop3A_444 : i32 to index
        %parallel_loop3A_446 = tpu.vector_load %arg6[%parallel_loop3A_445] {strides = array<i32>} : memref<4096xi32, #tpu.memory_space<vmem>>, vector<16xi32>,
        %parallel_loop3A_447 = arith.addi %parallel_loop3A_446, %parallel_loop3A_440 : vector<16xi32>
        %parallel_loop3A_448 = arith.index_cast %parallel_loop3A_444 : i32 to index
        %parallel_loop3A_449 = tpu.vector_load %arg6[%parallel_loop3A_448] {strides = array<i32>} : memref<4096xi32, #tpu.memory_space<vmem>>, vector<16xi32>,
        tpu.vector_store %arg6[%parallel_loop3A_448], %parallel_loop3A_447 {strides = array<i32>} : memref<4096xi32, #tpu.memory_space<vmem>>, vector<16xi32>,
        %parallel_loop3A_450 = arith.constant 0 : i32
        %parallel_loop3A_451 = arith.index_cast %parallel_loop3A_113 : i32 to index
        %parallel_loop3A_452 = arith.index_cast %parallel_loop3A_450 : i32 to index
        %parallel_loop3A_453 = arith.constant 96 : index
        %parallel_loop3A_454 = tpu.vector_load %arg4[%parallel_loop3A_451, %parallel_loop3A_452, %parallel_loop3A_453] {strides = array<i32>} : memref<32x8x128xi32, #tpu.memory_space<vmem>>, vector<16xi32>,
        %parallel_loop3A_455 = arith.constant 1 : i32
        %parallel_loop3A_456 = arith.index_cast %parallel_loop3A_113 : i32 to index
        %parallel_loop3A_457 = arith.index_cast %parallel_loop3A_455 : i32 to index
        %parallel_loop3A_458 = arith.constant 96 : index
        %parallel_loop3A_459 = tpu.vector_load %arg4[%parallel_loop3A_456, %parallel_loop3A_457, %parallel_loop3A_458] {strides = array<i32>} : memref<32x8x128xi32, #tpu.memory_space<vmem>>, vector<16xi32>,
        %parallel_loop3A_460 = arith.constant 2 : i32
        %parallel_loop3A_461 = arith.index_cast %parallel_loop3A_113 : i32 to index
        %parallel_loop3A_462 = arith.index_cast %parallel_loop3A_460 : i32 to index
        %parallel_loop3A_463 = arith.constant 96 : index
        %parallel_loop3A_464 = tpu.vector_load %arg4[%parallel_loop3A_461, %parallel_loop3A_462, %parallel_loop3A_463] {strides = array<i32>} : memref<32x8x128xi32, #tpu.memory_space<vmem>>, vector<16xi32>,
        %parallel_loop3A_465 = arith.constant 3 : i32
        %parallel_loop3A_466 = arith.index_cast %parallel_loop3A_113 : i32 to index
        %parallel_loop3A_467 = arith.index_cast %parallel_loop3A_465 : i32 to index
        %parallel_loop3A_468 = arith.constant 96 : index
        %parallel_loop3A_469 = tpu.vector_load %arg4[%parallel_loop3A_466, %parallel_loop3A_467, %parallel_loop3A_468] {strides = array<i32>} : memref<32x8x128xi32, #tpu.memory_space<vmem>>, vector<16xi32>,
        %parallel_loop3A_470 = arith.constant 4 : i32
        %parallel_loop3A_471 = arith.index_cast %parallel_loop3A_113 : i32 to index
        %parallel_loop3A_472 = arith.index_cast %parallel_loop3A_470 : i32 to index
        %parallel_loop3A_473 = arith.constant 96 : index
        %parallel_loop3A_474 = tpu.vector_load %arg4[%parallel_loop3A_471, %parallel_loop3A_472, %parallel_loop3A_473] {strides = array<i32>} : memref<32x8x128xi32, #tpu.memory_space<vmem>>, vector<16xi32>,
        %parallel_loop3A_475 = arith.constant 5 : i32
        %parallel_loop3A_476 = arith.index_cast %parallel_loop3A_113 : i32 to index
        %parallel_loop3A_477 = arith.index_cast %parallel_loop3A_475 : i32 to index
        %parallel_loop3A_478 = arith.constant 96 : index
        %parallel_loop3A_479 = tpu.vector_load %arg4[%parallel_loop3A_476, %parallel_loop3A_477, %parallel_loop3A_478] {strides = array<i32>} : memref<32x8x128xi32, #tpu.memory_space<vmem>>, vector<16xi32>,
        %parallel_loop3A_480 = arith.constant 6 : i32
        %parallel_loop3A_481 = arith.index_cast %parallel_loop3A_113 : i32 to index
        %parallel_loop3A_482 = arith.index_cast %parallel_loop3A_480 : i32 to index
        %parallel_loop3A_483 = arith.constant 96 : index
        %parallel_loop3A_484 = tpu.vector_load %arg4[%parallel_loop3A_481, %parallel_loop3A_482, %parallel_loop3A_483] {strides = array<i32>} : memref<32x8x128xi32, #tpu.memory_space<vmem>>, vector<16xi32>,
        %parallel_loop3A_485 = arith.constant 7 : i32
        %parallel_loop3A_486 = arith.index_cast %parallel_loop3A_113 : i32 to index
        %parallel_loop3A_487 = arith.index_cast %parallel_loop3A_485 : i32 to index
        %parallel_loop3A_488 = arith.constant 96 : index
        %parallel_loop3A_489 = tpu.vector_load %arg4[%parallel_loop3A_486, %parallel_loop3A_487, %parallel_loop3A_488] {strides = array<i32>} : memref<32x8x128xi32, #tpu.memory_space<vmem>>, vector<16xi32>,
        %parallel_loop3A_490 = arith.addi %parallel_loop3A_454, %parallel_loop3A_459 : vector<16xi32>
        %parallel_loop3A_491 = arith.addi %parallel_loop3A_464, %parallel_loop3A_469 : vector<16xi32>
        %parallel_loop3A_492 = arith.addi %parallel_loop3A_474, %parallel_loop3A_479 : vector<16xi32>
        %parallel_loop3A_493 = arith.addi %parallel_loop3A_484, %parallel_loop3A_489 : vector<16xi32>
        %parallel_loop3A_494 = arith.addi %parallel_loop3A_490, %parallel_loop3A_491 : vector<16xi32>
        %parallel_loop3A_495 = arith.addi %parallel_loop3A_492, %parallel_loop3A_493 : vector<16xi32>
        %parallel_loop3A_496 = arith.addi %parallel_loop3A_494, %parallel_loop3A_495 : vector<16xi32>
        %parallel_loop3A_497 = arith.constant 128 : i32
        %parallel_loop3A_498 = arith.muli %parallel_loop3A_113, %parallel_loop3A_497 : i32
        %parallel_loop3A_499 = arith.constant 96 : i32
        %parallel_loop3A_500 = arith.addi %parallel_loop3A_498, %parallel_loop3A_499 : i32
        %parallel_loop3A_501 = arith.index_cast %parallel_loop3A_500 : i32 to index
        %parallel_loop3A_502 = tpu.vector_load %arg6[%parallel_loop3A_501] {strides = array<i32>} : memref<4096xi32, #tpu.memory_space<vmem>>, vector<16xi32>,
        %parallel_loop3A_503 = arith.addi %parallel_loop3A_502, %parallel_loop3A_496 : vector<16xi32>
        %parallel_loop3A_504 = arith.index_cast %parallel_loop3A_500 : i32 to index
        %parallel_loop3A_505 = tpu.vector_load %arg6[%parallel_loop3A_504] {strides = array<i32>} : memref<4096xi32, #tpu.memory_space<vmem>>, vector<16xi32>,
        tpu.vector_store %arg6[%parallel_loop3A_504], %parallel_loop3A_503 {strides = array<i32>} : memref<4096xi32, #tpu.memory_space<vmem>>, vector<16xi32>,
        %parallel_loop3A_506 = arith.constant 0 : i32
        %parallel_loop3A_507 = arith.index_cast %parallel_loop3A_113 : i32 to index
        %parallel_loop3A_508 = arith.index_cast %parallel_loop3A_506 : i32 to index
        %parallel_loop3A_509 = arith.constant 112 : index
        %parallel_loop3A_510 = tpu.vector_load %arg4[%parallel_loop3A_507, %parallel_loop3A_508, %parallel_loop3A_509] {strides = array<i32>} : memref<32x8x128xi32, #tpu.memory_space<vmem>>, vector<16xi32>,
        %parallel_loop3A_511 = arith.constant 1 : i32
        %parallel_loop3A_512 = arith.index_cast %parallel_loop3A_113 : i32 to index
        %parallel_loop3A_513 = arith.index_cast %parallel_loop3A_511 : i32 to index
        %parallel_loop3A_514 = arith.constant 112 : index
        %parallel_loop3A_515 = tpu.vector_load %arg4[%parallel_loop3A_512, %parallel_loop3A_513, %parallel_loop3A_514] {strides = array<i32>} : memref<32x8x128xi32, #tpu.memory_space<vmem>>, vector<16xi32>,
        %parallel_loop3A_516 = arith.constant 2 : i32
        %parallel_loop3A_517 = arith.index_cast %parallel_loop3A_113 : i32 to index
        %parallel_loop3A_518 = arith.index_cast %parallel_loop3A_516 : i32 to index
        %parallel_loop3A_519 = arith.constant 112 : index
        %parallel_loop3A_520 = tpu.vector_load %arg4[%parallel_loop3A_517, %parallel_loop3A_518, %parallel_loop3A_519] {strides = array<i32>} : memref<32x8x128xi32, #tpu.memory_space<vmem>>, vector<16xi32>,
        %parallel_loop3A_521 = arith.constant 3 : i32
        %parallel_loop3A_522 = arith.index_cast %parallel_loop3A_113 : i32 to index
        %parallel_loop3A_523 = arith.index_cast %parallel_loop3A_521 : i32 to index
        %parallel_loop3A_524 = arith.constant 112 : index
        %parallel_loop3A_525 = tpu.vector_load %arg4[%parallel_loop3A_522, %parallel_loop3A_523, %parallel_loop3A_524] {strides = array<i32>} : memref<32x8x128xi32, #tpu.memory_space<vmem>>, vector<16xi32>,
        %parallel_loop3A_526 = arith.constant 4 : i32
        %parallel_loop3A_527 = arith.index_cast %parallel_loop3A_113 : i32 to index
        %parallel_loop3A_528 = arith.index_cast %parallel_loop3A_526 : i32 to index
        %parallel_loop3A_529 = arith.constant 112 : index
        %parallel_loop3A_530 = tpu.vector_load %arg4[%parallel_loop3A_527, %parallel_loop3A_528, %parallel_loop3A_529] {strides = array<i32>} : memref<32x8x128xi32, #tpu.memory_space<vmem>>, vector<16xi32>,
        %parallel_loop3A_531 = arith.constant 5 : i32
        %parallel_loop3A_532 = arith.index_cast %parallel_loop3A_113 : i32 to index
        %parallel_loop3A_533 = arith.index_cast %parallel_loop3A_531 : i32 to index
        %parallel_loop3A_534 = arith.constant 112 : index
        %parallel_loop3A_535 = tpu.vector_load %arg4[%parallel_loop3A_532, %parallel_loop3A_533, %parallel_loop3A_534] {strides = array<i32>} : memref<32x8x128xi32, #tpu.memory_space<vmem>>, vector<16xi32>,
        %parallel_loop3A_536 = arith.constant 6 : i32
        %parallel_loop3A_537 = arith.index_cast %parallel_loop3A_113 : i32 to index
        %parallel_loop3A_538 = arith.index_cast %parallel_loop3A_536 : i32 to index
        %parallel_loop3A_539 = arith.constant 112 : index
        %parallel_loop3A_540 = tpu.vector_load %arg4[%parallel_loop3A_537, %parallel_loop3A_538, %parallel_loop3A_539] {strides = array<i32>} : memref<32x8x128xi32, #tpu.memory_space<vmem>>, vector<16xi32>,
        %parallel_loop3A_541 = arith.constant 7 : i32
        %parallel_loop3A_542 = arith.index_cast %parallel_loop3A_113 : i32 to index
        %parallel_loop3A_543 = arith.index_cast %parallel_loop3A_541 : i32 to index
        %parallel_loop3A_544 = arith.constant 112 : index
        %parallel_loop3A_545 = tpu.vector_load %arg4[%parallel_loop3A_542, %parallel_loop3A_543, %parallel_loop3A_544] {strides = array<i32>} : memref<32x8x128xi32, #tpu.memory_space<vmem>>, vector<16xi32>,
        %parallel_loop3A_546 = arith.addi %parallel_loop3A_510, %parallel_loop3A_515 : vector<16xi32>
        %parallel_loop3A_547 = arith.addi %parallel_loop3A_520, %parallel_loop3A_525 : vector<16xi32>
        %parallel_loop3A_548 = arith.addi %parallel_loop3A_530, %parallel_loop3A_535 : vector<16xi32>
        %parallel_loop3A_549 = arith.addi %parallel_loop3A_540, %parallel_loop3A_545 : vector<16xi32>
        %parallel_loop3A_550 = arith.addi %parallel_loop3A_546, %parallel_loop3A_547 : vector<16xi32>
        %parallel_loop3A_551 = arith.addi %parallel_loop3A_548, %parallel_loop3A_549 : vector<16xi32>
        %parallel_loop3A_552 = arith.addi %parallel_loop3A_550, %parallel_loop3A_551 : vector<16xi32>
        %parallel_loop3A_553 = arith.constant 128 : i32
        %parallel_loop3A_554 = arith.muli %parallel_loop3A_113, %parallel_loop3A_553 : i32
        %parallel_loop3A_555 = arith.constant 112 : i32
        %parallel_loop3A_556 = arith.addi %parallel_loop3A_554, %parallel_loop3A_555 : i32
        %parallel_loop3A_557 = arith.index_cast %parallel_loop3A_556 : i32 to index
        %parallel_loop3A_558 = tpu.vector_load %arg6[%parallel_loop3A_557] {strides = array<i32>} : memref<4096xi32, #tpu.memory_space<vmem>>, vector<16xi32>,
        %parallel_loop3A_559 = arith.addi %parallel_loop3A_558, %parallel_loop3A_552 : vector<16xi32>
        %parallel_loop3A_560 = arith.index_cast %parallel_loop3A_556 : i32 to index
        %parallel_loop3A_561 = tpu.vector_load %arg6[%parallel_loop3A_560] {strides = array<i32>} : memref<4096xi32, #tpu.memory_space<vmem>>, vector<16xi32>,
        tpu.vector_store %arg6[%parallel_loop3A_560], %parallel_loop3A_559 {strides = array<i32>} : memref<4096xi32, #tpu.memory_space<vmem>>, vector<16xi32>,
      } {sc.loop_unroll_factor = 2 : i64, sc.parallel_access}
      %add3A_84 = arith.constant 2 : i32
      %add3A_85 = arith.addi %mul3A_69, %add3A_84 : i32
      %lt3A = arith.constant 16 : i32
      %lt3A_86 = arith.cmpi slt, %add3A_85, %lt3A : i32
      %convert_element_type3A_87 = arith.extui %lt3A_86 : i1 to i32
      %cond3A_88 = arith.constant 0 : i32
      %cond3A_89 = arith.cmpi ne, %convert_element_type3A_87, %cond3A_88 : i32
      scf.if %cond3A_89 {
        %add3A_113 = arith.constant 2 : i32
        %add3A_114 = arith.addi %mul3A_69, %add3A_113 : i32
        %mul3A_115 = arith.constant 8 : i32
        %mul3A_116 = arith.muli %rem3A_2, %mul3A_115 : i32
        %div3A_117 = arith.constant 2 : i32
        %div3A_118 = arith.divsi %add3A_114, %div3A_117 : i32
        %add3A_119 = arith.addi %mul3A_116, %div3A_118 : i32
        %rem3A_120 = arith.constant 2 : i32
        %rem3A_121 = arith.remsi %add3A_114, %rem3A_120 : i32
        %dma_start3A_122 = arith.constant 0 : i32
        %dma_start3A_123 = arith.constant 0 : i32
        %dma_start3A_124 = arith.constant 0 : i32
        %dma_start3A_125 = tpu.memref_slice %arg2[%div3A_1, %add3A_119, %rem3A_121, %dma_start3A_122, %dma_start3A_123, %dma_start3A_124] : memref<16x16x2x32x8x128xi32, #tpu.memory_space<hbm>> -> memref<1x1x1x32x8x128xi32, #tpu.memory_space<hbm>>
        %dma_start3A_126 = tpu.memref_squeeze %dma_start3A_125 : memref<1x1x1x32x8x128xi32, #tpu.memory_space<hbm>> -> memref<32x8x128xi32, #tpu.memory_space<hbm>>
        %dma_start3A_127 = arith.constant 0 : i32
        %dma_start3A_128 = arith.constant 0 : i32
        %dma_start3A_129 = arith.constant 0 : i32
        %dma_start3A_130 = tpu.memref_slice %arg2[%div3A_1, %add3A_119, %rem3A_121, %dma_start3A_127, %dma_start3A_128, %dma_start3A_129] : memref<16x16x2x32x8x128xi32, #tpu.memory_space<hbm>> -> memref<1x1x1x32x8x128xi32, #tpu.memory_space<hbm>>
        %dma_start3A_131 = tpu.memref_squeeze %dma_start3A_130 : memref<1x1x1x32x8x128xi32, #tpu.memory_space<hbm>> -> memref<32x8x128xi32, #tpu.memory_space<hbm>>
        tpu.enqueue_dma source(%dma_start3A_131 : memref<32x8x128xi32, #tpu.memory_space<hbm>>) target(%arg4 : memref<32x8x128xi32, #tpu.memory_space<vmem>>) target_semaphore(%arg11 : memref<!tpu.dma_semaphore, #tpu.memory_space<semaphore_mem>>)
      } else {
      }
      %dma_wait3A_90 = arith.constant 0 : i32
      %dma_wait3A_91 = arith.constant 0 : i32
      %dma_wait3A_92 = arith.constant 0 : i32
      %dma_wait3A_93 = arith.constant 0 : i32
      %dma_wait3A_94 = arith.constant 0 : i32
      %dma_wait3A_95 = arith.constant 0 : i32
      %dma_wait3A_96 = tpu.memref_slice %arg2[%dma_wait3A_90, %dma_wait3A_91, %dma_wait3A_92, %dma_wait3A_93, %dma_wait3A_94, %dma_wait3A_95] : memref<16x16x2x32x8x128xi32, #tpu.memory_space<hbm>> -> memref<1x1x1x32x8x128xi32, #tpu.memory_space<hbm>>
      %dma_wait3A_97 = tpu.memref_squeeze %dma_wait3A_96 : memref<1x1x1x32x8x128xi32, #tpu.memory_space<hbm>> -> memref<32x8x128xi32, #tpu.memory_space<hbm>>
      %dma_wait3A_98 = arith.constant 0 : i32
      %dma_wait3A_99 = arith.constant 0 : i32
      %dma_wait3A_100 = arith.constant 0 : i32
      %dma_wait3A_101 = tpu.memref_slice %arg2[%dma_wait3A_90, %dma_wait3A_91, %dma_wait3A_92, %dma_wait3A_98, %dma_wait3A_99, %dma_wait3A_100] : memref<16x16x2x32x8x128xi32, #tpu.memory_space<hbm>> -> memref<1x1x1x32x8x128xi32, #tpu.memory_space<hbm>>
      %dma_wait3A_102 = tpu.memref_squeeze %dma_wait3A_101 : memref<1x1x1x32x8x128xi32, #tpu.memory_space<hbm>> -> memref<32x8x128xi32, #tpu.memory_space<hbm>>
      tpu.wait_dma2 semaphore(%arg12 : memref<!tpu.dma_semaphore, #tpu.memory_space<semaphore_mem>>) src(%dma_wait3A_102 : memref<32x8x128xi32, #tpu.memory_space<hbm>>) dst(%arg5 : memref<32x8x128xi32, #tpu.memory_space<vmem>>)
      %parallel_loop3A_103 = arith.constant 0 : i32
      %parallel_loop3A_104 = arith.constant 32 : i32
      %parallel_loop3A_105 = arith.constant 1 : i32
      scf.for %parallel_loop3A_113 = %parallel_loop3A_103 to %parallel_loop3A_104 step %parallel_loop3A_105  : i32 {
        %parallel_loop3A_114 = arith.constant 0 : i32
        %parallel_loop3A_115 = arith.index_cast %parallel_loop3A_113 : i32 to index
        %parallel_loop3A_116 = arith.index_cast %parallel_loop3A_114 : i32 to index
        %parallel_loop3A_117 = arith.constant 0 : index
        %parallel_loop3A_118 = tpu.vector_load %arg5[%parallel_loop3A_115, %parallel_loop3A_116, %parallel_loop3A_117] {strides = array<i32>} : memref<32x8x128xi32, #tpu.memory_space<vmem>>, vector<16xi32>,
        %parallel_loop3A_119 = arith.constant 1 : i32
        %parallel_loop3A_120 = arith.index_cast %parallel_loop3A_113 : i32 to index
        %parallel_loop3A_121 = arith.index_cast %parallel_loop3A_119 : i32 to index
        %parallel_loop3A_122 = arith.constant 0 : index
        %parallel_loop3A_123 = tpu.vector_load %arg5[%parallel_loop3A_120, %parallel_loop3A_121, %parallel_loop3A_122] {strides = array<i32>} : memref<32x8x128xi32, #tpu.memory_space<vmem>>, vector<16xi32>,
        %parallel_loop3A_124 = arith.constant 2 : i32
        %parallel_loop3A_125 = arith.index_cast %parallel_loop3A_113 : i32 to index
        %parallel_loop3A_126 = arith.index_cast %parallel_loop3A_124 : i32 to index
        %parallel_loop3A_127 = arith.constant 0 : index
        %parallel_loop3A_128 = tpu.vector_load %arg5[%parallel_loop3A_125, %parallel_loop3A_126, %parallel_loop3A_127] {strides = array<i32>} : memref<32x8x128xi32, #tpu.memory_space<vmem>>, vector<16xi32>,
        %parallel_loop3A_129 = arith.constant 3 : i32
        %parallel_loop3A_130 = arith.index_cast %parallel_loop3A_113 : i32 to index
        %parallel_loop3A_131 = arith.index_cast %parallel_loop3A_129 : i32 to index
        %parallel_loop3A_132 = arith.constant 0 : index
        %parallel_loop3A_133 = tpu.vector_load %arg5[%parallel_loop3A_130, %parallel_loop3A_131, %parallel_loop3A_132] {strides = array<i32>} : memref<32x8x128xi32, #tpu.memory_space<vmem>>, vector<16xi32>,
        %parallel_loop3A_134 = arith.constant 4 : i32
        %parallel_loop3A_135 = arith.index_cast %parallel_loop3A_113 : i32 to index
        %parallel_loop3A_136 = arith.index_cast %parallel_loop3A_134 : i32 to index
        %parallel_loop3A_137 = arith.constant 0 : index
        %parallel_loop3A_138 = tpu.vector_load %arg5[%parallel_loop3A_135, %parallel_loop3A_136, %parallel_loop3A_137] {strides = array<i32>} : memref<32x8x128xi32, #tpu.memory_space<vmem>>, vector<16xi32>,
        %parallel_loop3A_139 = arith.constant 5 : i32
        %parallel_loop3A_140 = arith.index_cast %parallel_loop3A_113 : i32 to index
        %parallel_loop3A_141 = arith.index_cast %parallel_loop3A_139 : i32 to index
        %parallel_loop3A_142 = arith.constant 0 : index
        %parallel_loop3A_143 = tpu.vector_load %arg5[%parallel_loop3A_140, %parallel_loop3A_141, %parallel_loop3A_142] {strides = array<i32>} : memref<32x8x128xi32, #tpu.memory_space<vmem>>, vector<16xi32>,
        %parallel_loop3A_144 = arith.constant 6 : i32
        %parallel_loop3A_145 = arith.index_cast %parallel_loop3A_113 : i32 to index
        %parallel_loop3A_146 = arith.index_cast %parallel_loop3A_144 : i32 to index
        %parallel_loop3A_147 = arith.constant 0 : index
        %parallel_loop3A_148 = tpu.vector_load %arg5[%parallel_loop3A_145, %parallel_loop3A_146, %parallel_loop3A_147] {strides = array<i32>} : memref<32x8x128xi32, #tpu.memory_space<vmem>>, vector<16xi32>,
        %parallel_loop3A_149 = arith.constant 7 : i32
        %parallel_loop3A_150 = arith.index_cast %parallel_loop3A_113 : i32 to index
        %parallel_loop3A_151 = arith.index_cast %parallel_loop3A_149 : i32 to index
        %parallel_loop3A_152 = arith.constant 0 : index
        %parallel_loop3A_153 = tpu.vector_load %arg5[%parallel_loop3A_150, %parallel_loop3A_151, %parallel_loop3A_152] {strides = array<i32>} : memref<32x8x128xi32, #tpu.memory_space<vmem>>, vector<16xi32>,
        %parallel_loop3A_154 = arith.addi %parallel_loop3A_118, %parallel_loop3A_123 : vector<16xi32>
        %parallel_loop3A_155 = arith.addi %parallel_loop3A_128, %parallel_loop3A_133 : vector<16xi32>
        %parallel_loop3A_156 = arith.addi %parallel_loop3A_138, %parallel_loop3A_143 : vector<16xi32>
        %parallel_loop3A_157 = arith.addi %parallel_loop3A_148, %parallel_loop3A_153 : vector<16xi32>
        %parallel_loop3A_158 = arith.addi %parallel_loop3A_154, %parallel_loop3A_155 : vector<16xi32>
        %parallel_loop3A_159 = arith.addi %parallel_loop3A_156, %parallel_loop3A_157 : vector<16xi32>
        %parallel_loop3A_160 = arith.addi %parallel_loop3A_158, %parallel_loop3A_159 : vector<16xi32>
        %parallel_loop3A_161 = arith.constant 128 : i32
        %parallel_loop3A_162 = arith.muli %parallel_loop3A_113, %parallel_loop3A_161 : i32
        %parallel_loop3A_163 = arith.constant 0 : i32
        %parallel_loop3A_164 = arith.addi %parallel_loop3A_162, %parallel_loop3A_163 : i32
        %parallel_loop3A_165 = arith.index_cast %parallel_loop3A_164 : i32 to index
        %parallel_loop3A_166 = tpu.vector_load %arg6[%parallel_loop3A_165] {strides = array<i32>} : memref<4096xi32, #tpu.memory_space<vmem>>, vector<16xi32>,
        %parallel_loop3A_167 = arith.addi %parallel_loop3A_166, %parallel_loop3A_160 : vector<16xi32>
        %parallel_loop3A_168 = arith.index_cast %parallel_loop3A_164 : i32 to index
        %parallel_loop3A_169 = tpu.vector_load %arg6[%parallel_loop3A_168] {strides = array<i32>} : memref<4096xi32, #tpu.memory_space<vmem>>, vector<16xi32>,
        tpu.vector_store %arg6[%parallel_loop3A_168], %parallel_loop3A_167 {strides = array<i32>} : memref<4096xi32, #tpu.memory_space<vmem>>, vector<16xi32>,
        %parallel_loop3A_170 = arith.constant 0 : i32
        %parallel_loop3A_171 = arith.index_cast %parallel_loop3A_113 : i32 to index
        %parallel_loop3A_172 = arith.index_cast %parallel_loop3A_170 : i32 to index
        %parallel_loop3A_173 = arith.constant 16 : index
        %parallel_loop3A_174 = tpu.vector_load %arg5[%parallel_loop3A_171, %parallel_loop3A_172, %parallel_loop3A_173] {strides = array<i32>} : memref<32x8x128xi32, #tpu.memory_space<vmem>>, vector<16xi32>,
        %parallel_loop3A_175 = arith.constant 1 : i32
        %parallel_loop3A_176 = arith.index_cast %parallel_loop3A_113 : i32 to index
        %parallel_loop3A_177 = arith.index_cast %parallel_loop3A_175 : i32 to index
        %parallel_loop3A_178 = arith.constant 16 : index
        %parallel_loop3A_179 = tpu.vector_load %arg5[%parallel_loop3A_176, %parallel_loop3A_177, %parallel_loop3A_178] {strides = array<i32>} : memref<32x8x128xi32, #tpu.memory_space<vmem>>, vector<16xi32>,
        %parallel_loop3A_180 = arith.constant 2 : i32
        %parallel_loop3A_181 = arith.index_cast %parallel_loop3A_113 : i32 to index
        %parallel_loop3A_182 = arith.index_cast %parallel_loop3A_180 : i32 to index
        %parallel_loop3A_183 = arith.constant 16 : index
        %parallel_loop3A_184 = tpu.vector_load %arg5[%parallel_loop3A_181, %parallel_loop3A_182, %parallel_loop3A_183] {strides = array<i32>} : memref<32x8x128xi32, #tpu.memory_space<vmem>>, vector<16xi32>,
        %parallel_loop3A_185 = arith.constant 3 : i32
        %parallel_loop3A_186 = arith.index_cast %parallel_loop3A_113 : i32 to index
        %parallel_loop3A_187 = arith.index_cast %parallel_loop3A_185 : i32 to index
        %parallel_loop3A_188 = arith.constant 16 : index
        %parallel_loop3A_189 = tpu.vector_load %arg5[%parallel_loop3A_186, %parallel_loop3A_187, %parallel_loop3A_188] {strides = array<i32>} : memref<32x8x128xi32, #tpu.memory_space<vmem>>, vector<16xi32>,
        %parallel_loop3A_190 = arith.constant 4 : i32
        %parallel_loop3A_191 = arith.index_cast %parallel_loop3A_113 : i32 to index
        %parallel_loop3A_192 = arith.index_cast %parallel_loop3A_190 : i32 to index
        %parallel_loop3A_193 = arith.constant 16 : index
        %parallel_loop3A_194 = tpu.vector_load %arg5[%parallel_loop3A_191, %parallel_loop3A_192, %parallel_loop3A_193] {strides = array<i32>} : memref<32x8x128xi32, #tpu.memory_space<vmem>>, vector<16xi32>,
        %parallel_loop3A_195 = arith.constant 5 : i32
        %parallel_loop3A_196 = arith.index_cast %parallel_loop3A_113 : i32 to index
        %parallel_loop3A_197 = arith.index_cast %parallel_loop3A_195 : i32 to index
        %parallel_loop3A_198 = arith.constant 16 : index
        %parallel_loop3A_199 = tpu.vector_load %arg5[%parallel_loop3A_196, %parallel_loop3A_197, %parallel_loop3A_198] {strides = array<i32>} : memref<32x8x128xi32, #tpu.memory_space<vmem>>, vector<16xi32>,
        %parallel_loop3A_200 = arith.constant 6 : i32
        %parallel_loop3A_201 = arith.index_cast %parallel_loop3A_113 : i32 to index
        %parallel_loop3A_202 = arith.index_cast %parallel_loop3A_200 : i32 to index
        %parallel_loop3A_203 = arith.constant 16 : index
        %parallel_loop3A_204 = tpu.vector_load %arg5[%parallel_loop3A_201, %parallel_loop3A_202, %parallel_loop3A_203] {strides = array<i32>} : memref<32x8x128xi32, #tpu.memory_space<vmem>>, vector<16xi32>,
        %parallel_loop3A_205 = arith.constant 7 : i32
        %parallel_loop3A_206 = arith.index_cast %parallel_loop3A_113 : i32 to index
        %parallel_loop3A_207 = arith.index_cast %parallel_loop3A_205 : i32 to index
        %parallel_loop3A_208 = arith.constant 16 : index
        %parallel_loop3A_209 = tpu.vector_load %arg5[%parallel_loop3A_206, %parallel_loop3A_207, %parallel_loop3A_208] {strides = array<i32>} : memref<32x8x128xi32, #tpu.memory_space<vmem>>, vector<16xi32>,
        %parallel_loop3A_210 = arith.addi %parallel_loop3A_174, %parallel_loop3A_179 : vector<16xi32>
        %parallel_loop3A_211 = arith.addi %parallel_loop3A_184, %parallel_loop3A_189 : vector<16xi32>
        %parallel_loop3A_212 = arith.addi %parallel_loop3A_194, %parallel_loop3A_199 : vector<16xi32>
        %parallel_loop3A_213 = arith.addi %parallel_loop3A_204, %parallel_loop3A_209 : vector<16xi32>
        %parallel_loop3A_214 = arith.addi %parallel_loop3A_210, %parallel_loop3A_211 : vector<16xi32>
        %parallel_loop3A_215 = arith.addi %parallel_loop3A_212, %parallel_loop3A_213 : vector<16xi32>
        %parallel_loop3A_216 = arith.addi %parallel_loop3A_214, %parallel_loop3A_215 : vector<16xi32>
        %parallel_loop3A_217 = arith.constant 128 : i32
        %parallel_loop3A_218 = arith.muli %parallel_loop3A_113, %parallel_loop3A_217 : i32
        %parallel_loop3A_219 = arith.constant 16 : i32
        %parallel_loop3A_220 = arith.addi %parallel_loop3A_218, %parallel_loop3A_219 : i32
        %parallel_loop3A_221 = arith.index_cast %parallel_loop3A_220 : i32 to index
        %parallel_loop3A_222 = tpu.vector_load %arg6[%parallel_loop3A_221] {strides = array<i32>} : memref<4096xi32, #tpu.memory_space<vmem>>, vector<16xi32>,
        %parallel_loop3A_223 = arith.addi %parallel_loop3A_222, %parallel_loop3A_216 : vector<16xi32>
        %parallel_loop3A_224 = arith.index_cast %parallel_loop3A_220 : i32 to index
        %parallel_loop3A_225 = tpu.vector_load %arg6[%parallel_loop3A_224] {strides = array<i32>} : memref<4096xi32, #tpu.memory_space<vmem>>, vector<16xi32>,
        tpu.vector_store %arg6[%parallel_loop3A_224], %parallel_loop3A_223 {strides = array<i32>} : memref<4096xi32, #tpu.memory_space<vmem>>, vector<16xi32>,
        %parallel_loop3A_226 = arith.constant 0 : i32
        %parallel_loop3A_227 = arith.index_cast %parallel_loop3A_113 : i32 to index
        %parallel_loop3A_228 = arith.index_cast %parallel_loop3A_226 : i32 to index
        %parallel_loop3A_229 = arith.constant 32 : index
        %parallel_loop3A_230 = tpu.vector_load %arg5[%parallel_loop3A_227, %parallel_loop3A_228, %parallel_loop3A_229] {strides = array<i32>} : memref<32x8x128xi32, #tpu.memory_space<vmem>>, vector<16xi32>,
        %parallel_loop3A_231 = arith.constant 1 : i32
        %parallel_loop3A_232 = arith.index_cast %parallel_loop3A_113 : i32 to index
        %parallel_loop3A_233 = arith.index_cast %parallel_loop3A_231 : i32 to index
        %parallel_loop3A_234 = arith.constant 32 : index
        %parallel_loop3A_235 = tpu.vector_load %arg5[%parallel_loop3A_232, %parallel_loop3A_233, %parallel_loop3A_234] {strides = array<i32>} : memref<32x8x128xi32, #tpu.memory_space<vmem>>, vector<16xi32>,
        %parallel_loop3A_236 = arith.constant 2 : i32
        %parallel_loop3A_237 = arith.index_cast %parallel_loop3A_113 : i32 to index
        %parallel_loop3A_238 = arith.index_cast %parallel_loop3A_236 : i32 to index
        %parallel_loop3A_239 = arith.constant 32 : index
        %parallel_loop3A_240 = tpu.vector_load %arg5[%parallel_loop3A_237, %parallel_loop3A_238, %parallel_loop3A_239] {strides = array<i32>} : memref<32x8x128xi32, #tpu.memory_space<vmem>>, vector<16xi32>,
        %parallel_loop3A_241 = arith.constant 3 : i32
        %parallel_loop3A_242 = arith.index_cast %parallel_loop3A_113 : i32 to index
        %parallel_loop3A_243 = arith.index_cast %parallel_loop3A_241 : i32 to index
        %parallel_loop3A_244 = arith.constant 32 : index
        %parallel_loop3A_245 = tpu.vector_load %arg5[%parallel_loop3A_242, %parallel_loop3A_243, %parallel_loop3A_244] {strides = array<i32>} : memref<32x8x128xi32, #tpu.memory_space<vmem>>, vector<16xi32>,
        %parallel_loop3A_246 = arith.constant 4 : i32
        %parallel_loop3A_247 = arith.index_cast %parallel_loop3A_113 : i32 to index
        %parallel_loop3A_248 = arith.index_cast %parallel_loop3A_246 : i32 to index
        %parallel_loop3A_249 = arith.constant 32 : index
        %parallel_loop3A_250 = tpu.vector_load %arg5[%parallel_loop3A_247, %parallel_loop3A_248, %parallel_loop3A_249] {strides = array<i32>} : memref<32x8x128xi32, #tpu.memory_space<vmem>>, vector<16xi32>,
        %parallel_loop3A_251 = arith.constant 5 : i32
        %parallel_loop3A_252 = arith.index_cast %parallel_loop3A_113 : i32 to index
        %parallel_loop3A_253 = arith.index_cast %parallel_loop3A_251 : i32 to index
        %parallel_loop3A_254 = arith.constant 32 : index
        %parallel_loop3A_255 = tpu.vector_load %arg5[%parallel_loop3A_252, %parallel_loop3A_253, %parallel_loop3A_254] {strides = array<i32>} : memref<32x8x128xi32, #tpu.memory_space<vmem>>, vector<16xi32>,
        %parallel_loop3A_256 = arith.constant 6 : i32
        %parallel_loop3A_257 = arith.index_cast %parallel_loop3A_113 : i32 to index
        %parallel_loop3A_258 = arith.index_cast %parallel_loop3A_256 : i32 to index
        %parallel_loop3A_259 = arith.constant 32 : index
        %parallel_loop3A_260 = tpu.vector_load %arg5[%parallel_loop3A_257, %parallel_loop3A_258, %parallel_loop3A_259] {strides = array<i32>} : memref<32x8x128xi32, #tpu.memory_space<vmem>>, vector<16xi32>,
        %parallel_loop3A_261 = arith.constant 7 : i32
        %parallel_loop3A_262 = arith.index_cast %parallel_loop3A_113 : i32 to index
        %parallel_loop3A_263 = arith.index_cast %parallel_loop3A_261 : i32 to index
        %parallel_loop3A_264 = arith.constant 32 : index
        %parallel_loop3A_265 = tpu.vector_load %arg5[%parallel_loop3A_262, %parallel_loop3A_263, %parallel_loop3A_264] {strides = array<i32>} : memref<32x8x128xi32, #tpu.memory_space<vmem>>, vector<16xi32>,
        %parallel_loop3A_266 = arith.addi %parallel_loop3A_230, %parallel_loop3A_235 : vector<16xi32>
        %parallel_loop3A_267 = arith.addi %parallel_loop3A_240, %parallel_loop3A_245 : vector<16xi32>
        %parallel_loop3A_268 = arith.addi %parallel_loop3A_250, %parallel_loop3A_255 : vector<16xi32>
        %parallel_loop3A_269 = arith.addi %parallel_loop3A_260, %parallel_loop3A_265 : vector<16xi32>
        %parallel_loop3A_270 = arith.addi %parallel_loop3A_266, %parallel_loop3A_267 : vector<16xi32>
        %parallel_loop3A_271 = arith.addi %parallel_loop3A_268, %parallel_loop3A_269 : vector<16xi32>
        %parallel_loop3A_272 = arith.addi %parallel_loop3A_270, %parallel_loop3A_271 : vector<16xi32>
        %parallel_loop3A_273 = arith.constant 128 : i32
        %parallel_loop3A_274 = arith.muli %parallel_loop3A_113, %parallel_loop3A_273 : i32
        %parallel_loop3A_275 = arith.constant 32 : i32
        %parallel_loop3A_276 = arith.addi %parallel_loop3A_274, %parallel_loop3A_275 : i32
        %parallel_loop3A_277 = arith.index_cast %parallel_loop3A_276 : i32 to index
        %parallel_loop3A_278 = tpu.vector_load %arg6[%parallel_loop3A_277] {strides = array<i32>} : memref<4096xi32, #tpu.memory_space<vmem>>, vector<16xi32>,
        %parallel_loop3A_279 = arith.addi %parallel_loop3A_278, %parallel_loop3A_272 : vector<16xi32>
        %parallel_loop3A_280 = arith.index_cast %parallel_loop3A_276 : i32 to index
        %parallel_loop3A_281 = tpu.vector_load %arg6[%parallel_loop3A_280] {strides = array<i32>} : memref<4096xi32, #tpu.memory_space<vmem>>, vector<16xi32>,
        tpu.vector_store %arg6[%parallel_loop3A_280], %parallel_loop3A_279 {strides = array<i32>} : memref<4096xi32, #tpu.memory_space<vmem>>, vector<16xi32>,
        %parallel_loop3A_282 = arith.constant 0 : i32
        %parallel_loop3A_283 = arith.index_cast %parallel_loop3A_113 : i32 to index
        %parallel_loop3A_284 = arith.index_cast %parallel_loop3A_282 : i32 to index
        %parallel_loop3A_285 = arith.constant 48 : index
        %parallel_loop3A_286 = tpu.vector_load %arg5[%parallel_loop3A_283, %parallel_loop3A_284, %parallel_loop3A_285] {strides = array<i32>} : memref<32x8x128xi32, #tpu.memory_space<vmem>>, vector<16xi32>,
        %parallel_loop3A_287 = arith.constant 1 : i32
        %parallel_loop3A_288 = arith.index_cast %parallel_loop3A_113 : i32 to index
        %parallel_loop3A_289 = arith.index_cast %parallel_loop3A_287 : i32 to index
        %parallel_loop3A_290 = arith.constant 48 : index
        %parallel_loop3A_291 = tpu.vector_load %arg5[%parallel_loop3A_288, %parallel_loop3A_289, %parallel_loop3A_290] {strides = array<i32>} : memref<32x8x128xi32, #tpu.memory_space<vmem>>, vector<16xi32>,
        %parallel_loop3A_292 = arith.constant 2 : i32
        %parallel_loop3A_293 = arith.index_cast %parallel_loop3A_113 : i32 to index
        %parallel_loop3A_294 = arith.index_cast %parallel_loop3A_292 : i32 to index
        %parallel_loop3A_295 = arith.constant 48 : index
        %parallel_loop3A_296 = tpu.vector_load %arg5[%parallel_loop3A_293, %parallel_loop3A_294, %parallel_loop3A_295] {strides = array<i32>} : memref<32x8x128xi32, #tpu.memory_space<vmem>>, vector<16xi32>,
        %parallel_loop3A_297 = arith.constant 3 : i32
        %parallel_loop3A_298 = arith.index_cast %parallel_loop3A_113 : i32 to index
        %parallel_loop3A_299 = arith.index_cast %parallel_loop3A_297 : i32 to index
        %parallel_loop3A_300 = arith.constant 48 : index
        %parallel_loop3A_301 = tpu.vector_load %arg5[%parallel_loop3A_298, %parallel_loop3A_299, %parallel_loop3A_300] {strides = array<i32>} : memref<32x8x128xi32, #tpu.memory_space<vmem>>, vector<16xi32>,
        %parallel_loop3A_302 = arith.constant 4 : i32
        %parallel_loop3A_303 = arith.index_cast %parallel_loop3A_113 : i32 to index
        %parallel_loop3A_304 = arith.index_cast %parallel_loop3A_302 : i32 to index
        %parallel_loop3A_305 = arith.constant 48 : index
        %parallel_loop3A_306 = tpu.vector_load %arg5[%parallel_loop3A_303, %parallel_loop3A_304, %parallel_loop3A_305] {strides = array<i32>} : memref<32x8x128xi32, #tpu.memory_space<vmem>>, vector<16xi32>,
        %parallel_loop3A_307 = arith.constant 5 : i32
        %parallel_loop3A_308 = arith.index_cast %parallel_loop3A_113 : i32 to index
        %parallel_loop3A_309 = arith.index_cast %parallel_loop3A_307 : i32 to index
        %parallel_loop3A_310 = arith.constant 48 : index
        %parallel_loop3A_311 = tpu.vector_load %arg5[%parallel_loop3A_308, %parallel_loop3A_309, %parallel_loop3A_310] {strides = array<i32>} : memref<32x8x128xi32, #tpu.memory_space<vmem>>, vector<16xi32>,
        %parallel_loop3A_312 = arith.constant 6 : i32
        %parallel_loop3A_313 = arith.index_cast %parallel_loop3A_113 : i32 to index
        %parallel_loop3A_314 = arith.index_cast %parallel_loop3A_312 : i32 to index
        %parallel_loop3A_315 = arith.constant 48 : index
        %parallel_loop3A_316 = tpu.vector_load %arg5[%parallel_loop3A_313, %parallel_loop3A_314, %parallel_loop3A_315] {strides = array<i32>} : memref<32x8x128xi32, #tpu.memory_space<vmem>>, vector<16xi32>,
        %parallel_loop3A_317 = arith.constant 7 : i32
        %parallel_loop3A_318 = arith.index_cast %parallel_loop3A_113 : i32 to index
        %parallel_loop3A_319 = arith.index_cast %parallel_loop3A_317 : i32 to index
        %parallel_loop3A_320 = arith.constant 48 : index
        %parallel_loop3A_321 = tpu.vector_load %arg5[%parallel_loop3A_318, %parallel_loop3A_319, %parallel_loop3A_320] {strides = array<i32>} : memref<32x8x128xi32, #tpu.memory_space<vmem>>, vector<16xi32>,
        %parallel_loop3A_322 = arith.addi %parallel_loop3A_286, %parallel_loop3A_291 : vector<16xi32>
        %parallel_loop3A_323 = arith.addi %parallel_loop3A_296, %parallel_loop3A_301 : vector<16xi32>
        %parallel_loop3A_324 = arith.addi %parallel_loop3A_306, %parallel_loop3A_311 : vector<16xi32>
        %parallel_loop3A_325 = arith.addi %parallel_loop3A_316, %parallel_loop3A_321 : vector<16xi32>
        %parallel_loop3A_326 = arith.addi %parallel_loop3A_322, %parallel_loop3A_323 : vector<16xi32>
        %parallel_loop3A_327 = arith.addi %parallel_loop3A_324, %parallel_loop3A_325 : vector<16xi32>
        %parallel_loop3A_328 = arith.addi %parallel_loop3A_326, %parallel_loop3A_327 : vector<16xi32>
        %parallel_loop3A_329 = arith.constant 128 : i32
        %parallel_loop3A_330 = arith.muli %parallel_loop3A_113, %parallel_loop3A_329 : i32
        %parallel_loop3A_331 = arith.constant 48 : i32
        %parallel_loop3A_332 = arith.addi %parallel_loop3A_330, %parallel_loop3A_331 : i32
        %parallel_loop3A_333 = arith.index_cast %parallel_loop3A_332 : i32 to index
        %parallel_loop3A_334 = tpu.vector_load %arg6[%parallel_loop3A_333] {strides = array<i32>} : memref<4096xi32, #tpu.memory_space<vmem>>, vector<16xi32>,
        %parallel_loop3A_335 = arith.addi %parallel_loop3A_334, %parallel_loop3A_328 : vector<16xi32>
        %parallel_loop3A_336 = arith.index_cast %parallel_loop3A_332 : i32 to index
        %parallel_loop3A_337 = tpu.vector_load %arg6[%parallel_loop3A_336] {strides = array<i32>} : memref<4096xi32, #tpu.memory_space<vmem>>, vector<16xi32>,
        tpu.vector_store %arg6[%parallel_loop3A_336], %parallel_loop3A_335 {strides = array<i32>} : memref<4096xi32, #tpu.memory_space<vmem>>, vector<16xi32>,
        %parallel_loop3A_338 = arith.constant 0 : i32
        %parallel_loop3A_339 = arith.index_cast %parallel_loop3A_113 : i32 to index
        %parallel_loop3A_340 = arith.index_cast %parallel_loop3A_338 : i32 to index
        %parallel_loop3A_341 = arith.constant 64 : index
        %parallel_loop3A_342 = tpu.vector_load %arg5[%parallel_loop3A_339, %parallel_loop3A_340, %parallel_loop3A_341] {strides = array<i32>} : memref<32x8x128xi32, #tpu.memory_space<vmem>>, vector<16xi32>,
        %parallel_loop3A_343 = arith.constant 1 : i32
        %parallel_loop3A_344 = arith.index_cast %parallel_loop3A_113 : i32 to index
        %parallel_loop3A_345 = arith.index_cast %parallel_loop3A_343 : i32 to index
        %parallel_loop3A_346 = arith.constant 64 : index
        %parallel_loop3A_347 = tpu.vector_load %arg5[%parallel_loop3A_344, %parallel_loop3A_345, %parallel_loop3A_346] {strides = array<i32>} : memref<32x8x128xi32, #tpu.memory_space<vmem>>, vector<16xi32>,
        %parallel_loop3A_348 = arith.constant 2 : i32
        %parallel_loop3A_349 = arith.index_cast %parallel_loop3A_113 : i32 to index
        %parallel_loop3A_350 = arith.index_cast %parallel_loop3A_348 : i32 to index
        %parallel_loop3A_351 = arith.constant 64 : index
        %parallel_loop3A_352 = tpu.vector_load %arg5[%parallel_loop3A_349, %parallel_loop3A_350, %parallel_loop3A_351] {strides = array<i32>} : memref<32x8x128xi32, #tpu.memory_space<vmem>>, vector<16xi32>,
        %parallel_loop3A_353 = arith.constant 3 : i32
        %parallel_loop3A_354 = arith.index_cast %parallel_loop3A_113 : i32 to index
        %parallel_loop3A_355 = arith.index_cast %parallel_loop3A_353 : i32 to index
        %parallel_loop3A_356 = arith.constant 64 : index
        %parallel_loop3A_357 = tpu.vector_load %arg5[%parallel_loop3A_354, %parallel_loop3A_355, %parallel_loop3A_356] {strides = array<i32>} : memref<32x8x128xi32, #tpu.memory_space<vmem>>, vector<16xi32>,
        %parallel_loop3A_358 = arith.constant 4 : i32
        %parallel_loop3A_359 = arith.index_cast %parallel_loop3A_113 : i32 to index
        %parallel_loop3A_360 = arith.index_cast %parallel_loop3A_358 : i32 to index
        %parallel_loop3A_361 = arith.constant 64 : index
        %parallel_loop3A_362 = tpu.vector_load %arg5[%parallel_loop3A_359, %parallel_loop3A_360, %parallel_loop3A_361] {strides = array<i32>} : memref<32x8x128xi32, #tpu.memory_space<vmem>>, vector<16xi32>,
        %parallel_loop3A_363 = arith.constant 5 : i32
        %parallel_loop3A_364 = arith.index_cast %parallel_loop3A_113 : i32 to index
        %parallel_loop3A_365 = arith.index_cast %parallel_loop3A_363 : i32 to index
        %parallel_loop3A_366 = arith.constant 64 : index
        %parallel_loop3A_367 = tpu.vector_load %arg5[%parallel_loop3A_364, %parallel_loop3A_365, %parallel_loop3A_366] {strides = array<i32>} : memref<32x8x128xi32, #tpu.memory_space<vmem>>, vector<16xi32>,
        %parallel_loop3A_368 = arith.constant 6 : i32
        %parallel_loop3A_369 = arith.index_cast %parallel_loop3A_113 : i32 to index
        %parallel_loop3A_370 = arith.index_cast %parallel_loop3A_368 : i32 to index
        %parallel_loop3A_371 = arith.constant 64 : index
        %parallel_loop3A_372 = tpu.vector_load %arg5[%parallel_loop3A_369, %parallel_loop3A_370, %parallel_loop3A_371] {strides = array<i32>} : memref<32x8x128xi32, #tpu.memory_space<vmem>>, vector<16xi32>,
        %parallel_loop3A_373 = arith.constant 7 : i32
        %parallel_loop3A_374 = arith.index_cast %parallel_loop3A_113 : i32 to index
        %parallel_loop3A_375 = arith.index_cast %parallel_loop3A_373 : i32 to index
        %parallel_loop3A_376 = arith.constant 64 : index
        %parallel_loop3A_377 = tpu.vector_load %arg5[%parallel_loop3A_374, %parallel_loop3A_375, %parallel_loop3A_376] {strides = array<i32>} : memref<32x8x128xi32, #tpu.memory_space<vmem>>, vector<16xi32>,
        %parallel_loop3A_378 = arith.addi %parallel_loop3A_342, %parallel_loop3A_347 : vector<16xi32>
        %parallel_loop3A_379 = arith.addi %parallel_loop3A_352, %parallel_loop3A_357 : vector<16xi32>
        %parallel_loop3A_380 = arith.addi %parallel_loop3A_362, %parallel_loop3A_367 : vector<16xi32>
        %parallel_loop3A_381 = arith.addi %parallel_loop3A_372, %parallel_loop3A_377 : vector<16xi32>
        %parallel_loop3A_382 = arith.addi %parallel_loop3A_378, %parallel_loop3A_379 : vector<16xi32>
        %parallel_loop3A_383 = arith.addi %parallel_loop3A_380, %parallel_loop3A_381 : vector<16xi32>
        %parallel_loop3A_384 = arith.addi %parallel_loop3A_382, %parallel_loop3A_383 : vector<16xi32>
        %parallel_loop3A_385 = arith.constant 128 : i32
        %parallel_loop3A_386 = arith.muli %parallel_loop3A_113, %parallel_loop3A_385 : i32
        %parallel_loop3A_387 = arith.constant 64 : i32
        %parallel_loop3A_388 = arith.addi %parallel_loop3A_386, %parallel_loop3A_387 : i32
        %parallel_loop3A_389 = arith.index_cast %parallel_loop3A_388 : i32 to index
        %parallel_loop3A_390 = tpu.vector_load %arg6[%parallel_loop3A_389] {strides = array<i32>} : memref<4096xi32, #tpu.memory_space<vmem>>, vector<16xi32>,
        %parallel_loop3A_391 = arith.addi %parallel_loop3A_390, %parallel_loop3A_384 : vector<16xi32>
        %parallel_loop3A_392 = arith.index_cast %parallel_loop3A_388 : i32 to index
        %parallel_loop3A_393 = tpu.vector_load %arg6[%parallel_loop3A_392] {strides = array<i32>} : memref<4096xi32, #tpu.memory_space<vmem>>, vector<16xi32>,
        tpu.vector_store %arg6[%parallel_loop3A_392], %parallel_loop3A_391 {strides = array<i32>} : memref<4096xi32, #tpu.memory_space<vmem>>, vector<16xi32>,
        %parallel_loop3A_394 = arith.constant 0 : i32
        %parallel_loop3A_395 = arith.index_cast %parallel_loop3A_113 : i32 to index
        %parallel_loop3A_396 = arith.index_cast %parallel_loop3A_394 : i32 to index
        %parallel_loop3A_397 = arith.constant 80 : index
        %parallel_loop3A_398 = tpu.vector_load %arg5[%parallel_loop3A_395, %parallel_loop3A_396, %parallel_loop3A_397] {strides = array<i32>} : memref<32x8x128xi32, #tpu.memory_space<vmem>>, vector<16xi32>,
        %parallel_loop3A_399 = arith.constant 1 : i32
        %parallel_loop3A_400 = arith.index_cast %parallel_loop3A_113 : i32 to index
        %parallel_loop3A_401 = arith.index_cast %parallel_loop3A_399 : i32 to index
        %parallel_loop3A_402 = arith.constant 80 : index
        %parallel_loop3A_403 = tpu.vector_load %arg5[%parallel_loop3A_400, %parallel_loop3A_401, %parallel_loop3A_402] {strides = array<i32>} : memref<32x8x128xi32, #tpu.memory_space<vmem>>, vector<16xi32>,
        %parallel_loop3A_404 = arith.constant 2 : i32
        %parallel_loop3A_405 = arith.index_cast %parallel_loop3A_113 : i32 to index
        %parallel_loop3A_406 = arith.index_cast %parallel_loop3A_404 : i32 to index
        %parallel_loop3A_407 = arith.constant 80 : index
        %parallel_loop3A_408 = tpu.vector_load %arg5[%parallel_loop3A_405, %parallel_loop3A_406, %parallel_loop3A_407] {strides = array<i32>} : memref<32x8x128xi32, #tpu.memory_space<vmem>>, vector<16xi32>,
        %parallel_loop3A_409 = arith.constant 3 : i32
        %parallel_loop3A_410 = arith.index_cast %parallel_loop3A_113 : i32 to index
        %parallel_loop3A_411 = arith.index_cast %parallel_loop3A_409 : i32 to index
        %parallel_loop3A_412 = arith.constant 80 : index
        %parallel_loop3A_413 = tpu.vector_load %arg5[%parallel_loop3A_410, %parallel_loop3A_411, %parallel_loop3A_412] {strides = array<i32>} : memref<32x8x128xi32, #tpu.memory_space<vmem>>, vector<16xi32>,
        %parallel_loop3A_414 = arith.constant 4 : i32
        %parallel_loop3A_415 = arith.index_cast %parallel_loop3A_113 : i32 to index
        %parallel_loop3A_416 = arith.index_cast %parallel_loop3A_414 : i32 to index
        %parallel_loop3A_417 = arith.constant 80 : index
        %parallel_loop3A_418 = tpu.vector_load %arg5[%parallel_loop3A_415, %parallel_loop3A_416, %parallel_loop3A_417] {strides = array<i32>} : memref<32x8x128xi32, #tpu.memory_space<vmem>>, vector<16xi32>,
        %parallel_loop3A_419 = arith.constant 5 : i32
        %parallel_loop3A_420 = arith.index_cast %parallel_loop3A_113 : i32 to index
        %parallel_loop3A_421 = arith.index_cast %parallel_loop3A_419 : i32 to index
        %parallel_loop3A_422 = arith.constant 80 : index
        %parallel_loop3A_423 = tpu.vector_load %arg5[%parallel_loop3A_420, %parallel_loop3A_421, %parallel_loop3A_422] {strides = array<i32>} : memref<32x8x128xi32, #tpu.memory_space<vmem>>, vector<16xi32>,
        %parallel_loop3A_424 = arith.constant 6 : i32
        %parallel_loop3A_425 = arith.index_cast %parallel_loop3A_113 : i32 to index
        %parallel_loop3A_426 = arith.index_cast %parallel_loop3A_424 : i32 to index
        %parallel_loop3A_427 = arith.constant 80 : index
        %parallel_loop3A_428 = tpu.vector_load %arg5[%parallel_loop3A_425, %parallel_loop3A_426, %parallel_loop3A_427] {strides = array<i32>} : memref<32x8x128xi32, #tpu.memory_space<vmem>>, vector<16xi32>,
        %parallel_loop3A_429 = arith.constant 7 : i32
        %parallel_loop3A_430 = arith.index_cast %parallel_loop3A_113 : i32 to index
        %parallel_loop3A_431 = arith.index_cast %parallel_loop3A_429 : i32 to index
        %parallel_loop3A_432 = arith.constant 80 : index
        %parallel_loop3A_433 = tpu.vector_load %arg5[%parallel_loop3A_430, %parallel_loop3A_431, %parallel_loop3A_432] {strides = array<i32>} : memref<32x8x128xi32, #tpu.memory_space<vmem>>, vector<16xi32>,
        %parallel_loop3A_434 = arith.addi %parallel_loop3A_398, %parallel_loop3A_403 : vector<16xi32>
        %parallel_loop3A_435 = arith.addi %parallel_loop3A_408, %parallel_loop3A_413 : vector<16xi32>
        %parallel_loop3A_436 = arith.addi %parallel_loop3A_418, %parallel_loop3A_423 : vector<16xi32>
        %parallel_loop3A_437 = arith.addi %parallel_loop3A_428, %parallel_loop3A_433 : vector<16xi32>
        %parallel_loop3A_438 = arith.addi %parallel_loop3A_434, %parallel_loop3A_435 : vector<16xi32>
        %parallel_loop3A_439 = arith.addi %parallel_loop3A_436, %parallel_loop3A_437 : vector<16xi32>
        %parallel_loop3A_440 = arith.addi %parallel_loop3A_438, %parallel_loop3A_439 : vector<16xi32>
        %parallel_loop3A_441 = arith.constant 128 : i32
        %parallel_loop3A_442 = arith.muli %parallel_loop3A_113, %parallel_loop3A_441 : i32
        %parallel_loop3A_443 = arith.constant 80 : i32
        %parallel_loop3A_444 = arith.addi %parallel_loop3A_442, %parallel_loop3A_443 : i32
        %parallel_loop3A_445 = arith.index_cast %parallel_loop3A_444 : i32 to index
        %parallel_loop3A_446 = tpu.vector_load %arg6[%parallel_loop3A_445] {strides = array<i32>} : memref<4096xi32, #tpu.memory_space<vmem>>, vector<16xi32>,
        %parallel_loop3A_447 = arith.addi %parallel_loop3A_446, %parallel_loop3A_440 : vector<16xi32>
        %parallel_loop3A_448 = arith.index_cast %parallel_loop3A_444 : i32 to index
        %parallel_loop3A_449 = tpu.vector_load %arg6[%parallel_loop3A_448] {strides = array<i32>} : memref<4096xi32, #tpu.memory_space<vmem>>, vector<16xi32>,
        tpu.vector_store %arg6[%parallel_loop3A_448], %parallel_loop3A_447 {strides = array<i32>} : memref<4096xi32, #tpu.memory_space<vmem>>, vector<16xi32>,
        %parallel_loop3A_450 = arith.constant 0 : i32
        %parallel_loop3A_451 = arith.index_cast %parallel_loop3A_113 : i32 to index
        %parallel_loop3A_452 = arith.index_cast %parallel_loop3A_450 : i32 to index
        %parallel_loop3A_453 = arith.constant 96 : index
        %parallel_loop3A_454 = tpu.vector_load %arg5[%parallel_loop3A_451, %parallel_loop3A_452, %parallel_loop3A_453] {strides = array<i32>} : memref<32x8x128xi32, #tpu.memory_space<vmem>>, vector<16xi32>,
        %parallel_loop3A_455 = arith.constant 1 : i32
        %parallel_loop3A_456 = arith.index_cast %parallel_loop3A_113 : i32 to index
        %parallel_loop3A_457 = arith.index_cast %parallel_loop3A_455 : i32 to index
        %parallel_loop3A_458 = arith.constant 96 : index
        %parallel_loop3A_459 = tpu.vector_load %arg5[%parallel_loop3A_456, %parallel_loop3A_457, %parallel_loop3A_458] {strides = array<i32>} : memref<32x8x128xi32, #tpu.memory_space<vmem>>, vector<16xi32>,
        %parallel_loop3A_460 = arith.constant 2 : i32
        %parallel_loop3A_461 = arith.index_cast %parallel_loop3A_113 : i32 to index
        %parallel_loop3A_462 = arith.index_cast %parallel_loop3A_460 : i32 to index
        %parallel_loop3A_463 = arith.constant 96 : index
        %parallel_loop3A_464 = tpu.vector_load %arg5[%parallel_loop3A_461, %parallel_loop3A_462, %parallel_loop3A_463] {strides = array<i32>} : memref<32x8x128xi32, #tpu.memory_space<vmem>>, vector<16xi32>,
        %parallel_loop3A_465 = arith.constant 3 : i32
        %parallel_loop3A_466 = arith.index_cast %parallel_loop3A_113 : i32 to index
        %parallel_loop3A_467 = arith.index_cast %parallel_loop3A_465 : i32 to index
        %parallel_loop3A_468 = arith.constant 96 : index
        %parallel_loop3A_469 = tpu.vector_load %arg5[%parallel_loop3A_466, %parallel_loop3A_467, %parallel_loop3A_468] {strides = array<i32>} : memref<32x8x128xi32, #tpu.memory_space<vmem>>, vector<16xi32>,
        %parallel_loop3A_470 = arith.constant 4 : i32
        %parallel_loop3A_471 = arith.index_cast %parallel_loop3A_113 : i32 to index
        %parallel_loop3A_472 = arith.index_cast %parallel_loop3A_470 : i32 to index
        %parallel_loop3A_473 = arith.constant 96 : index
        %parallel_loop3A_474 = tpu.vector_load %arg5[%parallel_loop3A_471, %parallel_loop3A_472, %parallel_loop3A_473] {strides = array<i32>} : memref<32x8x128xi32, #tpu.memory_space<vmem>>, vector<16xi32>,
        %parallel_loop3A_475 = arith.constant 5 : i32
        %parallel_loop3A_476 = arith.index_cast %parallel_loop3A_113 : i32 to index
        %parallel_loop3A_477 = arith.index_cast %parallel_loop3A_475 : i32 to index
        %parallel_loop3A_478 = arith.constant 96 : index
        %parallel_loop3A_479 = tpu.vector_load %arg5[%parallel_loop3A_476, %parallel_loop3A_477, %parallel_loop3A_478] {strides = array<i32>} : memref<32x8x128xi32, #tpu.memory_space<vmem>>, vector<16xi32>,
        %parallel_loop3A_480 = arith.constant 6 : i32
        %parallel_loop3A_481 = arith.index_cast %parallel_loop3A_113 : i32 to index
        %parallel_loop3A_482 = arith.index_cast %parallel_loop3A_480 : i32 to index
        %parallel_loop3A_483 = arith.constant 96 : index
        %parallel_loop3A_484 = tpu.vector_load %arg5[%parallel_loop3A_481, %parallel_loop3A_482, %parallel_loop3A_483] {strides = array<i32>} : memref<32x8x128xi32, #tpu.memory_space<vmem>>, vector<16xi32>,
        %parallel_loop3A_485 = arith.constant 7 : i32
        %parallel_loop3A_486 = arith.index_cast %parallel_loop3A_113 : i32 to index
        %parallel_loop3A_487 = arith.index_cast %parallel_loop3A_485 : i32 to index
        %parallel_loop3A_488 = arith.constant 96 : index
        %parallel_loop3A_489 = tpu.vector_load %arg5[%parallel_loop3A_486, %parallel_loop3A_487, %parallel_loop3A_488] {strides = array<i32>} : memref<32x8x128xi32, #tpu.memory_space<vmem>>, vector<16xi32>,
        %parallel_loop3A_490 = arith.addi %parallel_loop3A_454, %parallel_loop3A_459 : vector<16xi32>
        %parallel_loop3A_491 = arith.addi %parallel_loop3A_464, %parallel_loop3A_469 : vector<16xi32>
        %parallel_loop3A_492 = arith.addi %parallel_loop3A_474, %parallel_loop3A_479 : vector<16xi32>
        %parallel_loop3A_493 = arith.addi %parallel_loop3A_484, %parallel_loop3A_489 : vector<16xi32>
        %parallel_loop3A_494 = arith.addi %parallel_loop3A_490, %parallel_loop3A_491 : vector<16xi32>
        %parallel_loop3A_495 = arith.addi %parallel_loop3A_492, %parallel_loop3A_493 : vector<16xi32>
        %parallel_loop3A_496 = arith.addi %parallel_loop3A_494, %parallel_loop3A_495 : vector<16xi32>
        %parallel_loop3A_497 = arith.constant 128 : i32
        %parallel_loop3A_498 = arith.muli %parallel_loop3A_113, %parallel_loop3A_497 : i32
        %parallel_loop3A_499 = arith.constant 96 : i32
        %parallel_loop3A_500 = arith.addi %parallel_loop3A_498, %parallel_loop3A_499 : i32
        %parallel_loop3A_501 = arith.index_cast %parallel_loop3A_500 : i32 to index
        %parallel_loop3A_502 = tpu.vector_load %arg6[%parallel_loop3A_501] {strides = array<i32>} : memref<4096xi32, #tpu.memory_space<vmem>>, vector<16xi32>,
        %parallel_loop3A_503 = arith.addi %parallel_loop3A_502, %parallel_loop3A_496 : vector<16xi32>
        %parallel_loop3A_504 = arith.index_cast %parallel_loop3A_500 : i32 to index
        %parallel_loop3A_505 = tpu.vector_load %arg6[%parallel_loop3A_504] {strides = array<i32>} : memref<4096xi32, #tpu.memory_space<vmem>>, vector<16xi32>,
        tpu.vector_store %arg6[%parallel_loop3A_504], %parallel_loop3A_503 {strides = array<i32>} : memref<4096xi32, #tpu.memory_space<vmem>>, vector<16xi32>,
        %parallel_loop3A_506 = arith.constant 0 : i32
        %parallel_loop3A_507 = arith.index_cast %parallel_loop3A_113 : i32 to index
        %parallel_loop3A_508 = arith.index_cast %parallel_loop3A_506 : i32 to index
        %parallel_loop3A_509 = arith.constant 112 : index
        %parallel_loop3A_510 = tpu.vector_load %arg5[%parallel_loop3A_507, %parallel_loop3A_508, %parallel_loop3A_509] {strides = array<i32>} : memref<32x8x128xi32, #tpu.memory_space<vmem>>, vector<16xi32>,
        %parallel_loop3A_511 = arith.constant 1 : i32
        %parallel_loop3A_512 = arith.index_cast %parallel_loop3A_113 : i32 to index
        %parallel_loop3A_513 = arith.index_cast %parallel_loop3A_511 : i32 to index
        %parallel_loop3A_514 = arith.constant 112 : index
        %parallel_loop3A_515 = tpu.vector_load %arg5[%parallel_loop3A_512, %parallel_loop3A_513, %parallel_loop3A_514] {strides = array<i32>} : memref<32x8x128xi32, #tpu.memory_space<vmem>>, vector<16xi32>,
        %parallel_loop3A_516 = arith.constant 2 : i32
        %parallel_loop3A_517 = arith.index_cast %parallel_loop3A_113 : i32 to index
        %parallel_loop3A_518 = arith.index_cast %parallel_loop3A_516 : i32 to index
        %parallel_loop3A_519 = arith.constant 112 : index
        %parallel_loop3A_520 = tpu.vector_load %arg5[%parallel_loop3A_517, %parallel_loop3A_518, %parallel_loop3A_519] {strides = array<i32>} : memref<32x8x128xi32, #tpu.memory_space<vmem>>, vector<16xi32>,
        %parallel_loop3A_521 = arith.constant 3 : i32
        %parallel_loop3A_522 = arith.index_cast %parallel_loop3A_113 : i32 to index
        %parallel_loop3A_523 = arith.index_cast %parallel_loop3A_521 : i32 to index
        %parallel_loop3A_524 = arith.constant 112 : index
        %parallel_loop3A_525 = tpu.vector_load %arg5[%parallel_loop3A_522, %parallel_loop3A_523, %parallel_loop3A_524] {strides = array<i32>} : memref<32x8x128xi32, #tpu.memory_space<vmem>>, vector<16xi32>,
        %parallel_loop3A_526 = arith.constant 4 : i32
        %parallel_loop3A_527 = arith.index_cast %parallel_loop3A_113 : i32 to index
        %parallel_loop3A_528 = arith.index_cast %parallel_loop3A_526 : i32 to index
        %parallel_loop3A_529 = arith.constant 112 : index
        %parallel_loop3A_530 = tpu.vector_load %arg5[%parallel_loop3A_527, %parallel_loop3A_528, %parallel_loop3A_529] {strides = array<i32>} : memref<32x8x128xi32, #tpu.memory_space<vmem>>, vector<16xi32>,
        %parallel_loop3A_531 = arith.constant 5 : i32
        %parallel_loop3A_532 = arith.index_cast %parallel_loop3A_113 : i32 to index
        %parallel_loop3A_533 = arith.index_cast %parallel_loop3A_531 : i32 to index
        %parallel_loop3A_534 = arith.constant 112 : index
        %parallel_loop3A_535 = tpu.vector_load %arg5[%parallel_loop3A_532, %parallel_loop3A_533, %parallel_loop3A_534] {strides = array<i32>} : memref<32x8x128xi32, #tpu.memory_space<vmem>>, vector<16xi32>,
        %parallel_loop3A_536 = arith.constant 6 : i32
        %parallel_loop3A_537 = arith.index_cast %parallel_loop3A_113 : i32 to index
        %parallel_loop3A_538 = arith.index_cast %parallel_loop3A_536 : i32 to index
        %parallel_loop3A_539 = arith.constant 112 : index
        %parallel_loop3A_540 = tpu.vector_load %arg5[%parallel_loop3A_537, %parallel_loop3A_538, %parallel_loop3A_539] {strides = array<i32>} : memref<32x8x128xi32, #tpu.memory_space<vmem>>, vector<16xi32>,
        %parallel_loop3A_541 = arith.constant 7 : i32
        %parallel_loop3A_542 = arith.index_cast %parallel_loop3A_113 : i32 to index
        %parallel_loop3A_543 = arith.index_cast %parallel_loop3A_541 : i32 to index
        %parallel_loop3A_544 = arith.constant 112 : index
        %parallel_loop3A_545 = tpu.vector_load %arg5[%parallel_loop3A_542, %parallel_loop3A_543, %parallel_loop3A_544] {strides = array<i32>} : memref<32x8x128xi32, #tpu.memory_space<vmem>>, vector<16xi32>,
        %parallel_loop3A_546 = arith.addi %parallel_loop3A_510, %parallel_loop3A_515 : vector<16xi32>
        %parallel_loop3A_547 = arith.addi %parallel_loop3A_520, %parallel_loop3A_525 : vector<16xi32>
        %parallel_loop3A_548 = arith.addi %parallel_loop3A_530, %parallel_loop3A_535 : vector<16xi32>
        %parallel_loop3A_549 = arith.addi %parallel_loop3A_540, %parallel_loop3A_545 : vector<16xi32>
        %parallel_loop3A_550 = arith.addi %parallel_loop3A_546, %parallel_loop3A_547 : vector<16xi32>
        %parallel_loop3A_551 = arith.addi %parallel_loop3A_548, %parallel_loop3A_549 : vector<16xi32>
        %parallel_loop3A_552 = arith.addi %parallel_loop3A_550, %parallel_loop3A_551 : vector<16xi32>
        %parallel_loop3A_553 = arith.constant 128 : i32
        %parallel_loop3A_554 = arith.muli %parallel_loop3A_113, %parallel_loop3A_553 : i32
        %parallel_loop3A_555 = arith.constant 112 : i32
        %parallel_loop3A_556 = arith.addi %parallel_loop3A_554, %parallel_loop3A_555 : i32
        %parallel_loop3A_557 = arith.index_cast %parallel_loop3A_556 : i32 to index
        %parallel_loop3A_558 = tpu.vector_load %arg6[%parallel_loop3A_557] {strides = array<i32>} : memref<4096xi32, #tpu.memory_space<vmem>>, vector<16xi32>,
        %parallel_loop3A_559 = arith.addi %parallel_loop3A_558, %parallel_loop3A_552 : vector<16xi32>
        %parallel_loop3A_560 = arith.index_cast %parallel_loop3A_556 : i32 to index
        %parallel_loop3A_561 = tpu.vector_load %arg6[%parallel_loop3A_560] {strides = array<i32>} : memref<4096xi32, #tpu.memory_space<vmem>>, vector<16xi32>,
        tpu.vector_store %arg6[%parallel_loop3A_560], %parallel_loop3A_559 {strides = array<i32>} : memref<4096xi32, #tpu.memory_space<vmem>>, vector<16xi32>,
      } {sc.loop_unroll_factor = 2 : i64, sc.parallel_access}
      %add3A_106 = arith.constant 3 : i32
      %add3A_107 = arith.addi %mul3A_69, %add3A_106 : i32
      %lt3A_108 = arith.constant 16 : i32
      %lt3A_109 = arith.cmpi slt, %add3A_107, %lt3A_108 : i32
      %convert_element_type3A_110 = arith.extui %lt3A_109 : i1 to i32
      %cond3A_111 = arith.constant 0 : i32
      %cond3A_112 = arith.cmpi ne, %convert_element_type3A_110, %cond3A_111 : i32
      scf.if %cond3A_112 {
        %add3A_113 = arith.constant 3 : i32
        %add3A_114 = arith.addi %mul3A_69, %add3A_113 : i32
        %mul3A_115 = arith.constant 8 : i32
        %mul3A_116 = arith.muli %rem3A_2, %mul3A_115 : i32
        %div3A_117 = arith.constant 2 : i32
        %div3A_118 = arith.divsi %add3A_114, %div3A_117 : i32
        %add3A_119 = arith.addi %mul3A_116, %div3A_118 : i32
        %rem3A_120 = arith.constant 2 : i32
        %rem3A_121 = arith.remsi %add3A_114, %rem3A_120 : i32
        %dma_start3A_122 = arith.constant 0 : i32
        %dma_start3A_123 = arith.constant 0 : i32
        %dma_start3A_124 = arith.constant 0 : i32
        %dma_start3A_125 = tpu.memref_slice %arg2[%div3A_1, %add3A_119, %rem3A_121, %dma_start3A_122, %dma_start3A_123, %dma_start3A_124] : memref<16x16x2x32x8x128xi32, #tpu.memory_space<hbm>> -> memref<1x1x1x32x8x128xi32, #tpu.memory_space<hbm>>
        %dma_start3A_126 = tpu.memref_squeeze %dma_start3A_125 : memref<1x1x1x32x8x128xi32, #tpu.memory_space<hbm>> -> memref<32x8x128xi32, #tpu.memory_space<hbm>>
        %dma_start3A_127 = arith.constant 0 : i32
        %dma_start3A_128 = arith.constant 0 : i32
        %dma_start3A_129 = arith.constant 0 : i32
        %dma_start3A_130 = tpu.memref_slice %arg2[%div3A_1, %add3A_119, %rem3A_121, %dma_start3A_127, %dma_start3A_128, %dma_start3A_129] : memref<16x16x2x32x8x128xi32, #tpu.memory_space<hbm>> -> memref<1x1x1x32x8x128xi32, #tpu.memory_space<hbm>>
        %dma_start3A_131 = tpu.memref_squeeze %dma_start3A_130 : memref<1x1x1x32x8x128xi32, #tpu.memory_space<hbm>> -> memref<32x8x128xi32, #tpu.memory_space<hbm>>
        tpu.enqueue_dma source(%dma_start3A_131 : memref<32x8x128xi32, #tpu.memory_space<hbm>>) target(%arg5 : memref<32x8x128xi32, #tpu.memory_space<vmem>>) target_semaphore(%arg12 : memref<!tpu.dma_semaphore, #tpu.memory_space<semaphore_mem>>)
      } else {
      }
    }
    %scan3A_62 = arith.constant 8 : i32
    "tpu.region"() ({
      %run_scoped3A = tpu.sem_alloc : memref<!tpu.dma_semaphore, #tpu.memory_space<semaphore_mem>>
      %dma_start3A_67 = arith.constant 0 : i32
      %dma_start3A_68 = tpu.memref_slice %arg10[%arg1, %dma_start3A_67] : memref<16x4096xi32, #tpu.memory_space<vmem_shared>> -> memref<1x4096xi32, #tpu.memory_space<vmem_shared>>
      %dma_start3A_69 = tpu.memref_squeeze %dma_start3A_68 : memref<1x4096xi32, #tpu.memory_space<vmem_shared>> -> memref<4096xi32, #tpu.memory_space<vmem_shared>>
      %dma_start3A_70 = arith.constant 0 : i32
      %dma_start3A_71 = tpu.memref_slice %arg10[%arg1, %dma_start3A_70] : memref<16x4096xi32, #tpu.memory_space<vmem_shared>> -> memref<1x4096xi32, #tpu.memory_space<vmem_shared>>
      %dma_start3A_72 = tpu.memref_squeeze %dma_start3A_71 : memref<1x4096xi32, #tpu.memory_space<vmem_shared>> -> memref<4096xi32, #tpu.memory_space<vmem_shared>>
      tpu.enqueue_dma source(%arg6 : memref<4096xi32, #tpu.memory_space<vmem>>) target(%dma_start3A_72 : memref<4096xi32, #tpu.memory_space<vmem_shared>>) target_semaphore(%run_scoped3A : memref<!tpu.dma_semaphore, #tpu.memory_space<semaphore_mem>>)
      %dma_wait3A = arith.constant 0 : i32
      %dma_wait3A_73 = tpu.memref_slice %arg10[%arg1, %dma_wait3A] : memref<16x4096xi32, #tpu.memory_space<vmem_shared>> -> memref<1x4096xi32, #tpu.memory_space<vmem_shared>>
      %dma_wait3A_74 = tpu.memref_squeeze %dma_wait3A_73 : memref<1x4096xi32, #tpu.memory_space<vmem_shared>> -> memref<4096xi32, #tpu.memory_space<vmem_shared>>
      %dma_wait3A_75 = arith.constant 0 : i32
      %dma_wait3A_76 = tpu.memref_slice %arg10[%arg1, %dma_wait3A_75] : memref<16x4096xi32, #tpu.memory_space<vmem_shared>> -> memref<1x4096xi32, #tpu.memory_space<vmem_shared>>
      %dma_wait3A_77 = tpu.memref_squeeze %dma_wait3A_76 : memref<1x4096xi32, #tpu.memory_space<vmem_shared>> -> memref<4096xi32, #tpu.memory_space<vmem_shared>>
      tpu.wait_dma2 semaphore(%run_scoped3A : memref<!tpu.dma_semaphore, #tpu.memory_space<semaphore_mem>>) src(%arg6 : memref<4096xi32, #tpu.memory_space<vmem>>) dst(%dma_wait3A_77 : memref<4096xi32, #tpu.memory_space<vmem_shared>>)
      tpu.yield
    }) : () -> ()
    %barrier3A = arith.constant 0 : index
    tpu.barrier barrier_id(%barrier3A)
    %rem3A_63 = arith.constant 2 : i32
    %rem3A_64 = arith.remsi %arg1, %rem3A_63 : i32
    %eq3A = arith.constant 0 : i32
    %eq3A_65 = arith.cmpi eq, %rem3A_64, %eq3A : i32
    %convert_element_type3A = arith.extui %eq3A_65 : i1 to i32
    %cond3A = arith.constant 0 : i32
    %cond3A_66 = arith.cmpi ne, %convert_element_type3A, %cond3A : i32
    scf.if %cond3A_66 {
      %add3A_67 = arith.constant 1 : i32
      %add3A_68 = arith.addi %arg1, %add3A_67 : i32
      "tpu.region"() ({
        %run_scoped3A = tpu.sem_alloc : memref<!tpu.dma_semaphore, #tpu.memory_space<semaphore_mem>>
        %dma_start3A_93 = arith.constant 0 : i32
        %dma_start3A_94 = tpu.memref_slice %arg10[%add3A_68, %dma_start3A_93] : memref<16x4096xi32, #tpu.memory_space<vmem_shared>> -> memref<1x4096xi32, #tpu.memory_space<vmem_shared>>
        %dma_start3A_95 = tpu.memref_squeeze %dma_start3A_94 : memref<1x4096xi32, #tpu.memory_space<vmem_shared>> -> memref<4096xi32, #tpu.memory_space<vmem_shared>>
        %dma_start3A_96 = arith.constant 0 : i32
        %dma_start3A_97 = tpu.memref_slice %arg10[%add3A_68, %dma_start3A_96] : memref<16x4096xi32, #tpu.memory_space<vmem_shared>> -> memref<1x4096xi32, #tpu.memory_space<vmem_shared>>
        %dma_start3A_98 = tpu.memref_squeeze %dma_start3A_97 : memref<1x4096xi32, #tpu.memory_space<vmem_shared>> -> memref<4096xi32, #tpu.memory_space<vmem_shared>>
        tpu.enqueue_dma source(%dma_start3A_98 : memref<4096xi32, #tpu.memory_space<vmem_shared>>) target(%arg7 : memref<4096xi32, #tpu.memory_space<vmem>>) target_semaphore(%run_scoped3A : memref<!tpu.dma_semaphore, #tpu.memory_space<semaphore_mem>>)
        %dma_wait3A = arith.constant 0 : i32
        %dma_wait3A_99 = tpu.memref_slice %arg10[%add3A_68, %dma_wait3A] : memref<16x4096xi32, #tpu.memory_space<vmem_shared>> -> memref<1x4096xi32, #tpu.memory_space<vmem_shared>>
        %dma_wait3A_100 = tpu.memref_squeeze %dma_wait3A_99 : memref<1x4096xi32, #tpu.memory_space<vmem_shared>> -> memref<4096xi32, #tpu.memory_space<vmem_shared>>
        %dma_wait3A_101 = arith.constant 0 : i32
        %dma_wait3A_102 = tpu.memref_slice %arg10[%add3A_68, %dma_wait3A_101] : memref<16x4096xi32, #tpu.memory_space<vmem_shared>> -> memref<1x4096xi32, #tpu.memory_space<vmem_shared>>
        %dma_wait3A_103 = tpu.memref_squeeze %dma_wait3A_102 : memref<1x4096xi32, #tpu.memory_space<vmem_shared>> -> memref<4096xi32, #tpu.memory_space<vmem_shared>>
        tpu.wait_dma2 semaphore(%run_scoped3A : memref<!tpu.dma_semaphore, #tpu.memory_space<semaphore_mem>>) src(%dma_wait3A_103 : memref<4096xi32, #tpu.memory_space<vmem_shared>>) dst(%arg7 : memref<4096xi32, #tpu.memory_space<vmem>>)
        tpu.yield
      }) : () -> ()
      %scan3A_69 = arith.constant 0 : i32
      %scan3A_70 = arith.constant 0 : i32
      %scan3A_71 = arith.constant 256 : i32
      %scan3A_72 = arith.addi %scan3A_70, %scan3A_71 : i32
      %scan3A_73 = arith.constant 1 : i32
      scf.for %scan3A_93 = %scan3A_70 to %scan3A_72 step %scan3A_73  : i32 {
        %mul3A_94 = arith.constant 16 : i32
        %mul3A_95 = arith.muli %scan3A_93, %mul3A_94 : i32
        %get3A = arith.index_cast %mul3A_95 : i32 to index
        %get3A_96 = tpu.vector_load %arg6[%get3A] {strides = array<i32>} : memref<4096xi32, #tpu.memory_space<vmem>>, vector<16xi32>,
        %mul3A_97 = arith.constant 16 : i32
        %mul3A_98 = arith.muli %scan3A_93, %mul3A_97 : i32
        %get3A_99 = arith.index_cast %mul3A_98 : i32 to index
        %get3A_100 = tpu.vector_load %arg7[%get3A_99] {strides = array<i32>} : memref<4096xi32, #tpu.memory_space<vmem>>, vector<16xi32>,
        %add3A_101 = arith.addi %get3A_96, %get3A_100 : vector<16xi32>
        %add3A_102 = arith.addi %add3A_101, %mul3A_5 : vector<16xi32>
        %lt3A = arith.constant 256 : i32
        %lt3A_103 = vector.broadcast %lt3A : i32 to vector<16xi32>
        %lt3A_104 = arith.cmpi slt, %add3A_101, %lt3A_103 : vector<16xi32>
        tpu.vector_store_idx %arg8[%add3A_102], %broadcast_in_dim3A_6 masked %lt3A_104 {add = true} : memref<4096xi32, #tpu.memory_space<vmem>>[vector<16xi32>], vector<16xi32>, vector<16xi1>
      }
      %scan3A_74 = arith.constant 256 : i32
      %broadcast_in_dim3A_75 = arith.constant 0.000000e+00 : f32
      %broadcast_in_dim3A_76 = vector.broadcast %broadcast_in_dim3A_75 : f32 to vector<16xf32>
      %scan3A_77 = arith.constant 0 : i32
      %scan3A_78 = arith.constant 16 : i32
      %scan3A_79 = arith.addi %scan3A_77, %scan3A_78 : i32
      %scan3A_80 = arith.constant 1 : i32
      %scan3A_81 = scf.for %scan3A_93 = %scan3A_77 to %scan3A_79 step %scan3A_80 iter_args(%scan3A_94 = %broadcast_in_dim3A_76) -> (vector<16xf32>)  : i32 {
        %mul3A_95 = arith.constant 16 : i32
        %mul3A_96 = arith.muli %scan3A_93, %mul3A_95 : i32
        %get3A = arith.index_cast %mul3A_96 : i32 to index
        %get3A_97 = tpu.vector_load %arg8[%get3A] {strides = array<i32>} : memref<4096xi32, #tpu.memory_space<vmem>>, vector<16xi32>,
        %mul3A_98 = arith.constant 16 : i32
        %mul3A_99 = arith.muli %scan3A_93, %mul3A_98 : i32
        %add3A_100 = arith.constant 256 : i32
        %add3A_101 = arith.addi %add3A_100, %mul3A_99 : i32
        %get3A_102 = arith.index_cast %add3A_101 : i32 to index
        %get3A_103 = tpu.vector_load %arg8[%get3A_102] {strides = array<i32>} : memref<4096xi32, #tpu.memory_space<vmem>>, vector<16xi32>,
        %add3A_104 = arith.addi %get3A_97, %get3A_103 : vector<16xi32>
        %mul3A_105 = arith.constant 16 : i32
        %mul3A_106 = arith.muli %scan3A_93, %mul3A_105 : i32
        %add3A_107 = arith.constant 512 : i32
        %add3A_108 = arith.addi %add3A_107, %mul3A_106 : i32
        %get3A_109 = arith.index_cast %add3A_108 : i32 to index
        %get3A_110 = tpu.vector_load %arg8[%get3A_109] {strides = array<i32>} : memref<4096xi32, #tpu.memory_space<vmem>>, vector<16xi32>,
        %add3A_111 = arith.addi %add3A_104, %get3A_110 : vector<16xi32>
        %mul3A_112 = arith.constant 16 : i32
        %mul3A_113 = arith.muli %scan3A_93, %mul3A_112 : i32
        %add3A_114 = arith.constant 768 : i32
        %add3A_115 = arith.addi %add3A_114, %mul3A_113 : i32
        %get3A_116 = arith.index_cast %add3A_115 : i32 to index
        %get3A_117 = tpu.vector_load %arg8[%get3A_116] {strides = array<i32>} : memref<4096xi32, #tpu.memory_space<vmem>>, vector<16xi32>,
        %add3A_118 = arith.addi %add3A_111, %get3A_117 : vector<16xi32>
        %mul3A_119 = arith.constant 16 : i32
        %mul3A_120 = arith.muli %scan3A_93, %mul3A_119 : i32
        %add3A_121 = arith.constant 1024 : i32
        %add3A_122 = arith.addi %add3A_121, %mul3A_120 : i32
        %get3A_123 = arith.index_cast %add3A_122 : i32 to index
        %get3A_124 = tpu.vector_load %arg8[%get3A_123] {strides = array<i32>} : memref<4096xi32, #tpu.memory_space<vmem>>, vector<16xi32>,
        %add3A_125 = arith.addi %add3A_118, %get3A_124 : vector<16xi32>
        %mul3A_126 = arith.constant 16 : i32
        %mul3A_127 = arith.muli %scan3A_93, %mul3A_126 : i32
        %add3A_128 = arith.constant 1280 : i32
        %add3A_129 = arith.addi %add3A_128, %mul3A_127 : i32
        %get3A_130 = arith.index_cast %add3A_129 : i32 to index
        %get3A_131 = tpu.vector_load %arg8[%get3A_130] {strides = array<i32>} : memref<4096xi32, #tpu.memory_space<vmem>>, vector<16xi32>,
        %add3A_132 = arith.addi %add3A_125, %get3A_131 : vector<16xi32>
        %mul3A_133 = arith.constant 16 : i32
        %mul3A_134 = arith.muli %scan3A_93, %mul3A_133 : i32
        %add3A_135 = arith.constant 1536 : i32
        %add3A_136 = arith.addi %add3A_135, %mul3A_134 : i32
        %get3A_137 = arith.index_cast %add3A_136 : i32 to index
        %get3A_138 = tpu.vector_load %arg8[%get3A_137] {strides = array<i32>} : memref<4096xi32, #tpu.memory_space<vmem>>, vector<16xi32>,
        %add3A_139 = arith.addi %add3A_132, %get3A_138 : vector<16xi32>
        %mul3A_140 = arith.constant 16 : i32
        %mul3A_141 = arith.muli %scan3A_93, %mul3A_140 : i32
        %add3A_142 = arith.constant 1792 : i32
        %add3A_143 = arith.addi %add3A_142, %mul3A_141 : i32
        %get3A_144 = arith.index_cast %add3A_143 : i32 to index
        %get3A_145 = tpu.vector_load %arg8[%get3A_144] {strides = array<i32>} : memref<4096xi32, #tpu.memory_space<vmem>>, vector<16xi32>,
        %add3A_146 = arith.addi %add3A_139, %get3A_145 : vector<16xi32>
        %mul3A_147 = arith.constant 16 : i32
        %mul3A_148 = arith.muli %scan3A_93, %mul3A_147 : i32
        %add3A_149 = arith.constant 2048 : i32
        %add3A_150 = arith.addi %add3A_149, %mul3A_148 : i32
        %get3A_151 = arith.index_cast %add3A_150 : i32 to index
        %get3A_152 = tpu.vector_load %arg8[%get3A_151] {strides = array<i32>} : memref<4096xi32, #tpu.memory_space<vmem>>, vector<16xi32>,
        %add3A_153 = arith.addi %add3A_146, %get3A_152 : vector<16xi32>
        %mul3A_154 = arith.constant 16 : i32
        %mul3A_155 = arith.muli %scan3A_93, %mul3A_154 : i32
        %add3A_156 = arith.constant 2304 : i32
        %add3A_157 = arith.addi %add3A_156, %mul3A_155 : i32
        %get3A_158 = arith.index_cast %add3A_157 : i32 to index
        %get3A_159 = tpu.vector_load %arg8[%get3A_158] {strides = array<i32>} : memref<4096xi32, #tpu.memory_space<vmem>>, vector<16xi32>,
        %add3A_160 = arith.addi %add3A_153, %get3A_159 : vector<16xi32>
        %mul3A_161 = arith.constant 16 : i32
        %mul3A_162 = arith.muli %scan3A_93, %mul3A_161 : i32
        %add3A_163 = arith.constant 2560 : i32
        %add3A_164 = arith.addi %add3A_163, %mul3A_162 : i32
        %get3A_165 = arith.index_cast %add3A_164 : i32 to index
        %get3A_166 = tpu.vector_load %arg8[%get3A_165] {strides = array<i32>} : memref<4096xi32, #tpu.memory_space<vmem>>, vector<16xi32>,
        %add3A_167 = arith.addi %add3A_160, %get3A_166 : vector<16xi32>
        %mul3A_168 = arith.constant 16 : i32
        %mul3A_169 = arith.muli %scan3A_93, %mul3A_168 : i32
        %add3A_170 = arith.constant 2816 : i32
        %add3A_171 = arith.addi %add3A_170, %mul3A_169 : i32
        %get3A_172 = arith.index_cast %add3A_171 : i32 to index
        %get3A_173 = tpu.vector_load %arg8[%get3A_172] {strides = array<i32>} : memref<4096xi32, #tpu.memory_space<vmem>>, vector<16xi32>,
        %add3A_174 = arith.addi %add3A_167, %get3A_173 : vector<16xi32>
        %mul3A_175 = arith.constant 16 : i32
        %mul3A_176 = arith.muli %scan3A_93, %mul3A_175 : i32
        %add3A_177 = arith.constant 3072 : i32
        %add3A_178 = arith.addi %add3A_177, %mul3A_176 : i32
        %get3A_179 = arith.index_cast %add3A_178 : i32 to index
        %get3A_180 = tpu.vector_load %arg8[%get3A_179] {strides = array<i32>} : memref<4096xi32, #tpu.memory_space<vmem>>, vector<16xi32>,
        %add3A_181 = arith.addi %add3A_174, %get3A_180 : vector<16xi32>
        %mul3A_182 = arith.constant 16 : i32
        %mul3A_183 = arith.muli %scan3A_93, %mul3A_182 : i32
        %add3A_184 = arith.constant 3328 : i32
        %add3A_185 = arith.addi %add3A_184, %mul3A_183 : i32
        %get3A_186 = arith.index_cast %add3A_185 : i32 to index
        %get3A_187 = tpu.vector_load %arg8[%get3A_186] {strides = array<i32>} : memref<4096xi32, #tpu.memory_space<vmem>>, vector<16xi32>,
        %add3A_188 = arith.addi %add3A_181, %get3A_187 : vector<16xi32>
        %mul3A_189 = arith.constant 16 : i32
        %mul3A_190 = arith.muli %scan3A_93, %mul3A_189 : i32
        %add3A_191 = arith.constant 3584 : i32
        %add3A_192 = arith.addi %add3A_191, %mul3A_190 : i32
        %get3A_193 = arith.index_cast %add3A_192 : i32 to index
        %get3A_194 = tpu.vector_load %arg8[%get3A_193] {strides = array<i32>} : memref<4096xi32, #tpu.memory_space<vmem>>, vector<16xi32>,
        %add3A_195 = arith.addi %add3A_188, %get3A_194 : vector<16xi32>
        %mul3A_196 = arith.constant 16 : i32
        %mul3A_197 = arith.muli %scan3A_93, %mul3A_196 : i32
        %add3A_198 = arith.constant 3840 : i32
        %add3A_199 = arith.addi %add3A_198, %mul3A_197 : i32
        %get3A_200 = arith.index_cast %add3A_199 : i32 to index
        %get3A_201 = tpu.vector_load %arg8[%get3A_200] {strides = array<i32>} : memref<4096xi32, #tpu.memory_space<vmem>>, vector<16xi32>,
        %add3A_202 = arith.addi %add3A_195, %get3A_201 : vector<16xi32>
        %convert_element_type3A_203 = arith.sitofp %add3A_202 : vector<16xi32> to vector<16xf32>
        %mul3A_204 = arith.constant 16 : i32
        %mul3A_205 = arith.muli %scan3A_93, %mul3A_204 : i32
        %swap3A = arith.index_cast %mul3A_205 : i32 to index
        %swap3A_206 = tpu.vector_load %arg9[%swap3A] {strides = array<i32>} : memref<256xf32, #tpu.memory_space<vmem>>, vector<16xf32>,
        tpu.vector_store %arg9[%swap3A], %convert_element_type3A_203 {strides = array<i32>} : memref<256xf32, #tpu.memory_space<vmem>>, vector<16xf32>,
        %add3A_207 = arith.addf %scan3A_94, %convert_element_type3A_203 : vector<16xf32>
        scf.yield %add3A_207 : vector<16xf32>
      }
      %scan3A_82 = arith.constant 16 : i32
      %reduce_sum3A = arith.constant true
      %reduce_sum3A_83 = vector.broadcast %reduce_sum3A : i1 to vector<16xi1>
      %reduce_sum3A_84 = tpu.scan <sum>, %scan3A_81 masked %reduce_sum3A_83 : vector<16xf32>, vector<16xi1> -> vector<16xf32>
      %reduce_sum3A_85 = vector.extract %reduce_sum3A_84[15] : f32 from vector<16xf32>
      %broadcast_in_dim3A_86 = vector.broadcast %reduce_sum3A_85 : f32 to vector<16xf32>
      %scan3A_87 = arith.constant 0 : i32
      %scan3A_88 = arith.constant 0 : i32
      %scan3A_89 = arith.constant 16 : i32
      %scan3A_90 = arith.addi %scan3A_88, %scan3A_89 : i32
      %scan3A_91 = arith.constant 1 : i32
      scf.for %scan3A_93 = %scan3A_88 to %scan3A_90 step %scan3A_91  : i32 {
        %mul3A_94 = arith.constant 16 : i32
        %mul3A_95 = arith.muli %scan3A_93, %mul3A_94 : i32
        %get3A = arith.index_cast %mul3A_95 : i32 to index
        %get3A_96 = tpu.vector_load %arg9[%get3A] {strides = array<i32>} : memref<256xf32, #tpu.memory_space<vmem>>, vector<16xf32>,
        %div3A_97 = arith.divf %get3A_96, %broadcast_in_dim3A_86 : vector<16xf32>
        %mul3A_98 = arith.constant 16 : i32
        %mul3A_99 = arith.muli %scan3A_93, %mul3A_98 : i32
        %swap3A = arith.index_cast %mul3A_99 : i32 to index
        %swap3A_100 = tpu.vector_load %arg9[%swap3A] {strides = array<i32>} : memref<256xf32, #tpu.memory_space<vmem>>, vector<16xf32>,
        tpu.vector_store %arg9[%swap3A], %div3A_97 {strides = array<i32>} : memref<256xf32, #tpu.memory_space<vmem>>, vector<16xf32>,
      }
      %scan3A_92 = arith.constant 16 : i32
      "tpu.region"() ({
        %run_scoped3A = tpu.sem_alloc : memref<!tpu.dma_semaphore, #tpu.memory_space<semaphore_mem>>
        %dma_start3A_93 = arith.constant 0 : i32
        %dma_start3A_94 = tpu.memref_slice %arg3[%div3A_1, %dma_start3A_93] : memref<16x256xf32, #tpu.memory_space<hbm>> -> memref<1x256xf32, #tpu.memory_space<hbm>>
        %dma_start3A_95 = tpu.memref_squeeze %dma_start3A_94 : memref<1x256xf32, #tpu.memory_space<hbm>> -> memref<256xf32, #tpu.memory_space<hbm>>
        %dma_start3A_96 = arith.constant 0 : i32
        %dma_start3A_97 = tpu.memref_slice %arg3[%div3A_1, %dma_start3A_96] : memref<16x256xf32, #tpu.memory_space<hbm>> -> memref<1x256xf32, #tpu.memory_space<hbm>>
        %dma_start3A_98 = tpu.memref_squeeze %dma_start3A_97 : memref<1x256xf32, #tpu.memory_space<hbm>> -> memref<256xf32, #tpu.memory_space<hbm>>
        tpu.enqueue_dma source(%arg9 : memref<256xf32, #tpu.memory_space<vmem>>) target(%dma_start3A_98 : memref<256xf32, #tpu.memory_space<hbm>>) target_semaphore(%run_scoped3A : memref<!tpu.dma_semaphore, #tpu.memory_space<semaphore_mem>>)
        %dma_wait3A = arith.constant 0 : i32
        %dma_wait3A_99 = tpu.memref_slice %arg3[%div3A_1, %dma_wait3A] : memref<16x256xf32, #tpu.memory_space<hbm>> -> memref<1x256xf32, #tpu.memory_space<hbm>>
        %dma_wait3A_100 = tpu.memref_squeeze %dma_wait3A_99 : memref<1x256xf32, #tpu.memory_space<hbm>> -> memref<256xf32, #tpu.memory_space<hbm>>
        %dma_wait3A_101 = arith.constant 0 : i32
        %dma_wait3A_102 = tpu.memref_slice %arg3[%div3A_1, %dma_wait3A_101] : memref<16x256xf32, #tpu.memory_space<hbm>> -> memref<1x256xf32, #tpu.memory_space<hbm>>
        %dma_wait3A_103 = tpu.memref_squeeze %dma_wait3A_102 : memref<1x256xf32, #tpu.memory_space<hbm>> -> memref<256xf32, #tpu.memory_space<hbm>>
        tpu.wait_dma2 semaphore(%run_scoped3A : memref<!tpu.dma_semaphore, #tpu.memory_space<semaphore_mem>>) src(%arg9 : memref<256xf32, #tpu.memory_space<vmem>>) dst(%dma_wait3A_103 : memref<256xf32, #tpu.memory_space<hbm>>)
        tpu.yield
      }) : () -> ()
    } else {
    }
    return
  }
}

</mosaic_0001>

<sc_bundles>
// kernel: kernel.3.cloned.1.call-start
scs
__scs_entry_jumppad:
0x0: {  	(pc) =	sbr.rel $0x88, $3  }
0x1: {  	(tag) =	ssettag $0x0;
	lr =	simm.s32 $0x1  }
0x2: {  	[smem:$0x3FA0] =	sst lr;
	_ =	strace $0xD0000000  }
0x3: {  	_ = 	snop  }
0x4: {  	_ = 	snop  }
0x5: {  	_ = 	snop  }
0x6: {  	_ = 	snop  }
0x7: {  	_ = 	snop  }
__scs_overlays_trampoline_lowered:
0x8: {  	[smem:$0x3FAF] =	sst s0  }
0x9: {  	[smem:$0x3FB0] =	sst s1  }
0xa: {  	[smem:$0x3FB1] =	sst s2  }
0xb: {  	[smem:$0x3FB2] =	sst s3  }
0xc: {  	[smem:$0x3FB3] =	sst s4  }
0xd: {  	[smem:$0x3FB4] =	sst s5  }
0xe: {  	[smem:$0x3FB5] =	sst s6  }
0xf: {  	[smem:$0x3FB6] =	sst s7  }
0x10: {  	[smem:$0x3FB7] =	sst s8  }
0x11: {  	[smem:$0x3FB8] =	sst s9;
	s0 =	simm.s32 @!p0 $0x0  }
0x12: {  	s1 =	sld [smem:$0x3F9E];
	s0 =	simm.s32 @p0 $0x1  }
0x13: {  	[smem:$0x3FB9] =	sst s0;
	s0 =	simm.s32 @!p1 $0x0  }
0x14: {  	s2 =	sld [smem:$0x3F9D];
	s0 =	simm.s32 @p1 $0x1  }
0x15: {  	[smem:$0x3FBA] =	sst s0;
	s0 =	simm.s32 @!p2 $0x0  }
0x16: {  	s3 =	sld [smem:$0x3FDB];
	s0 =	simm.s32 @p2 $0x1  }
0x17: {  	s4 =	simm.s32 $0x1BF5;
	[smem:$0x3FBC] =	sst s0  }
0x18: {  	s0 =	sld [smem:$0x3F9F];
	_ =	swait.ge [sflag:s4], $0x0  }
0x19: {  	s7 =	sld [smem:$0x3FA0]  }
0x1a: {  	s8 =	sadd.s32 $0xFFFFE003, lr  }
0x1b: {  	s9 =	sadd.s32 $0xFFFFFEF7, lr;
	s5 =	simm.s32 $0xFFFFFFFF;
	p2 =	slt.u32 s8, $0xFFFFF086  }
0x1c: {  	p1 =	slt.u32 s9, $0xF7A;
	s5 =	simm.s32 @!p2 $0x0  }
0x1d: {  	s5 =	simm.s32 @p1 $0x1;
	p0 =	seq.s32 s7, s2  }
0x1e: {  	s7 =	smul.u32 @!p0 $0xF7A, s2;
	p2 =	seq.s32 @!p0 s5, $0x0  }
0x1f: {  	s9 =	smul.u32 $0xF7A, s1;
	s8 =	simm.s32 @!p0 $0x1BF5;
	p2 =	por !p2, p0  }
0x20: {  	[sflag:s8] =	ssyncset.s32 @!p0 $0xFFFFF086;
	s6 =	sadd.s32 @!p0 s3, s7;
	s7 =	simm.s32 @!p0 $0x108  }
0x21: {  	s3 =	sadd.s32 s3, s9;
	s6 =	sadd.s32 @!p0 $0x88, s6;
	s7 =	simm.s32 @p2 $0x1082  }
0x22: {  	[simem:s7], [sflag:s8] =	dma.local @!p0 [hbm:s6], $0xF7A  }
0x23: {  	s9 =	sor.u32 $0xD0000000, s2;
	s6 =	simm.s32 $0x108;
	_ =	swait.ge @!p0 [sflag:s8], $0x0  }
0x24: {  	s3 =	sadd.s32 $0x88, s3;
	s6 =	simm.s32 @!p1 $0x1082;
	[sflag:s4] =	ssyncset.s32 $0xFFFFF086  }
0x25: {  	[simem:s6], [sflag:s4] =	dma.local [hbm:s3], $0xF7A  }
0x26: {  	[smem:$0x3FA0] =	sst s1;
	(tag) =	ssettag s2;
	_ =	strace s9  }
0x27: {  	s1 =	sld [smem:$0x3FB0]  }
0x28: {  	s2 =	sld [smem:$0x3FB1]  }
0x29: {  	s4 =	sld [smem:$0x3FB3]  }
0x2a: {  	p0 =	seq.s32 s5, $0x0;
	s5 =	sld [smem:$0x3FB4]  }
0x2b: {  	s6 =	sld [smem:$0x3FB5]  }
0x2c: {  	s7 =	sld [smem:$0x3FB6]  }
0x2d: {  	s3 =	simm.s32 $0x108;
	s8 =	sld [smem:$0x3FB7]  }
0x2e: {  	s3 =	simm.s32 @!p0 $0x1082;
	s9 =	sld [smem:$0x3FB8]  }
0x2f: {  	lr =	sadd.s32 s0, s3;
	s0 =	sld [smem:$0x3FAF]  }
0x30: {  	s3 =	sld [smem:$0x3FB2]  }
0x31: {  	[smem:$0x3FBB] =	sst s10  }
0x32: {  	s10 =	sld [smem:$0x3FB9];
	_ =	sdelay $0x3  }
0x33: {  	p0 =	seq.s32 s10, $0x1;
	s10 =	sld [smem:$0x3FBB];
	_ =	sdelay $0x3  }
0x34: {  	[smem:$0x3FBB] =	sst s10  }
0x35: {  	s10 =	sld [smem:$0x3FBA];
	_ =	sdelay $0x3  }
0x36: {  	p1 =	seq.s32 s10, $0x1;
	s10 =	sld [smem:$0x3FBB];
	_ =	sdelay $0x3  }
0x37: {  	[smem:$0x3FBB] =	sst s10  }
0x38: {  	s10 =	sld [smem:$0x3FBC]  }
0x39: {  	_ = 	snop;
	(pc) =	sbr.ind lr, $3  }
0x3a: {  	_ = 	snop  }
0x3b: {  	_ = 	snop  }
0x3c: {  	p2 =	seq.s32 s10, $0x1;
	s10 =	sld [smem:$0x3FBB]  }
0x3d: {  	_ =	shalt  }
0x3e: {  	_ =	shalt  }
0x3f: {  	_ =	shalt  }
0x40: {  	_ =	shalt  }
0x41: {  	_ =	shalt  }
0x42: {  	_ =	shalt  }
0x43: {  	_ =	shalt  }
0x44: {  	_ =	shalt  }
0x45: {  	_ =	shalt  }
0x46: {  	_ =	shalt  }
0x47: {  	_ =	shalt  }
0x48: {  	_ =	shalt  }
0x49: {  	_ =	shalt  }
0x4a: {  	_ =	shalt  }
0x4b: {  	_ =	shalt  }
0x4c: {  	_ =	shalt  }
0x4d: {  	_ =	shalt  }
0x4e: {  	_ =	shalt  }
0x4f: {  	_ =	shalt  }
0x50: {  	_ =	shalt  }
0x51: {  	_ =	shalt  }
0x52: {  	_ =	shalt  }
0x53: {  	_ =	shalt  }
0x54: {  	_ =	shalt  }
0x55: {  	_ =	shalt  }
0x56: {  	_ =	shalt  }
0x57: {  	_ =	shalt  }
0x58: {  	_ =	shalt  }
0x59: {  	_ =	shalt  }
0x5a: {  	_ =	shalt  }
0x5b: {  	_ =	shalt  }
0x5c: {  	_ =	shalt  }
0x5d: {  	_ =	shalt  }
0x5e: {  	_ =	shalt  }
0x5f: {  	_ =	shalt  }
0x60: {  	_ =	shalt  }
0x61: {  	_ =	shalt  }
0x62: {  	_ =	shalt  }
0x63: {  	_ =	shalt  }
0x64: {  	_ =	shalt  }
0x65: {  	_ =	shalt  }
0x66: {  	_ =	shalt  }
0x67: {  	_ =	shalt  }
0x68: {  	_ =	shalt  }
0x69: {  	_ =	shalt  }
0x6a: {  	_ =	shalt  }
0x6b: {  	_ =	shalt  }
0x6c: {  	_ =	shalt  }
0x6d: {  	_ =	shalt  }
0x6e: {  	_ =	shalt  }
0x6f: {  	_ =	shalt  }
0x70: {  	_ =	shalt  }
0x71: {  	_ =	shalt  }
0x72: {  	_ =	shalt  }
0x73: {  	_ =	shalt  }
0x74: {  	_ =	shalt  }
0x75: {  	_ =	shalt  }
0x76: {  	_ =	shalt  }
0x77: {  	_ =	shalt  }
0x78: {  	_ =	shalt  }
0x79: {  	_ =	shalt  }
0x7a: {  	_ =	shalt  }
0x7b: {  	_ =	shalt  }
0x7c: {  	_ =	shalt  }
0x7d: {  	_ =	shalt  }
0x7e: {  	_ =	shalt  }
0x7f: {  	_ =	shalt  }
0x80: {  	_ =	shalt  }
0x81: {  	_ =	shalt  }
0x82: {  	_ =	shalt  }
0x83: {  	_ =	shalt  }
0x84: {  	_ =	shalt  }
0x85: {  	_ =	shalt  }
0x86: {  	_ =	shalt  }
0x87: {  	_ =	shalt  }
.Lfunc_end0:
.L_simem_size_0:
called_computation_lowered:
.L_overlay_start_0:
0x88: {  	s2 =	sld [smem:$0x3FD9]  }
0x89: {  	s3 =	sld [smem:$0x3FFE];
	_ =	sdelay $0x1  }
0x8a: {  	s1 =	srdreg.scid  }
0x8b: {  	s0 =	sand.u32 $0x1, s1  }
0x8c: {  	s18 =	sshll.u32 s0, $0xA;
	s2 =	sadd.s32 s3, s2  }
0x8d: {  	s2 =	sadd.s32 s2, s18  }
0x8e: {  	[smem:$0x3FC7] =	sst s2  }
0x8f: {  	_ = 	snop  }
0x90: {  	s2 =	sld [smem:$0x3FC9]  }
0x91: {  	s19 =	sld [smem:$0x3FD0];
	(tm) =	ssettm $0x1  }
0x92: {  	s4 =	sld [smem:$0x3FFB];
	_ =	sdelay $0x3  }
0x93: {  	_ =	strace s4  }
0x94: {  	s4 =	sld [smem:$0x3FFC];
	_ =	sdelay $0x3  }
0x95: {  	_ =	strace s4  }
0x96: {  	s4 =	sld [smem:$0x3FFD];
	_ =	sdelay $0x3  }
0x97: {  	_ =	strace s4  }
0x98: {  	_ =	strace $0x8FFFFFFF  }
0x99: {  	s20 =	sld [smem:$0x3FDB];
	_ =	sdelay $0x1  }
0x9a: {  	s5 =	simm.s32 $_scs_section_size  }
0x9b: {  	s6 =	simm.s32 $_size__tile_overlayer_lowered;
	s7 =	simm.s32 $_tile_overlayer_lowered  }
0x9c: {  	s23 =	simm.s32 $0x1BFF;
	s22 =	sshll.u32 s7, $0x1;
	s4 =	sadd.s32 s5, s20  }
0x9d: {  	s8 =	simm.s32 $0x0;
	s21 =	sshll.u32 s6, $0x1;
	s6 =	sadd.s32 s22, s4  }
0x9e: {  	[timem:s8], [sflag:s23] =	dma.local [hbm:s6], s21  }
0x9f: {  	_ =	swait.ge [sflag:s23], s21  }
0xa0: {  	s5 =	ssub.s32 $0x0, s21;
	[sflag:s23] =	ssyncset.done $0x0  }
0xa1: {  	[sflag:s23] =	ssyncadd.s32 s5;
	_ =	sdelay $0x1  }
0xa2: {  	s24 =	simm.s32 $0x1B8B  }
0xa3: {  	_ =	swait.ge [sflag:s24], $0x1  }
0xa4: {  	[sflag:s24] =	ssyncset.done $0x0  }
0xa5: {  	s25 =	simm.s32 $0x1B8E;
	[sflag:s24] =	ssyncadd.s32 $0xFFFFFFFF  }
0xa6: {  	s26 =	simm.s32 $execute0_lowered;
	[smem:$0x3FD2] =	sst s25  }
0xa7: {  	s5 =	sshll.u32 s26, $0x1;
	_ =	strace $0x80000046;
	[dreg:$0x1] =	wrdreg $0xFFFFFFFF  }
0xa8: {  	s28 =	simm.s32 $_size_execute0_lowered;
	s4 =	sadd.s32 s4, s5;
	[dreg:$0x0] =	wrdreg $0x0  }
0xa9: {  	s5 =	sshll.u32 s28, $0x1;
	[dreg:$0x2] =	wrdreg s4  }
0xaa: {  	[dreg:$0x3] =	wrdreg s5  }
0xab: {  	[dreg:$0x4] =	wrdreg $0xC0  }
0xac: {  	_ =	task [dreg:s8], $0x5FFFF  }
0xad: {  	[dreg:$0x1] =	wrdreg $0xFFFFFFFF  }
0xae: {  	[dreg:$0x0] =	wrdreg $0x60  }
0xaf: {  	[dreg:$0x2] =	wrdreg s2  }
0xb0: {  	[dreg:$0x3] =	wrdreg s19  }
0xb1: {  	[dreg:$0x4] =	wrdreg $0x131000  }
0xb2: {  	[dreg:$0x5] =	wrdreg $0x9  }
0xb3: {  	_ =	task.clear_ibuf [dreg:s8], $0x6FFFF;
	_ =	strace $0x90000046  }
0xb4: {  	s29 =	simm.s32 $0x9;
	_ =	strace $0x80000048  }
0xb5: {  	_ =	swait.ge [sflag:s29], $0x1  }
0xb6: {  	[sflag:s29] =	ssyncadd.s32 $0xFFFFFFFF  }
0xb7: {  	_ =	strace $0x90000048  }
0xb8: {  	_ =	sfence  }
0xb9: {  	s30 =	sld [smem:$0x0];
	_ =	sdelay $0x2  }
0xba: {  	s31 =	sshll.u32 s1, $0xD;
	s1 =	sshrl.u32 s1, $0x2  }
0xbb: {  	s3 =	sand.u32 $0x4000, s31;
	s1 =	sadd.s32 s1, s30  }
0xbc: {  	s0 =	sor.u32 s3, s0;
	s1 =	sshll.u32 s1, $0x11  }
0xbd: {  	s0 =	sor.u32 s1, s0  }
0xbe: {  	s0 =	sadd.s32 $0x8F2B, s0  }
0xbf: {  	[sflag:s0] =	ssyncadd.remote.s32 $0x1  }
0xc0: {  	_ =	sfence.sel $0xFFFF  }
0xc1: {  	[dreg:$0x0] =	wrdreg $0xFFFFFFFF;
	(pc) =	sbr.abs _section_cstart, $3  }
0xc2: {  	[dreg:$0x1] =	wrdreg $0xFFFFFFFF  }
0xc3: {  	_ =	task.clear_ibuf [dreg:s8], $0x2FFFF;
	_ =	strace $0x9FFFFFFF  }
0xc4: {  	(tm) =	ssettm $0x7FFFFFFF  }
0xc5: {  	_ =	shalt  }
tec
execute0_lowered:
.L_overlay_start_1:
0x0: {  	(tag) =	ssettag $0x1  }
0x1: {  	s1 =	rddreg [dreg:$0x0]  }
0x2: {  	s9 =	rddreg [dreg:$0x1]  }
0x3: {  	s10 =	rddreg [dreg:$0x2]  }
0x4: {  	s0 =	rddreg [dreg:$0x3];
	s3 =	simm.s32 $0x0  }
0x5: {  	s4 =	srdreg.scid;
	s2 =	stileid.u32;
	s18 =	simm.s32 $0x10000  }
0x6: {  	s19 =	simm.s32 $0x3;
	s20 =	simm.s32 $0x11000;
	s21 =	simm.s32 $0x13000  }
0x7: {  	s22 =	simm.s32 $0x0;
	[smem:$0x7FF] =	sst s3;
	s5 =	sshll.u32 s2, $0x13  }
0x8: {  	s6 =	sshll.u32 s4, $0x17;
	s11 =	sand.u32 $0x1, s4;
	s16 =	sand.u32 $0x1, s2  }
0x9: {  	s13 =	sshll.u32 s2, $0xC;
	s14 =	sshll.u32 s2, $0x7;
	s17 =	sshll.u32 s2, $0x3  }
0xa: {  	s25 =	sor.u32 s5, s6;
	s26 =	ssub.s32 $0x2, s11;
	s28 =	sshll.u32 s16, $0x13  }
0xb: {  	_ =	strace $0x80000047;
	s5 =	sadd.s32 $0x1000, s1;
	s8 =	sshll.u32 s16, $0x3  }
0xc: {  	s13 =	sand.u32 $0x8000, s13;
	s15 =	sand.u32 $0x380, s14;
	s30 =	sand.u32 $0x300, s14  }
0xd: {  	s31 =	sand.u32 $0x70, s17;
	s11 =	sshll.u32 s11, $0x8;
	p0 =	sne.s32 s16, $0x0  }
0xe: {  	s16 =	simm.s32 $0x80;
	s17 =	simm.s32 $0x400;
	s4 =	sand.u32 $0xF00000, s25  }
0xf: {  	s7 =	sshrl.u32 s26, $0x1;
	s8 =	sor.u32 $0x1, s8;
	s10 =	sadd.s32 s13, s10  }
.Ltmp0:
0x10: {  	s14 =	sadd.s32 s9, s31;
	s6 =	sor.u32 s28, s4;
	(pc) =	sbr.rel .LBB2_1-.Ltmp0, $4  }
0x11: {  	s12 =	ssub.s32 s26, s7;
	s13 =	sadd.s32 s30, s10;
	s9 =	sadd.s32 s15, s10  }
0x12: {  	s11 =	sadd.s32 s11, s14;
	s14 =	simm.s32 $0x1;
	s15 =	simm.s32 $0x2  }
0x13: {  	v1 =	vlaneseq.u32;
	s29 =	sshrl.u32 s6, $0x3;
	s10 =	sadd.s32 $0x80, s13;
	s12 =	smax.u32 s12, $0x1  }
0x14: {  	v0 =	vimm.s32 $0x0;
	v2 =	vimm.s32 $0x1;
	v1 =	vmul.u32 $0x100, v1;
	s13 =	simm.s32 $0x8000;
	s6 =	sadd.s32 s1, s29;
	s7 =	sadd.s32 s29, s5  }
.LBB2_18:
0x15: {  	s22 =	sadd.s32 $0x1, s22  }
0x16: {  	p1 =	sne.s32 s22, s12  }
.Ltmp1:
0x17: {  	_ = 	snop;
	(pc) =	sbr.rel @!p1 .LBB2_19-.Ltmp1, $1  }
0x18: {  	_ =	sdelay $0x3  }
.LBB2_1:
0x19: {  	s23 =	simm.s32 $0x0  }
.LBB2_2:
0x1a: {  	p1 =	sne.s32 s23, $0x3FC0  }
.Ltmp2:
0x1b: {  	_ = 	snop;
	(pc) =	sbr.rel @p1 .LBB2_2-.Ltmp2, $3  }
0x1c: {  	_ =	sdelay $0x1  }
0x1d: {  	s24 =	sshra.s32 s23, $0x2  }
0x1e: {  	s23 =	sadd.s32 $0x40, s23;
	[tilespmem:s24+$0x10000] =	vst v0  }
0x1f: {  	s23 =	simm.s32 $0x40;
	s24 =	simm.s32 $0x0  }
.LBB2_4:
0x20: {  	p1 =	sne.s32 s23, $0x3FC0;
	[tilespmem:s24+$0x12000] =	vst v0;
	s24 =	smov.u32 s23;
	s23 =	sadd.s32 $0x40, s23  }
.Ltmp3:
0x21: {  	(pc) =	sbr.rel @p1 .LBB2_4-.Ltmp3, $2  }
0x22: {  	_ =	sdelay $0x2  }
0x23: {  	s24 =	sshra.s32 s24, $0x2  }
0x24: {  	[tilespmem:s24+$0x12000] =	vst v0;
	s23 =	simm.s32 $0x0  }
0x25: {  	[tilespmem:s23], [sflag:$0x1] =	stream.linear.gather [hbm4b:s6+s23], $0x8000, $0x38;
	[tilespmem:$0x14100] =	vst v63  }
0x26: {  	_ = 	snop  }
0x27: {  	[tilespmem:s13], [sflag:$0x2] =	stream.linear.gather [hbm4b:s7+s23], $0x8000, $0x38;
	[tilespmem:$0x14100] =	vst v63  }
.LBB2_6:
0x28: {  	_ =	swait.ge [sflag:s14], $0x8000  }
0x29: {  	[sflag:s14] =	ssyncset.done $0x0  }
0x2a: {  	s25 =	simm.s32 $0x400;
	[sflag:s14] =	ssyncadd.s32 $0xFFFF8000  }
0x2b: {  	v3 =	vld [tilespmem:s25+$0x0]  }
0x2c: {  	v4 =	vld [tilespmem:s25+$0x80]  }
0x2d: {  	v5 =	vld [tilespmem:s25+$0x100]  }
0x2e: {  	v6 =	vld [tilespmem:s25+$0x180]  }
0x2f: {  	v7 =	vld [tilespmem:s25+$0x200]  }
0x30: {  	v8 =	vld [tilespmem:s25+$0x280]  }
0x31: {  	s24 =	simm.s32 $0x10080;
	v9 =	vld [tilespmem:s25+$0x300]  }
0x32: {  	v43 =	vld [tilespmem:s24+$0xFFFFFFC0];
	v3 =	vadd.s32 v3, v4  }
0x33: {  	v4 =	vld [tilespmem:s25+$0x380];
	v3 =	vadd.s32 v5, v3  }
0x34: {  	s26 =	simm.s32 $0xC00;
	v5 =	vld [tilespmem:s24+$0x0];
	v3 =	vadd.s32 v6, v3  }
0x35: {  	v44 =	vld [tilespmem:s26+$0x100];
	v3 =	vadd.s32 v7, v3  }
0x36: {  	v24 =	vld [tilespmem:s26+$0x180];
	v3 =	vadd.s32 v8, v3  }
0x37: {  	v25 =	vld [tilespmem:s26+$0x200];
	v3 =	vadd.s32 v9, v3  }
0x38: {  	v6 =	vld [tilespmem:s25+$0xFFFFFC80];
	v3 =	vadd.s32 v4, v3  }
0x39: {  	v4 =	vld [tilespmem:s25+$0xFFFFFC00];
	v3 =	vadd.s32 v5, v3  }
0x3a: {  	v5 =	vld [tilespmem:s25+$0xFFFFFD00];
	[tilespmem:s24+$0x0] =	vst v3  }
0x3b: {  	v3 =	vld [tilespmem:s25+$0x10]  }
0x3c: {  	v7 =	vld [tilespmem:s25+$0x90]  }
0x3d: {  	v8 =	vld [tilespmem:s25+$0x110]  }
0x3e: {  	v9 =	vld [tilespmem:s25+$0x190]  }
0x3f: {  	v10 =	vld [tilespmem:s25+$0x210]  }
0x40: {  	v11 =	vld [tilespmem:s25+$0x290]  }
0x41: {  	v12 =	vld [tilespmem:s25+$0x310];
	v3 =	vadd.s32 v3, v7  }
0x42: {  	v7 =	vld [tilespmem:s25+$0x390];
	v3 =	vadd.s32 v8, v3  }
0x43: {  	v8 =	vld [tilespmem:s24+$0x10];
	v3 =	vadd.s32 v9, v3  }
0x44: {  	v9 =	vld [tilespmem:s25+$0xFFFFFD80];
	v3 =	vadd.s32 v10, v3  }
0x45: {  	v10 =	vld [tilespmem:s25+$0xFFFFFE00];
	v3 =	vadd.s32 v11, v3  }
0x46: {  	v11 =	vld [tilespmem:s25+$0xFFFFFE80];
	v3 =	vadd.s32 v12, v3  }
0x47: {  	v12 =	vld [tilespmem:s25+$0xFFFFFF00];
	v3 =	vadd.s32 v7, v3  }
0x48: {  	v7 =	vld [tilespmem:s25+$0xFFFFFF80];
	v3 =	vadd.s32 v8, v3  }
0x49: {  	v8 =	vld [tilespmem:s24+$0xFFFFFF80];
	[tilespmem:s24+$0x10] =	vst v3  }
0x4a: {  	v3 =	vld [tilespmem:s25+$0x20]  }
0x4b: {  	v13 =	vld [tilespmem:s25+$0xA0]  }
0x4c: {  	v14 =	vld [tilespmem:s25+$0x120]  }
0x4d: {  	v15 =	vld [tilespmem:s25+$0x1A0]  }
0x4e: {  	v4 =	vadd.s32 v4, v6;
	v6 =	vld [tilespmem:s25+$0x220]  }
0x4f: {  	v4 =	vadd.s32 v5, v4;
	v5 =	vld [tilespmem:s25+$0x2A0]  }
0x50: {  	v4 =	vadd.s32 v9, v4;
	v9 =	vld [tilespmem:s25+$0x320];
	v3 =	vadd.s32 v3, v13  }
0x51: {  	v4 =	vadd.s32 v10, v4;
	v10 =	vld [tilespmem:s25+$0x3A0];
	v3 =	vadd.s32 v14, v3  }
0x52: {  	v4 =	vadd.s32 v11, v4;
	v11 =	vld [tilespmem:s24+$0x20];
	v3 =	vadd.s32 v15, v3  }
0x53: {  	v26 =	vld [tilespmem:s26+$0x280];
	v4 =	vadd.s32 v12, v4;
	v3 =	vadd.s32 v6, v3  }
0x54: {  	s28 =	simm.s32 $0x10180;
	v27 =	vld [tilespmem:s26+$0x300];
	v4 =	vadd.s32 v7, v4;
	v5 =	vadd.s32 v5, v3  }
0x55: {  	v45 =	vld [tilespmem:s28+$0x0];
	v4 =	vadd.s32 v8, v4;
	v5 =	vadd.s32 v9, v5  }
0x56: {  	[tilespmem:s24+$0xFFFFFF80] =	vst v4;
	v13 =	vld [tilespmem:s24+$0xFFFFFF90];
	v4 =	vadd.s32 v10, v5  }
0x57: {  	v7 =	vld [tilespmem:s25+$0xFFFFFC90];
	v4 =	vadd.s32 v11, v4  }
0x58: {  	v5 =	vld [tilespmem:s25+$0xFFFFFC10];
	[tilespmem:s24+$0x20] =	vst v4  }
0x59: {  	v4 =	vld [tilespmem:s25+$0x30]  }
0x5a: {  	v8 =	vld [tilespmem:s25+$0xB0]  }
0x5b: {  	v9 =	vld [tilespmem:s25+$0x130]  }
0x5c: {  	v10 =	vld [tilespmem:s25+$0x1B0]  }
0x5d: {  	v11 =	vld [tilespmem:s25+$0x230]  }
0x5e: {  	v12 =	vld [tilespmem:s25+$0x2B0]  }
0x5f: {  	v14 =	vld [tilespmem:s25+$0x330];
	v4 =	vadd.s32 v4, v8  }
0x60: {  	v8 =	vld [tilespmem:s25+$0x3B0];
	v4 =	vadd.s32 v9, v4  }
0x61: {  	v9 =	vld [tilespmem:s24+$0x30];
	v4 =	vadd.s32 v10, v4  }
0x62: {  	v10 =	vld [tilespmem:s25+$0xFFFFFD10];
	v4 =	vadd.s32 v11, v4  }
0x63: {  	v11 =	vld [tilespmem:s25+$0xFFFFFD90];
	v4 =	vadd.s32 v12, v4  }
0x64: {  	v12 =	vld [tilespmem:s25+$0xFFFFFE10];
	v4 =	vadd.s32 v14, v4  }
0x65: {  	v14 =	vld [tilespmem:s25+$0xFFFFFE90];
	v4 =	vadd.s32 v8, v4  }
0x66: {  	v8 =	vld [tilespmem:s25+$0xFFFFFF10];
	v4 =	vadd.s32 v9, v4  }
0x67: {  	v9 =	vld [tilespmem:s25+$0xFFFFFF90];
	[tilespmem:s24+$0x30] =	vst v4  }
0x68: {  	v4 =	vld [tilespmem:s25+$0x40]  }
0x69: {  	v15 =	vld [tilespmem:s25+$0xC0]  }
0x6a: {  	v16 =	vld [tilespmem:s25+$0x140]  }
0x6b: {  	v17 =	vld [tilespmem:s25+$0x1C0]  }
0x6c: {  	v5 =	vadd.s32 v5, v7;
	v7 =	vld [tilespmem:s25+$0x240]  }
0x6d: {  	v5 =	vadd.s32 v10, v5;
	v10 =	vld [tilespmem:s25+$0x2C0]  }
0x6e: {  	v5 =	vadd.s32 v11, v5;
	v11 =	vld [tilespmem:s25+$0x340];
	v4 =	vadd.s32 v4, v15  }
0x6f: {  	v5 =	vadd.s32 v12, v5;
	v12 =	vld [tilespmem:s25+$0x3C0];
	v4 =	vadd.s32 v16, v4  }
0x70: {  	v5 =	vadd.s32 v14, v5;
	v14 =	vld [tilespmem:s24+$0x40];
	v4 =	vadd.s32 v17, v4  }
0x71: {  	v28 =	vld [tilespmem:s26+$0xFFFFFC80];
	v5 =	vadd.s32 v8, v5;
	v4 =	vadd.s32 v7, v4  }
0x72: {  	v46 =	vld [tilespmem:s26+$0xFFFFFC00];
	v7 =	vadd.s32 v9, v5;
	v4 =	vadd.s32 v10, v4  }
0x73: {  	v47 =	vld [tilespmem:s26+$0xFFFFFD00];
	v7 =	vadd.s32 v13, v7;
	v4 =	vadd.s32 v11, v4  }
0x74: {  	v6 =	vld [tilespmem:s24+$0xFFFFFFA0];
	[tilespmem:s24+$0xFFFFFF90] =	vst v7;
	v4 =	vadd.s32 v12, v4  }
0x75: {  	v7 =	vld [tilespmem:s25+$0xFFFFFC20];
	v4 =	vadd.s32 v14, v4  }
0x76: {  	v8 =	vld [tilespmem:s25+$0xFFFFFCA0];
	[tilespmem:s24+$0x40] =	vst v4  }
0x77: {  	v4 =	vld [tilespmem:s25+$0x50]  }
0x78: {  	v9 =	vld [tilespmem:s25+$0xD0]  }
0x79: {  	v10 =	vld [tilespmem:s25+$0x150]  }
0x7a: {  	v11 =	vld [tilespmem:s25+$0x1D0]  }
0x7b: {  	v12 =	vld [tilespmem:s25+$0x250]  }
0x7c: {  	v13 =	vld [tilespmem:s25+$0x2D0]  }
0x7d: {  	v14 =	vld [tilespmem:s25+$0x350];
	v4 =	vadd.s32 v4, v9  }
0x7e: {  	v9 =	vld [tilespmem:s25+$0x3D0];
	v4 =	vadd.s32 v10, v4  }
0x7f: {  	v10 =	vld [tilespmem:s24+$0x50];
	v4 =	vadd.s32 v11, v4  }
0x80: {  	v11 =	vld [tilespmem:s25+$0xFFFFFD20];
	v4 =	vadd.s32 v12, v4  }
0x81: {  	v12 =	vld [tilespmem:s25+$0xFFFFFDA0];
	v4 =	vadd.s32 v13, v4  }
0x82: {  	v13 =	vld [tilespmem:s25+$0xFFFFFE20];
	v4 =	vadd.s32 v14, v4  }
0x83: {  	v14 =	vld [tilespmem:s25+$0xFFFFFEA0];
	v4 =	vadd.s32 v9, v4  }
0x84: {  	v9 =	vld [tilespmem:s25+$0xFFFFFF20];
	v4 =	vadd.s32 v10, v4  }
0x85: {  	v10 =	vld [tilespmem:s25+$0xFFFFFFA0];
	[tilespmem:s24+$0x50] =	vst v4  }
0x86: {  	v4 =	vadd.s32 v7, v8;
	v7 =	vld [tilespmem:s25+$0x60]  }
0x87: {  	v4 =	vadd.s32 v11, v4;
	v8 =	vld [tilespmem:s25+$0xE0]  }
0x88: {  	v11 =	vld [tilespmem:s25+$0x160];
	v4 =	vadd.s32 v12, v4  }
0x89: {  	v12 =	vld [tilespmem:s25+$0x1E0];
	v4 =	vadd.s32 v13, v4  }
0x8a: {  	v13 =	vld [tilespmem:s25+$0x260];
	v4 =	vadd.s32 v14, v4  }
0x8b: {  	v4 =	vadd.s32 v9, v4;
	v9 =	vld [tilespmem:s25+$0x2E0]  }
0x8c: {  	v4 =	vadd.s32 v10, v4;
	v10 =	vld [tilespmem:s25+$0x360]  }
0x8d: {  	v4 =	vadd.s32 v6, v4;
	v6 =	vld [tilespmem:s25+$0x3E0]  }
0x8e: {  	[tilespmem:s24+$0xFFFFFFA0] =	vst v4;
	v4 =	vld [tilespmem:s24+$0x60]  }
0x8f: {  	v14 =	vld [tilespmem:s25+$0xFFFFFC30]  }
0x90: {  	v15 =	vld [tilespmem:s25+$0xFFFFFCB0]  }
0x91: {  	v7 =	vadd.s32 v7, v8;
	v8 =	vld [tilespmem:s25+$0xFFFFFD30]  }
0x92: {  	v7 =	vadd.s32 v11, v7;
	v11 =	vld [tilespmem:s25+$0xFFFFFDB0]  }
0x93: {  	v7 =	vadd.s32 v12, v7;
	v12 =	vld [tilespmem:s25+$0xFFFFFE30]  }
0x94: {  	v7 =	vadd.s32 v13, v7;
	v13 =	vld [tilespmem:s25+$0xFFFFFEB0]  }
0x95: {  	v7 =	vadd.s32 v9, v7;
	v9 =	vadd.s32 v14, v15;
	v14 =	vld [tilespmem:s25+$0xFFFFFF30]  }
0x96: {  	v7 =	vadd.s32 v10, v7;
	v8 =	vadd.s32 v8, v9;
	v9 =	vld [tilespmem:s25+$0xFFFFFFB0]  }
0x97: {  	v3 =	vld [tilespmem:s24+$0xFFFFFFB0];
	v6 =	vadd.s32 v6, v7;
	v7 =	vadd.s32 v11, v8  }
0x98: {  	v48 =	vld [tilespmem:s26+$0xFFFFFD80];
	v4 =	vadd.s32 v4, v6;
	v6 =	vadd.s32 v12, v7  }
0x99: {  	v29 =	vld [tilespmem:s26+$0xFFFFFE00];
	[tilespmem:s24+$0x60] =	vst v4;
	v4 =	vadd.s32 v13, v6  }
0x9a: {  	v49 =	vld [tilespmem:s26+$0xFFFFFE80];
	v4 =	vadd.s32 v14, v4  }
0x9b: {  	v34 =	vld [tilespmem:s28+$0x10];
	v4 =	vadd.s32 v9, v4  }
0x9c: {  	v51 =	vld [tilespmem:s26+$0xFFFFFF00];
	v3 =	vadd.s32 v3, v4  }
0x9d: {  	v52 =	vld [tilespmem:s26+$0xFFFFFF80];
	[tilespmem:s24+$0xFFFFFFB0] =	vst v3  }
0x9e: {  	v3 =	vld [tilespmem:s25+$0xFFFFFC40]  }
0x9f: {  	v4 =	vld [tilespmem:s25+$0xFFFFFCC0]  }
0xa0: {  	v6 =	vld [tilespmem:s25+$0xFFFFFD40]  }
0xa1: {  	v10 =	vld [tilespmem:s25+$0xFFFFFDC0]  }
0xa2: {  	v11 =	vld [tilespmem:s25+$0xFFFFFE40]  }
0xa3: {  	v12 =	vld [tilespmem:s25+$0xFFFFFEC0]  }
0xa4: {  	v18 =	vld [tilespmem:s25+$0xFFFFFF40];
	v3 =	vadd.s32 v3, v4  }
0xa5: {  	v4 =	vld [tilespmem:s25+$0xFFFFFFC0];
	v3 =	vadd.s32 v6, v3  }
0xa6: {  	v53 =	vld [tilespmem:s28+$0xFFFFFF80];
	v3 =	vadd.s32 v10, v3  }
0xa7: {  	v16 =	vld [tilespmem:s24+$0xFFFFFFE0];
	v3 =	vadd.s32 v11, v3  }
0xa8: {  	v5 =	vld [tilespmem:s24+$0xFFFFFFD0];
	v3 =	vadd.s32 v12, v3  }
0xa9: {  	v15 =	vld [tilespmem:s25+$0x1F0];
	v3 =	vadd.s32 v18, v3  }
0xaa: {  	v8 =	vld [tilespmem:s25+$0xF0];
	v4 =	vadd.s32 v4, v3  }
0xab: {  	v6 =	vld [tilespmem:s26+$0x80];
	v4 =	vadd.s32 v43, v4  }
0xac: {  	[tilespmem:s24+$0xFFFFFFC0] =	vst v4;
	v4 =	vld [tilespmem:s26+$0x0]  }
0xad: {  	v7 =	vld [tilespmem:s25+$0x70]  }
0xae: {  	v13 =	vld [tilespmem:s25+$0x2F0]  }
0xaf: {  	v14 =	vld [tilespmem:s25+$0x270]  }
0xb0: {  	v9 =	vld [tilespmem:s25+$0x170]  }
0xb1: {  	v10 =	vld [tilespmem:s25+$0x3F0];
	v4 =	vadd.s32 v4, v6  }
0xb2: {  	v6 =	vld [tilespmem:s26+$0x380];
	v4 =	vadd.s32 v44, v4  }
0xb3: {  	v11 =	vld [tilespmem:s24+$0x70];
	v4 =	vadd.s32 v24, v4  }
0xb4: {  	v12 =	vld [tilespmem:s25+$0x370];
	v4 =	vadd.s32 v25, v4  }
0xb5: {  	v3 =	vld [tilespmem:s24+$0xFFFFFFF0];
	v4 =	vadd.s32 v26, v4  }
0xb6: {  	v21 =	vld [tilespmem:s25+$0xFFFFFC50];
	v4 =	vadd.s32 v27, v4  }
0xb7: {  	v23 =	vld [tilespmem:s25+$0xFFFFFCD0];
	v4 =	vadd.s32 v6, v4  }
0xb8: {  	v22 =	vld [tilespmem:s25+$0xFFFFFD50];
	v4 =	vadd.s32 v45, v4  }
0xb9: {  	v20 =	vld [tilespmem:s25+$0xFFFFFDD0];
	[tilespmem:s28+$0x0] =	vst v4  }
0xba: {  	v4 =	vld [tilespmem:s26+$0x10]  }
0xbb: {  	v6 =	vld [tilespmem:s26+$0x90]  }
0xbc: {  	v50 =	vld [tilespmem:s26+$0x110]  }
0xbd: {  	v30 =	vld [tilespmem:s26+$0x190]  }
0xbe: {  	v31 =	vld [tilespmem:s26+$0x210]  }
0xbf: {  	v32 =	vld [tilespmem:s26+$0x290]  }
0xc0: {  	v33 =	vld [tilespmem:s26+$0x310];
	v4 =	vadd.s32 v4, v6  }
0xc1: {  	v6 =	vld [tilespmem:s26+$0x390];
	v4 =	vadd.s32 v50, v4  }
0xc2: {  	v19 =	vld [tilespmem:s25+$0xFFFFFE50];
	v4 =	vadd.s32 v30, v4  }
0xc3: {  	v18 =	vld [tilespmem:s25+$0xFFFFFED0];
	v4 =	vadd.s32 v31, v4  }
0xc4: {  	v24 =	vld [tilespmem:s28+$0xFFFFFFA0];
	v4 =	vadd.s32 v32, v4  }
0xc5: {  	v50 =	vld [tilespmem:s25+$0xFFFFFFD0];
	v4 =	vadd.s32 v33, v4  }
0xc6: {  	v33 =	vld [tilespmem:s28+$0xFFFFFF90];
	v4 =	vadd.s32 v6, v4  }
0xc7: {  	v6 =	vld [tilespmem:s28+$0xFFFFFFB0];
	v4 =	vadd.s32 v34, v4  }
0xc8: {  	[tilespmem:s28+$0x10] =	vst v4;
	v4 =	vadd.s32 v46, v28;
	v46 =	vld [tilespmem:s28+$0x30]  }
0xc9: {  	v54 =	vld [tilespmem:s26+$0x20]  }
0xca: {  	v55 =	vld [tilespmem:s26+$0xA0]  }
0xcb: {  	v4 =	vadd.s32 v47, v4;
	v56 =	vld [tilespmem:s26+$0x120]  }
0xcc: {  	v57 =	vld [tilespmem:s26+$0x1A0];
	v4 =	vadd.s32 v48, v4  }
0xcd: {  	v58 =	vld [tilespmem:s26+$0x220];
	v4 =	vadd.s32 v29, v4  }
0xce: {  	v59 =	vld [tilespmem:s26+$0x2A0];
	v4 =	vadd.s32 v49, v4  }
0xcf: {  	v60 =	vld [tilespmem:s26+$0x320];
	v4 =	vadd.s32 v51, v4  }
0xd0: {  	v61 =	vld [tilespmem:s26+$0x3A0];
	v4 =	vadd.s32 v52, v4  }
0xd1: {  	v49 =	vld [tilespmem:s25+$0xFFFFFF50];
	v4 =	vadd.s32 v53, v4  }
0xd2: {  	[tilespmem:s28+$0xFFFFFF80] =	vst v4;
	v4 =	vld [tilespmem:s28+$0x20]  }
0xd3: {  	v62 =	vld [tilespmem:s26+$0xFFFFFC10]  }
0xd4: {  	v25 =	vadd.s32 v54, v55;
	v63 =	vld [tilespmem:s26+$0xFFFFFC90]  }
0xd5: {  	v25 =	vadd.s32 v56, v25;
	v36 =	vld [tilespmem:s26+$0xFFFFFD10]  }
0xd6: {  	v25 =	vadd.s32 v57, v25;
	v37 =	vld [tilespmem:s26+$0xFFFFFD90]  }
0xd7: {  	v17 =	vadd.s32 v58, v25;
	v38 =	vld [tilespmem:s26+$0xFFFFFE10]  }
0xd8: {  	v39 =	vld [tilespmem:s26+$0xFFFFFE90];
	v17 =	vadd.s32 v59, v17  }
0xd9: {  	v47 =	vld [tilespmem:s26+$0xFFFFFF10];
	v17 =	vadd.s32 v60, v17  }
0xda: {  	v48 =	vld [tilespmem:s26+$0xFFFFFF90];
	v17 =	vadd.s32 v61, v17  }
0xdb: {  	v59 =	vld [tilespmem:s28+$0x40];
	v4 =	vadd.s32 v4, v17  }
0xdc: {  	v21 =	vadd.s32 v21, v23;
	v17 =	vld [tilespmem:s28+$0xFFFFFFC0];
	[tilespmem:s28+$0x20] =	vst v4  }
0xdd: {  	v21 =	vadd.s32 v22, v21;
	v4 =	vld [tilespmem:s26+$0x30]  }
0xde: {  	v20 =	vadd.s32 v20, v21;
	v40 =	vld [tilespmem:s26+$0xB0]  }
0xdf: {  	v19 =	vadd.s32 v19, v20;
	v25 =	vadd.s32 v62, v63;
	v41 =	vld [tilespmem:s26+$0x130]  }
0xe0: {  	v18 =	vadd.s32 v18, v19;
	v42 =	vld [tilespmem:s26+$0x1B0];
	v25 =	vadd.s32 v36, v25  }
0xe1: {  	v18 =	vadd.s32 v49, v18;
	v43 =	vld [tilespmem:s26+$0x230];
	v25 =	vadd.s32 v37, v25  }
0xe2: {  	v18 =	vadd.s32 v50, v18;
	v35 =	vld [tilespmem:s26+$0x2B0];
	v25 =	vadd.s32 v38, v25  }
0xe3: {  	v5 =	vadd.s32 v5, v18;
	v44 =	vld [tilespmem:s26+$0x330];
	v25 =	vadd.s32 v39, v25;
	v4 =	vadd.s32 v4, v40  }
0xe4: {  	[tilespmem:s24+$0xFFFFFFD0] =	vst v5;
	v45 =	vld [tilespmem:s26+$0x3B0];
	v25 =	vadd.s32 v47, v25;
	v4 =	vadd.s32 v41, v4  }
0xe5: {  	v20 =	vld [tilespmem:s25+$0xFFFFFC60];
	v25 =	vadd.s32 v48, v25;
	v4 =	vadd.s32 v42, v4  }
0xe6: {  	v21 =	vld [tilespmem:s25+$0xFFFFFCE0];
	v25 =	vadd.s32 v33, v25;
	v4 =	vadd.s32 v43, v4  }
0xe7: {  	v22 =	vld [tilespmem:s25+$0xFFFFFD60];
	[tilespmem:s28+$0xFFFFFF90] =	vst v25;
	v4 =	vadd.s32 v35, v4  }
0xe8: {  	v60 =	vld [tilespmem:s26+$0xFFFFFC20];
	v4 =	vadd.s32 v44, v4  }
0xe9: {  	v61 =	vld [tilespmem:s26+$0xFFFFFCA0];
	v4 =	vadd.s32 v45, v4  }
0xea: {  	v62 =	vld [tilespmem:s26+$0xFFFFFD20];
	v4 =	vadd.s32 v46, v4  }
0xeb: {  	v63 =	vld [tilespmem:s26+$0xFFFFFDA0];
	[tilespmem:s28+$0x30] =	vst v4  }
0xec: {  	v51 =	vld [tilespmem:s26+$0x40]  }
0xed: {  	v52 =	vld [tilespmem:s26+$0xC0]  }
0xee: {  	v53 =	vld [tilespmem:s26+$0x140]  }
0xef: {  	v54 =	vld [tilespmem:s26+$0x1C0]  }
0xf0: {  	v55 =	vld [tilespmem:s26+$0x240]  }
0xf1: {  	v56 =	vld [tilespmem:s26+$0x2C0]  }
0xf2: {  	v57 =	vld [tilespmem:s26+$0x340];
	v27 =	vadd.s32 v51, v52  }
0xf3: {  	v58 =	vld [tilespmem:s26+$0x3C0];
	v27 =	vadd.s32 v53, v27  }
0xf4: {  	v36 =	vld [tilespmem:s26+$0xFFFFFE20];
	v26 =	vadd.s32 v54, v27  }
0xf5: {  	v37 =	vld [tilespmem:s26+$0xFFFFFEA0];
	v26 =	vadd.s32 v55, v26  }
0xf6: {  	v47 =	vld [tilespmem:s26+$0xFFFFFF20];
	v26 =	vadd.s32 v56, v26  }
0xf7: {  	v5 =	vld [tilespmem:s26+$0xFFFFFFA0];
	v26 =	vadd.s32 v57, v26  }
0xf8: {  	v46 =	vld [tilespmem:s28+$0x50];
	v26 =	vadd.s32 v58, v26  }
0xf9: {  	v4 =	vld [tilespmem:s28+$0xFFFFFFD0];
	v48 =	vadd.s32 v60, v61;
	v25 =	vadd.s32 v59, v26  }
0xfa: {  	v23 =	vadd.s32 v62, v48;
	v48 =	vld [tilespmem:s25+$0xFFFFFFE0];
	[tilespmem:s28+$0x40] =	vst v25  }
0xfb: {  	v25 =	vld [tilespmem:s26+$0x50]  }
0xfc: {  	v38 =	vld [tilespmem:s26+$0xD0]  }
0xfd: {  	v39 =	vld [tilespmem:s26+$0x150]  }
0xfe: {  	v23 =	vadd.s32 v63, v23;
	v40 =	vld [tilespmem:s26+$0x1D0]  }
0xff: {  	v23 =	vadd.s32 v36, v23;
	v41 =	vld [tilespmem:s26+$0x250]  }
0x100: {  	v23 =	vadd.s32 v37, v23;
	v42 =	vld [tilespmem:s26+$0x2D0]  }
0x101: {  	v18 =	vadd.s32 v47, v23;
	v44 =	vld [tilespmem:s26+$0x350];
	v43 =	vadd.s32 v25, v38  }
0x102: {  	v5 =	vadd.s32 v5, v18;
	v45 =	vld [tilespmem:s26+$0x3D0];
	v19 =	vadd.s32 v39, v43  }
0x103: {  	v47 =	vld [tilespmem:s25+$0xFFFFFF60];
	v5 =	vadd.s32 v24, v5;
	v19 =	vadd.s32 v40, v19  }
0x104: {  	[tilespmem:s28+$0xFFFFFFA0] =	vst v5;
	v5 =	vld [tilespmem:s28+$0x60];
	v19 =	vadd.s32 v41, v19  }
0x105: {  	v60 =	vld [tilespmem:s26+$0xFFFFFDB0];
	v19 =	vadd.s32 v42, v19  }
0x106: {  	v61 =	vld [tilespmem:s26+$0xFFFFFE30];
	v19 =	vadd.s32 v44, v19  }
0x107: {  	v62 =	vld [tilespmem:s26+$0xFFFFFEB0];
	v19 =	vadd.s32 v45, v19  }
0x108: {  	v57 =	vld [tilespmem:s26+$0xFFFFFC30];
	v19 =	vadd.s32 v46, v19  }
0x109: {  	v58 =	vld [tilespmem:s26+$0xFFFFFCB0];
	[tilespmem:s28+$0x50] =	vst v19  }
0x10a: {  	v49 =	vld [tilespmem:s26+$0x60]  }
0x10b: {  	v50 =	vld [tilespmem:s26+$0xE0]  }
0x10c: {  	v51 =	vld [tilespmem:s26+$0x160]  }
0x10d: {  	v52 =	vld [tilespmem:s26+$0x1E0]  }
0x10e: {  	v53 =	vld [tilespmem:s26+$0x260]  }
0x10f: {  	v54 =	vld [tilespmem:s26+$0x2E0]  }
0x110: {  	v55 =	vld [tilespmem:s26+$0x360];
	v25 =	vadd.s32 v49, v50  }
0x111: {  	v56 =	vld [tilespmem:s26+$0x3E0];
	v25 =	vadd.s32 v51, v25  }
0x112: {  	v59 =	vld [tilespmem:s26+$0xFFFFFD30];
	v25 =	vadd.s32 v52, v25  }
0x113: {  	v41 =	vld [tilespmem:s26+$0xFFFFFF30];
	v25 =	vadd.s32 v53, v25  }
0x114: {  	v42 =	vld [tilespmem:s26+$0xFFFFFFB0];
	v23 =	vadd.s32 v54, v25  }
0x115: {  	v19 =	vld [tilespmem:s25+$0xFFFFFDE0];
	v18 =	vadd.s32 v55, v23  }
0x116: {  	v45 =	vld [tilespmem:s25+$0xFFFFFE60];
	v18 =	vadd.s32 v56, v18  }
0x117: {  	v46 =	vld [tilespmem:s25+$0xFFFFFEE0];
	v5 =	vadd.s32 v5, v18  }
0x118: {  	v20 =	vadd.s32 v20, v21;
	v44 =	vld [tilespmem:s28+$0x70];
	[tilespmem:s28+$0x60] =	vst v5  }
0x119: {  	v20 =	vadd.s32 v22, v20;
	v28 =	vld [tilespmem:s26+$0x70]  }
0x11a: {  	v19 =	vadd.s32 v19, v20;
	v5 =	vadd.s32 v57, v58;
	v63 =	vld [tilespmem:s26+$0xF0]  }
0x11b: {  	v18 =	vadd.s32 v45, v19;
	v36 =	vld [tilespmem:s26+$0x170];
	v5 =	vadd.s32 v59, v5  }
0x11c: {  	v18 =	vadd.s32 v46, v18;
	v37 =	vld [tilespmem:s26+$0x1F0];
	v5 =	vadd.s32 v60, v5  }
0x11d: {  	v38 =	vld [tilespmem:s26+$0x270];
	v18 =	vadd.s32 v47, v18;
	v5 =	vadd.s32 v61, v5  }
0x11e: {  	v39 =	vld [tilespmem:s26+$0x2F0];
	v18 =	vadd.s32 v48, v18;
	v5 =	vadd.s32 v62, v5  }
0x11f: {  	v40 =	vld [tilespmem:s26+$0x370];
	v16 =	vadd.s32 v16, v18;
	v5 =	vadd.s32 v41, v5  }
0x120: {  	v43 =	vld [tilespmem:s26+$0x3F0];
	[tilespmem:s24+$0xFFFFFFE0] =	vst v16;
	v5 =	vadd.s32 v42, v5  }
0x121: {  	v59 =	vld [tilespmem:s25+$0xFFFFFC70];
	v5 =	vadd.s32 v6, v5  }
0x122: {  	v60 =	vld [tilespmem:s25+$0xFFFFFCF0];
	[tilespmem:s28+$0xFFFFFFB0] =	vst v5  }
0x123: {  	v49 =	vld [tilespmem:s26+$0xFFFFFC40]  }
0x124: {  	v50 =	vld [tilespmem:s26+$0xFFFFFCC0]  }
0x125: {  	v51 =	vld [tilespmem:s26+$0xFFFFFD40]  }
0x126: {  	v52 =	vld [tilespmem:s26+$0xFFFFFDC0]  }
0x127: {  	v53 =	vld [tilespmem:s26+$0xFFFFFE40]  }
0x128: {  	v54 =	vld [tilespmem:s26+$0xFFFFFEC0]  }
0x129: {  	v56 =	vld [tilespmem:s26+$0xFFFFFF40];
	v55 =	vadd.s32 v49, v50  }
0x12a: {  	v58 =	vld [tilespmem:s26+$0xFFFFFFC0];
	v57 =	vadd.s32 v51, v55  }
0x12b: {  	v7 =	vadd.s32 v7, v8;
	v61 =	vld [tilespmem:s25+$0xFFFFFD70];
	v16 =	vadd.s32 v52, v57  }
0x12c: {  	v7 =	vadd.s32 v9, v7;
	v62 =	vld [tilespmem:s25+$0xFFFFFDF0];
	v16 =	vadd.s32 v53, v16  }
0x12d: {  	v7 =	vadd.s32 v15, v7;
	v15 =	vld [tilespmem:s25+$0xFFFFFEF0];
	v16 =	vadd.s32 v54, v16  }
0x12e: {  	v7 =	vadd.s32 v14, v7;
	v14 =	vld [tilespmem:s25+$0xFFFFFF70];
	v8 =	vadd.s32 v56, v16  }
0x12f: {  	v9 =	vadd.s32 v28, v63;
	v63 =	vld [tilespmem:s25+$0xFFFFFE70];
	v8 =	vadd.s32 v58, v8  }
0x130: {  	v6 =	vld [tilespmem:s28+$0xFFFFFFE0];
	v9 =	vadd.s32 v36, v9;
	v8 =	vadd.s32 v17, v8  }
0x131: {  	v5 =	vld [tilespmem:s28+$0xFFFFFFF0];
	v9 =	vadd.s32 v37, v9;
	[tilespmem:s28+$0xFFFFFFC0] =	vst v8  }
0x132: {  	v7 =	vadd.s32 v13, v7;
	v9 =	vadd.s32 v38, v9;
	v13 =	vadd.s32 v59, v60;
	v8 =	vld [tilespmem:s26+$0xFFFFFC50]  }
0x133: {  	v7 =	vadd.s32 v12, v7;
	v12 =	vadd.s32 v39, v9;
	v13 =	vadd.s32 v61, v13;
	v9 =	vld [tilespmem:s26+$0xFFFFFCD0]  }
0x134: {  	v7 =	vadd.s32 v10, v7;
	v12 =	vadd.s32 v40, v12;
	v13 =	vadd.s32 v62, v13;
	v10 =	vld [tilespmem:s26+$0xFFFFFD50]  }
0x135: {  	v7 =	vadd.s32 v11, v7;
	v12 =	vadd.s32 v43, v12;
	v13 =	vadd.s32 v63, v13;
	v11 =	vld [tilespmem:s26+$0xFFFFFDD0]  }
0x136: {  	[tilespmem:s24+$0x70] =	vst v7;
	v7 =	vadd.s32 v44, v12;
	v13 =	vadd.s32 v15, v13;
	v12 =	vld [tilespmem:s26+$0xFFFFFE50]  }
0x137: {  	s30 =	simm.s32 $0x2;
	s31 =	simm.s32 $0x1400;
	s29 =	simm.s32 $0x10180;
	[tilespmem:s28+$0x70] =	vst v7;
	v7 =	vadd.s32 v14, v13;
	v13 =	vld [tilespmem:s26+$0xFFFFFED0]  }
.LBB2_7:
0x138: {  	v14 =	vld [tilespmem:s31+$0x0];
	v8 =	vadd.s32 v8, v9  }
0x139: {  	v9 =	vld [tilespmem:s31+$0x80];
	v8 =	vadd.s32 v10, v8  }
0x13a: {  	v10 =	vld [tilespmem:s31+$0x100];
	v8 =	vadd.s32 v11, v8  }
0x13b: {  	v15 =	vld [tilespmem:s31+$0x180];
	v8 =	vadd.s32 v12, v8  }
0x13c: {  	v12 =	vld [tilespmem:s31+$0x200];
	v11 =	vadd.s32 v13, v8  }
0x13d: {  	v8 =	vld [tilespmem:s31+$0x280]  }
0x13e: {  	v13 =	vld [tilespmem:s31+$0x300];
	v9 =	vadd.s32 v14, v9  }
0x13f: {  	s28 =	sadd.s32 $0x100, s28;
	v14 =	vld [tilespmem:s31+$0x380];
	v9 =	vadd.s32 v10, v9  }
0x140: {  	s30 =	sadd.s32 $0x2, s30;
	v10 =	vld [tilespmem:s28+$0x0];
	v9 =	vadd.s32 v15, v9  }
0x141: {  	p1 =	slt.u32 s30, $0x1E;
	v15 =	vld [tilespmem:s31+$0xFFFFFC80];
	v9 =	vadd.s32 v12, v9  }
0x142: {  	v12 =	vld [tilespmem:s31+$0xFFFFFC00];
	v8 =	vadd.s32 v8, v9  }
0x143: {  	v9 =	vld [tilespmem:s31+$0xFFFFFD00];
	v8 =	vadd.s32 v13, v8  }
0x144: {  	v13 =	vld [tilespmem:s31+$0xFFFFFD80];
	v8 =	vadd.s32 v14, v8  }
0x145: {  	v14 =	vld [tilespmem:s31+$0xFFFFFE00];
	v8 =	vadd.s32 v10, v8  }
0x146: {  	v10 =	vld [tilespmem:s31+$0xFFFFFE80];
	[tilespmem:s28+$0x0] =	vst v8  }
0x147: {  	v8 =	vadd.s32 v12, v15;
	v12 =	vld [tilespmem:s31+$0x10]  }
0x148: {  	v8 =	vadd.s32 v9, v8;
	v9 =	vld [tilespmem:s31+$0x90]  }
0x149: {  	v8 =	vadd.s32 v13, v8;
	v13 =	vld [tilespmem:s31+$0x110]  }
0x14a: {  	v8 =	vadd.s32 v14, v8;
	v14 =	vld [tilespmem:s31+$0x190]  }
0x14b: {  	v8 =	vadd.s32 v10, v8;
	v10 =	vld [tilespmem:s31+$0x210]  }
0x14c: {  	v15 =	vld [tilespmem:s31+$0x290]  }
0x14d: {  	v16 =	vld [tilespmem:s31+$0x310];
	v9 =	vadd.s32 v12, v9  }
0x14e: {  	v12 =	vld [tilespmem:s31+$0x390];
	v9 =	vadd.s32 v13, v9  }
0x14f: {  	v13 =	vld [tilespmem:s28+$0x10];
	v9 =	vadd.s32 v14, v9  }
0x150: {  	v14 =	vld [tilespmem:s31+$0xFFFFFF00];
	v9 =	vadd.s32 v10, v9  }
0x151: {  	v17 =	vld [tilespmem:s31+$0xFFFFFF80];
	v9 =	vadd.s32 v15, v9  }
0x152: {  	v15 =	vld [tilespmem:s28+$0xFFFFFF80];
	v9 =	vadd.s32 v16, v9  }
0x153: {  	v16 =	vld [tilespmem:s28+$0xFFFFFF90];
	v9 =	vadd.s32 v12, v9  }
0x154: {  	v10 =	vld [tilespmem:s28+$0xFFFFFFA0];
	v9 =	vadd.s32 v13, v9  }
0x155: {  	v12 =	vadd.s32 v14, v8;
	v8 =	vld [tilespmem:s28+$0xFFFFFFB0];
	[tilespmem:s28+$0x10] =	vst v9  }
0x156: {  	v9 =	vadd.s32 v17, v12;
	v12 =	vld [tilespmem:s31+$0x20]  }
0x157: {  	v9 =	vadd.s32 v15, v9;
	v13 =	vld [tilespmem:s31+$0xA0]  }
0x158: {  	[tilespmem:s28+$0xFFFFFF80] =	vst v9;
	v9 =	vld [tilespmem:s31+$0x120]  }
0x159: {  	v14 =	vld [tilespmem:s31+$0x1A0]  }
0x15a: {  	v15 =	vld [tilespmem:s31+$0x220]  }
0x15b: {  	v17 =	vld [tilespmem:s31+$0x2A0]  }
0x15c: {  	v18 =	vld [tilespmem:s31+$0x320];
	v12 =	vadd.s32 v12, v13  }
0x15d: {  	v13 =	vld [tilespmem:s31+$0x3A0];
	v9 =	vadd.s32 v9, v12  }
0x15e: {  	v12 =	vld [tilespmem:s28+$0x20];
	v9 =	vadd.s32 v14, v9  }
0x15f: {  	v14 =	vld [tilespmem:s31+$0xFFFFFC10];
	v9 =	vadd.s32 v15, v9  }
0x160: {  	v15 =	vld [tilespmem:s31+$0xFFFFFC90];
	v9 =	vadd.s32 v17, v9  }
0x161: {  	v17 =	vld [tilespmem:s31+$0xFFFFFD10];
	v9 =	vadd.s32 v18, v9  }
0x162: {  	v18 =	vld [tilespmem:s31+$0xFFFFFD90];
	v9 =	vadd.s32 v13, v9  }
0x163: {  	v13 =	vld [tilespmem:s31+$0xFFFFFE10];
	v9 =	vadd.s32 v12, v9  }
0x164: {  	v12 =	vld [tilespmem:s31+$0xFFFFFE90];
	[tilespmem:s28+$0x20] =	vst v9  }
0x165: {  	v9 =	vadd.s32 v14, v15;
	v14 =	vld [tilespmem:s31+$0x30]  }
0x166: {  	v9 =	vadd.s32 v17, v9;
	v15 =	vld [tilespmem:s31+$0xB0]  }
0x167: {  	v9 =	vadd.s32 v18, v9;
	v17 =	vld [tilespmem:s31+$0x130]  }
0x168: {  	v9 =	vadd.s32 v13, v9;
	v13 =	vld [tilespmem:s31+$0x1B0]  }
0x169: {  	v12 =	vadd.s32 v12, v9;
	v9 =	vld [tilespmem:s31+$0x230]  }
0x16a: {  	v18 =	vld [tilespmem:s31+$0x2B0]  }
0x16b: {  	v19 =	vld [tilespmem:s31+$0x330];
	v14 =	vadd.s32 v14, v15  }
0x16c: {  	v15 =	vld [tilespmem:s31+$0x3B0];
	v14 =	vadd.s32 v17, v14  }
0x16d: {  	v17 =	vld [tilespmem:s28+$0x30];
	v13 =	vadd.s32 v13, v14  }
0x16e: {  	v14 =	vld [tilespmem:s31+$0xFFFFFF10];
	v9 =	vadd.s32 v9, v13  }
0x16f: {  	v13 =	vld [tilespmem:s31+$0xFFFFFF90];
	v18 =	vadd.s32 v18, v9  }
0x170: {  	v9 =	vld [tilespmem:s28+$0xFFFFFFC0];
	v18 =	vadd.s32 v19, v18  }
0x171: {  	v15 =	vadd.s32 v15, v18;
	v18 =	vld [tilespmem:s26+$0xFFFFFF50]  }
0x172: {  	v15 =	vadd.s32 v17, v15;
	v17 =	vld [tilespmem:s26+$0xFFFFFFD0]  }
0x173: {  	v12 =	vadd.s32 v14, v12;
	v14 =	vld [tilespmem:s28+$0xFFFFFFD0];
	[tilespmem:s28+$0x30] =	vst v15  }
0x174: {  	v12 =	vadd.s32 v13, v12;
	v13 =	vld [tilespmem:s31+$0x40]  }
0x175: {  	v12 =	vadd.s32 v16, v12;
	v15 =	vld [tilespmem:s31+$0xC0]  }
0x176: {  	[tilespmem:s28+$0xFFFFFF90] =	vst v12;
	v12 =	vld [tilespmem:s31+$0x140];
	v11 =	vadd.s32 v18, v11  }
0x177: {  	v16 =	vld [tilespmem:s31+$0x1C0];
	v11 =	vadd.s32 v17, v11  }
0x178: {  	v17 =	vld [tilespmem:s31+$0x240];
	v11 =	vadd.s32 v4, v11;
	v4 =	vmov v14  }
0x179: {  	v14 =	vld [tilespmem:s31+$0x2C0];
	[tilespmem:s29+$0xFFFFFFD0] =	vst v11  }
0x17a: {  	v11 =	vld [tilespmem:s31+$0x340];
	v13 =	vadd.s32 v13, v15  }
0x17b: {  	v15 =	vld [tilespmem:s31+$0x3C0];
	v12 =	vadd.s32 v12, v13  }
0x17c: {  	v13 =	vld [tilespmem:s28+$0x40];
	v12 =	vadd.s32 v16, v12  }
0x17d: {  	v16 =	vld [tilespmem:s31+$0xFFFFFC20];
	v12 =	vadd.s32 v17, v12  }
0x17e: {  	v17 =	vld [tilespmem:s31+$0xFFFFFCA0];
	v12 =	vadd.s32 v14, v12  }
0x17f: {  	v14 =	vld [tilespmem:s31+$0xFFFFFD20];
	v11 =	vadd.s32 v11, v12  }
0x180: {  	v12 =	vld [tilespmem:s31+$0xFFFFFDA0];
	v11 =	vadd.s32 v15, v11  }
0x181: {  	v15 =	vld [tilespmem:s31+$0xFFFFFE20];
	v11 =	vadd.s32 v13, v11  }
0x182: {  	v13 =	vld [tilespmem:s31+$0xFFFFFEA0];
	[tilespmem:s28+$0x40] =	vst v11  }
0x183: {  	v11 =	vadd.s32 v16, v17;
	v16 =	vld [tilespmem:s31+$0x50]  }
0x184: {  	v11 =	vadd.s32 v14, v11;
	v14 =	vld [tilespmem:s31+$0xD0]  }
0x185: {  	v11 =	vadd.s32 v12, v11;
	v12 =	vld [tilespmem:s31+$0x150]  }
0x186: {  	v11 =	vadd.s32 v15, v11;
	v15 =	vld [tilespmem:s31+$0x1D0]  }
0x187: {  	v11 =	vadd.s32 v13, v11;
	v13 =	vld [tilespmem:s31+$0x250]  }
0x188: {  	v17 =	vld [tilespmem:s31+$0x2D0]  }
0x189: {  	v18 =	vld [tilespmem:s31+$0x350];
	v14 =	vadd.s32 v16, v14  }
0x18a: {  	v16 =	vld [tilespmem:s31+$0x3D0];
	v12 =	vadd.s32 v12, v14  }
0x18b: {  	v14 =	vld [tilespmem:s28+$0x50];
	v12 =	vadd.s32 v15, v12  }
0x18c: {  	v15 =	vld [tilespmem:s31+$0xFFFFFF20];
	v12 =	vadd.s32 v13, v12  }
0x18d: {  	v13 =	vld [tilespmem:s31+$0xFFFFFFA0];
	v12 =	vadd.s32 v17, v12  }
0x18e: {  	v12 =	vadd.s32 v18, v12;
	v17 =	vld [tilespmem:s26+$0xFFFFFC60]  }
0x18f: {  	v12 =	vadd.s32 v16, v12;
	v16 =	vld [tilespmem:s26+$0xFFFFFCE0]  }
0x190: {  	v12 =	vadd.s32 v14, v12;
	v14 =	vld [tilespmem:s26+$0xFFFFFD60]  }
0x191: {  	v11 =	vadd.s32 v15, v11;
	[tilespmem:s28+$0x50] =	vst v12;
	v12 =	vld [tilespmem:s26+$0xFFFFFDE0]  }
0x192: {  	v11 =	vadd.s32 v13, v11;
	v13 =	vld [tilespmem:s31+$0x60]  }
0x193: {  	v10 =	vadd.s32 v10, v11;
	v11 =	vld [tilespmem:s31+$0xE0]  }
0x194: {  	[tilespmem:s28+$0xFFFFFFA0] =	vst v10;
	v10 =	vld [tilespmem:s31+$0x160];
	v15 =	vadd.s32 v17, v16  }
0x195: {  	v16 =	vld [tilespmem:s31+$0x1E0];
	v14 =	vadd.s32 v14, v15  }
0x196: {  	v15 =	vld [tilespmem:s31+$0x260];
	v12 =	vadd.s32 v12, v14  }
0x197: {  	v14 =	vld [tilespmem:s31+$0x2E0]  }
0x198: {  	v17 =	vld [tilespmem:s31+$0x360];
	v11 =	vadd.s32 v13, v11  }
0x199: {  	v13 =	vld [tilespmem:s31+$0x3E0];
	v10 =	vadd.s32 v10, v11  }
0x19a: {  	v11 =	vld [tilespmem:s28+$0x60];
	v10 =	vadd.s32 v16, v10  }
0x19b: {  	v16 =	vld [tilespmem:s31+$0xFFFFFC30];
	v10 =	vadd.s32 v15, v10  }
0x19c: {  	v15 =	vld [tilespmem:s31+$0xFFFFFCB0];
	v10 =	vadd.s32 v14, v10  }
0x19d: {  	v14 =	vld [tilespmem:s31+$0xFFFFFD30];
	v10 =	vadd.s32 v17, v10  }
0x19e: {  	v17 =	vld [tilespmem:s31+$0xFFFFFDB0];
	v10 =	vadd.s32 v13, v10  }
0x19f: {  	v13 =	vld [tilespmem:s31+$0xFFFFFE30];
	v10 =	vadd.s32 v11, v10  }
0x1a0: {  	v11 =	vld [tilespmem:s31+$0xFFFFFEB0];
	[tilespmem:s28+$0x60] =	vst v10  }
0x1a1: {  	v10 =	vadd.s32 v16, v15;
	v15 =	vld [tilespmem:s31+$0x70]  }
0x1a2: {  	v10 =	vadd.s32 v14, v10;
	v14 =	vld [tilespmem:s31+$0xF0]  }
0x1a3: {  	v10 =	vadd.s32 v17, v10;
	v16 =	vld [tilespmem:s31+$0x170]  }
0x1a4: {  	v10 =	vadd.s32 v13, v10;
	v13 =	vld [tilespmem:s31+$0x1F0]  }
0x1a5: {  	v10 =	vadd.s32 v11, v10;
	v11 =	vld [tilespmem:s31+$0x270]  }
0x1a6: {  	v17 =	vld [tilespmem:s31+$0x2F0]  }
0x1a7: {  	v18 =	vld [tilespmem:s31+$0x370];
	v14 =	vadd.s32 v15, v14  }
0x1a8: {  	v15 =	vld [tilespmem:s31+$0x3F0];
	v14 =	vadd.s32 v16, v14  }
0x1a9: {  	v16 =	vld [tilespmem:s28+$0x70];
	v13 =	vadd.s32 v13, v14  }
0x1aa: {  	v14 =	vld [tilespmem:s31+$0xFFFFFF30];
	v11 =	vadd.s32 v11, v13  }
0x1ab: {  	v13 =	vld [tilespmem:s31+$0xFFFFFFB0];
	v11 =	vadd.s32 v17, v11  }
0x1ac: {  	v11 =	vadd.s32 v18, v11;
	v17 =	vld [tilespmem:s26+$0xFFFFFE60]  }
0x1ad: {  	v11 =	vadd.s32 v15, v11;
	v15 =	vld [tilespmem:s26+$0xFFFFFEE0]  }
0x1ae: {  	v11 =	vadd.s32 v16, v11;
	v16 =	vld [tilespmem:s26+$0xFFFFFF60]  }
0x1af: {  	v10 =	vadd.s32 v14, v10;
	[tilespmem:s28+$0x70] =	vst v11;
	v11 =	vld [tilespmem:s26+$0xFFFFFFE0]  }
0x1b0: {  	v10 =	vadd.s32 v13, v10;
	v13 =	vld [tilespmem:s28+$0xFFFFFFE0]  }
0x1b1: {  	v8 =	vadd.s32 v8, v10;
	v10 =	vadd.s32 v17, v12;
	v12 =	vld [tilespmem:s25+$0xFFFFFFF0];
	s25 =	smov.u32 s26;
	s26 =	smov.u32 s31  }
0x1b2: {  	[tilespmem:s28+$0xFFFFFFB0] =	vst v8;
	v8 =	vld [tilespmem:s28+$0xFFFFFFF0];
	v10 =	vadd.s32 v15, v10  }
0x1b3: {  	v14 =	vld [tilespmem:s31+$0xFFFFFC40];
	v10 =	vadd.s32 v16, v10  }
0x1b4: {  	v15 =	vld [tilespmem:s31+$0xFFFFFCC0];
	v10 =	vadd.s32 v11, v10  }
0x1b5: {  	v11 =	vld [tilespmem:s31+$0xFFFFFD40];
	v10 =	vadd.s32 v6, v10;
	v6 =	vmov v13  }
0x1b6: {  	v13 =	vld [tilespmem:s31+$0xFFFFFDC0];
	[tilespmem:s29+$0xFFFFFFE0] =	vst v10;
	v7 =	vadd.s32 v12, v7  }
0x1b7: {  	v10 =	vld [tilespmem:s31+$0xFFFFFE40];
	v7 =	vadd.s32 v3, v7;
	v3 =	vmov v5;
	v5 =	vmov v8  }
0x1b8: {  	v8 =	vld [tilespmem:s31+$0xFFFFFEC0];
	[tilespmem:s24+$0xFFFFFFF0] =	vst v7;
	s24 =	smov.u32 s29;
	s29 =	smov.u32 s28  }
0x1b9: {  	v7 =	vld [tilespmem:s31+$0xFFFFFF40];
	v12 =	vadd.s32 v14, v15  }
0x1ba: {  	v14 =	vld [tilespmem:s31+$0xFFFFFFC0];
	v11 =	vadd.s32 v11, v12  }
0x1bb: {  	v11 =	vadd.s32 v13, v11;
	v12 =	vld [tilespmem:s25+$0xFFFFFC70]  }
0x1bc: {  	v10 =	vadd.s32 v10, v11;
	v11 =	vld [tilespmem:s25+$0xFFFFFCF0]  }
0x1bd: {  	v8 =	vadd.s32 v8, v10;
	v10 =	vld [tilespmem:s25+$0xFFFFFD70]  }
0x1be: {  	v7 =	vadd.s32 v7, v8;
	v13 =	vld [tilespmem:s25+$0xFFFFFDF0]  }
0x1bf: {  	v7 =	vadd.s32 v14, v7;
	v14 =	vld [tilespmem:s25+$0xFFFFFE70]  }
0x1c0: {  	v7 =	vadd.s32 v9, v7;
	v15 =	vld [tilespmem:s25+$0xFFFFFEF0]  }
0x1c1: {  	[tilespmem:s28+$0xFFFFFFC0] =	vst v7;
	v7 =	vld [tilespmem:s25+$0xFFFFFF70];
	v9 =	vadd.s32 v12, v11  }
0x1c2: {  	v8 =	vld [tilespmem:s31+$0xFFFFFC50];
	v10 =	vadd.s32 v10, v9  }
.Ltmp4:
0x1c3: {  	v9 =	vld [tilespmem:s31+$0xFFFFFCD0];
	v11 =	vadd.s32 v13, v10;
	(pc) =	sbr.rel @p1 .LBB2_7-.Ltmp4, $4  }
0x1c4: {  	v10 =	vld [tilespmem:s31+$0xFFFFFD50];
	v12 =	vadd.s32 v14, v11  }
0x1c5: {  	v11 =	vld [tilespmem:s31+$0xFFFFFDD0];
	v13 =	vadd.s32 v15, v12  }
0x1c6: {  	v12 =	vld [tilespmem:s31+$0xFFFFFE50];
	v7 =	vadd.s32 v7, v13  }
0x1c7: {  	s31 =	sadd.s32 $0x800, s31;
	v13 =	vld [tilespmem:s26+$0xFFFFFED0]  }
0x1c8: {  	v8 =	vadd.s32 v8, v9;
	v9 =	vld [tilespmem:s26+$0xFFFFFF50]  }
0x1c9: {  	v8 =	vadd.s32 v10, v8;
	v10 =	vld [tilespmem:s26+$0xFFFFFFD0]  }
0x1ca: {  	v8 =	vadd.s32 v11, v8  }
0x1cb: {  	v8 =	vadd.s32 v12, v8  }
0x1cc: {  	v8 =	vadd.s32 v13, v8  }
0x1cd: {  	v8 =	vadd.s32 v9, v8  }
0x1ce: {  	v8 =	vadd.s32 v10, v8  }
0x1cf: {  	v4 =	vadd.s32 v4, v8  }
0x1d0: {  	[tilespmem:s29+$0xFFFFFFD0] =	vst v4  }
0x1d1: {  	v4 =	vld [tilespmem:s26+$0xFFFFFC60]  }
0x1d2: {  	v8 =	vld [tilespmem:s26+$0xFFFFFCE0]  }
0x1d3: {  	v9 =	vld [tilespmem:s26+$0xFFFFFD60]  }
0x1d4: {  	v10 =	vld [tilespmem:s26+$0xFFFFFDE0]  }
0x1d5: {  	v11 =	vld [tilespmem:s26+$0xFFFFFE60]  }
0x1d6: {  	v12 =	vld [tilespmem:s26+$0xFFFFFEE0]  }
0x1d7: {  	v4 =	vadd.s32 v4, v8;
	v8 =	vld [tilespmem:s26+$0xFFFFFF60]  }
0x1d8: {  	v4 =	vadd.s32 v9, v4;
	v9 =	vld [tilespmem:s26+$0xFFFFFFE0]  }
0x1d9: {  	v4 =	vadd.s32 v10, v4  }
0x1da: {  	v4 =	vadd.s32 v11, v4  }
0x1db: {  	v4 =	vadd.s32 v12, v4  }
0x1dc: {  	v4 =	vadd.s32 v8, v4  }
0x1dd: {  	v4 =	vadd.s32 v9, v4  }
0x1de: {  	v4 =	vadd.s32 v6, v4  }
0x1df: {  	v6 =	vld [tilespmem:s25+$0xFFFFFFF0];
	[tilespmem:s29+$0xFFFFFFE0] =	vst v4  }
0x1e0: {  	v4 =	vld [tilespmem:s26+$0xFFFFFC70]  }
0x1e1: {  	v8 =	vld [tilespmem:s26+$0xFFFFFCF0]  }
0x1e2: {  	v9 =	vld [tilespmem:s26+$0xFFFFFD70]  }
0x1e3: {  	v10 =	vld [tilespmem:s26+$0xFFFFFDF0]  }
0x1e4: {  	v11 =	vld [tilespmem:s26+$0xFFFFFE70]  }
0x1e5: {  	v12 =	vld [tilespmem:s26+$0xFFFFFEF0]  }
0x1e6: {  	v13 =	vld [tilespmem:s26+$0xFFFFFF70];
	v4 =	vadd.s32 v4, v8  }
0x1e7: {  	v8 =	vld [tilespmem:s26+$0xFFFFFFF0];
	v4 =	vadd.s32 v9, v4  }
0x1e8: {  	v4 =	vadd.s32 v10, v4  }
0x1e9: {  	p1 =	seq.s32 s23, $0x7;
	v4 =	vadd.s32 v11, v4  }
0x1ea: {  	s25 =	sadd.s32 @!p1 s23, s8;
	v4 =	vadd.s32 v12, v4  }
0x1eb: {  	s25 =	sshll.u32 @!p1 s25, $0x10;
	v6 =	vadd.s32 v6, v7;
	v4 =	vadd.s32 v13, v4  }
0x1ec: {  	s25 =	sadd.s32 @!p1 s4, s25;
	v3 =	vadd.s32 v3, v6;
	v4 =	vadd.s32 v8, v4  }
0x1ed: {  	[tilespmem:s24+$0xFFFFFFF0] =	vst v3;
	s24 =	sshrl.u32 @!p1 s25, $0x3;
	v3 =	vadd.s32 v5, v4  }
0x1ee: {  	s25 =	simm.s32 @!p1 $0x0;
	s24 =	sadd.s32 @!p1 s1, s24;
	[tilespmem:s29+$0xFFFFFFF0] =	vst v3  }
0x1ef: {  	[tilespmem:s25], [sflag:$0x1] =	stream.linear.gather @!p1 [hbm4b:s24+s25], $0x8000, $0x38;
	[tilespmem:$0x14100] =	vst v63  }
0x1f0: {  	_ =	swait.ge [sflag:s15], $0x8000  }
0x1f1: {  	[sflag:s15] =	ssyncset.done $0x0  }
0x1f2: {  	s25 =	simm.s32 $0x8400;
	[sflag:s15] =	ssyncadd.s32 $0xFFFF8000  }
0x1f3: {  	v3 =	vld [tilespmem:s25+$0x0]  }
0x1f4: {  	v4 =	vld [tilespmem:s25+$0x80]  }
0x1f5: {  	v5 =	vld [tilespmem:s25+$0x100]  }
0x1f6: {  	v6 =	vld [tilespmem:s25+$0x180]  }
0x1f7: {  	v7 =	vld [tilespmem:s25+$0x200]  }
0x1f8: {  	v8 =	vld [tilespmem:s25+$0x280]  }
0x1f9: {  	s24 =	simm.s32 $0x10080;
	v9 =	vld [tilespmem:s25+$0x300]  }
0x1fa: {  	v43 =	vld [tilespmem:s24+$0xFFFFFFC0];
	v3 =	vadd.s32 v3, v4  }
0x1fb: {  	v4 =	vld [tilespmem:s25+$0x380];
	v3 =	vadd.s32 v5, v3  }
0x1fc: {  	s26 =	simm.s32 $0x8C00;
	v5 =	vld [tilespmem:s24+$0x0];
	v3 =	vadd.s32 v6, v3  }
0x1fd: {  	v44 =	vld [tilespmem:s26+$0x100];
	v3 =	vadd.s32 v7, v3  }
0x1fe: {  	v24 =	vld [tilespmem:s26+$0x180];
	v3 =	vadd.s32 v8, v3  }
0x1ff: {  	v25 =	vld [tilespmem:s26+$0x200];
	v3 =	vadd.s32 v9, v3  }
0x200: {  	v6 =	vld [tilespmem:s25+$0xFFFFFC80];
	v3 =	vadd.s32 v4, v3  }
0x201: {  	v4 =	vld [tilespmem:s25+$0xFFFFFC00];
	v3 =	vadd.s32 v5, v3  }
0x202: {  	v5 =	vld [tilespmem:s25+$0xFFFFFD00];
	[tilespmem:s24+$0x0] =	vst v3  }
0x203: {  	v3 =	vld [tilespmem:s25+$0x10]  }
0x204: {  	v7 =	vld [tilespmem:s25+$0x90]  }
0x205: {  	v8 =	vld [tilespmem:s25+$0x110]  }
0x206: {  	v9 =	vld [tilespmem:s25+$0x190]  }
0x207: {  	v10 =	vld [tilespmem:s25+$0x210]  }
0x208: {  	v11 =	vld [tilespmem:s25+$0x290]  }
0x209: {  	v12 =	vld [tilespmem:s25+$0x310];
	v3 =	vadd.s32 v3, v7  }
0x20a: {  	v7 =	vld [tilespmem:s25+$0x390];
	v3 =	vadd.s32 v8, v3  }
0x20b: {  	v8 =	vld [tilespmem:s24+$0x10];
	v3 =	vadd.s32 v9, v3  }
0x20c: {  	v9 =	vld [tilespmem:s25+$0xFFFFFD80];
	v3 =	vadd.s32 v10, v3  }
0x20d: {  	v10 =	vld [tilespmem:s25+$0xFFFFFE00];
	v3 =	vadd.s32 v11, v3  }
0x20e: {  	v11 =	vld [tilespmem:s25+$0xFFFFFE80];
	v3 =	vadd.s32 v12, v3  }
0x20f: {  	v12 =	vld [tilespmem:s25+$0xFFFFFF00];
	v3 =	vadd.s32 v7, v3  }
0x210: {  	v7 =	vld [tilespmem:s25+$0xFFFFFF80];
	v3 =	vadd.s32 v8, v3  }
0x211: {  	v8 =	vld [tilespmem:s24+$0xFFFFFF80];
	[tilespmem:s24+$0x10] =	vst v3  }
0x212: {  	v3 =	vld [tilespmem:s25+$0x20]  }
0x213: {  	v13 =	vld [tilespmem:s25+$0xA0]  }
0x214: {  	v14 =	vld [tilespmem:s25+$0x120]  }
0x215: {  	v15 =	vld [tilespmem:s25+$0x1A0]  }
0x216: {  	v4 =	vadd.s32 v4, v6;
	v6 =	vld [tilespmem:s25+$0x220]  }
0x217: {  	v4 =	vadd.s32 v5, v4;
	v5 =	vld [tilespmem:s25+$0x2A0]  }
0x218: {  	v4 =	vadd.s32 v9, v4;
	v9 =	vld [tilespmem:s25+$0x320];
	v3 =	vadd.s32 v3, v13  }
0x219: {  	v4 =	vadd.s32 v10, v4;
	v10 =	vld [tilespmem:s25+$0x3A0];
	v3 =	vadd.s32 v14, v3  }
0x21a: {  	v4 =	vadd.s32 v11, v4;
	v11 =	vld [tilespmem:s24+$0x20];
	v3 =	vadd.s32 v15, v3  }
0x21b: {  	v26 =	vld [tilespmem:s26+$0x280];
	v4 =	vadd.s32 v12, v4;
	v3 =	vadd.s32 v6, v3  }
0x21c: {  	s28 =	simm.s32 $0x10180;
	v27 =	vld [tilespmem:s26+$0x300];
	v4 =	vadd.s32 v7, v4;
	v5 =	vadd.s32 v5, v3  }
0x21d: {  	v45 =	vld [tilespmem:s28+$0x0];
	v4 =	vadd.s32 v8, v4;
	v5 =	vadd.s32 v9, v5  }
0x21e: {  	[tilespmem:s24+$0xFFFFFF80] =	vst v4;
	v13 =	vld [tilespmem:s24+$0xFFFFFF90];
	v4 =	vadd.s32 v10, v5  }
0x21f: {  	v7 =	vld [tilespmem:s25+$0xFFFFFC90];
	v4 =	vadd.s32 v11, v4  }
0x220: {  	v5 =	vld [tilespmem:s25+$0xFFFFFC10];
	[tilespmem:s24+$0x20] =	vst v4  }
0x221: {  	v4 =	vld [tilespmem:s25+$0x30]  }
0x222: {  	v8 =	vld [tilespmem:s25+$0xB0]  }
0x223: {  	v9 =	vld [tilespmem:s25+$0x130]  }
0x224: {  	v10 =	vld [tilespmem:s25+$0x1B0]  }
0x225: {  	v11 =	vld [tilespmem:s25+$0x230]  }
0x226: {  	v12 =	vld [tilespmem:s25+$0x2B0]  }
0x227: {  	v14 =	vld [tilespmem:s25+$0x330];
	v4 =	vadd.s32 v4, v8  }
0x228: {  	v8 =	vld [tilespmem:s25+$0x3B0];
	v4 =	vadd.s32 v9, v4  }
0x229: {  	v9 =	vld [tilespmem:s24+$0x30];
	v4 =	vadd.s32 v10, v4  }
0x22a: {  	v10 =	vld [tilespmem:s25+$0xFFFFFD10];
	v4 =	vadd.s32 v11, v4  }
0x22b: {  	v11 =	vld [tilespmem:s25+$0xFFFFFD90];
	v4 =	vadd.s32 v12, v4  }
0x22c: {  	v12 =	vld [tilespmem:s25+$0xFFFFFE10];
	v4 =	vadd.s32 v14, v4  }
0x22d: {  	v14 =	vld [tilespmem:s25+$0xFFFFFE90];
	v4 =	vadd.s32 v8, v4  }
0x22e: {  	v8 =	vld [tilespmem:s25+$0xFFFFFF10];
	v4 =	vadd.s32 v9, v4  }
0x22f: {  	v9 =	vld [tilespmem:s25+$0xFFFFFF90];
	[tilespmem:s24+$0x30] =	vst v4  }
0x230: {  	v4 =	vld [tilespmem:s25+$0x40]  }
0x231: {  	v15 =	vld [tilespmem:s25+$0xC0]  }
0x232: {  	v16 =	vld [tilespmem:s25+$0x140]  }
0x233: {  	v17 =	vld [tilespmem:s25+$0x1C0]  }
0x234: {  	v5 =	vadd.s32 v5, v7;
	v7 =	vld [tilespmem:s25+$0x240]  }
0x235: {  	v5 =	vadd.s32 v10, v5;
	v10 =	vld [tilespmem:s25+$0x2C0]  }
0x236: {  	v5 =	vadd.s32 v11, v5;
	v11 =	vld [tilespmem:s25+$0x340];
	v4 =	vadd.s32 v4, v15  }
0x237: {  	v5 =	vadd.s32 v12, v5;
	v12 =	vld [tilespmem:s25+$0x3C0];
	v4 =	vadd.s32 v16, v4  }
0x238: {  	v5 =	vadd.s32 v14, v5;
	v14 =	vld [tilespmem:s24+$0x40];
	v4 =	vadd.s32 v17, v4  }
0x239: {  	v28 =	vld [tilespmem:s26+$0xFFFFFC80];
	v5 =	vadd.s32 v8, v5;
	v4 =	vadd.s32 v7, v4  }
0x23a: {  	v46 =	vld [tilespmem:s26+$0xFFFFFC00];
	v7 =	vadd.s32 v9, v5;
	v4 =	vadd.s32 v10, v4  }
0x23b: {  	v47 =	vld [tilespmem:s26+$0xFFFFFD00];
	v7 =	vadd.s32 v13, v7;
	v4 =	vadd.s32 v11, v4  }
0x23c: {  	v6 =	vld [tilespmem:s24+$0xFFFFFFA0];
	[tilespmem:s24+$0xFFFFFF90] =	vst v7;
	v4 =	vadd.s32 v12, v4  }
0x23d: {  	v7 =	vld [tilespmem:s25+$0xFFFFFC20];
	v4 =	vadd.s32 v14, v4  }
0x23e: {  	v8 =	vld [tilespmem:s25+$0xFFFFFCA0];
	[tilespmem:s24+$0x40] =	vst v4  }
0x23f: {  	v4 =	vld [tilespmem:s25+$0x50]  }
0x240: {  	v9 =	vld [tilespmem:s25+$0xD0]  }
0x241: {  	v10 =	vld [tilespmem:s25+$0x150]  }
0x242: {  	v11 =	vld [tilespmem:s25+$0x1D0]  }
0x243: {  	v12 =	vld [tilespmem:s25+$0x250]  }
0x244: {  	v13 =	vld [tilespmem:s25+$0x2D0]  }
0x245: {  	v14 =	vld [tilespmem:s25+$0x350];
	v4 =	vadd.s32 v4, v9  }
0x246: {  	v9 =	vld [tilespmem:s25+$0x3D0];
	v4 =	vadd.s32 v10, v4  }
0x247: {  	v10 =	vld [tilespmem:s24+$0x50];
	v4 =	vadd.s32 v11, v4  }
0x248: {  	v11 =	vld [tilespmem:s25+$0xFFFFFD20];
	v4 =	vadd.s32 v12, v4  }
0x249: {  	v12 =	vld [tilespmem:s25+$0xFFFFFDA0];
	v4 =	vadd.s32 v13, v4  }
0x24a: {  	v13 =	vld [tilespmem:s25+$0xFFFFFE20];
	v4 =	vadd.s32 v14, v4  }
0x24b: {  	v14 =	vld [tilespmem:s25+$0xFFFFFEA0];
	v4 =	vadd.s32 v9, v4  }
0x24c: {  	v9 =	vld [tilespmem:s25+$0xFFFFFF20];
	v4 =	vadd.s32 v10, v4  }
0x24d: {  	v10 =	vld [tilespmem:s25+$0xFFFFFFA0];
	[tilespmem:s24+$0x50] =	vst v4  }
0x24e: {  	v4 =	vadd.s32 v7, v8;
	v7 =	vld [tilespmem:s25+$0x60]  }
0x24f: {  	v4 =	vadd.s32 v11, v4;
	v8 =	vld [tilespmem:s25+$0xE0]  }
0x250: {  	v11 =	vld [tilespmem:s25+$0x160];
	v4 =	vadd.s32 v12, v4  }
0x251: {  	v12 =	vld [tilespmem:s25+$0x1E0];
	v4 =	vadd.s32 v13, v4  }
0x252: {  	v13 =	vld [tilespmem:s25+$0x260];
	v4 =	vadd.s32 v14, v4  }
0x253: {  	v4 =	vadd.s32 v9, v4;
	v9 =	vld [tilespmem:s25+$0x2E0]  }
0x254: {  	v4 =	vadd.s32 v10, v4;
	v10 =	vld [tilespmem:s25+$0x360]  }
0x255: {  	v4 =	vadd.s32 v6, v4;
	v6 =	vld [tilespmem:s25+$0x3E0]  }
0x256: {  	[tilespmem:s24+$0xFFFFFFA0] =	vst v4;
	v4 =	vld [tilespmem:s24+$0x60]  }
0x257: {  	v14 =	vld [tilespmem:s25+$0xFFFFFC30]  }
0x258: {  	v15 =	vld [tilespmem:s25+$0xFFFFFCB0]  }
0x259: {  	v7 =	vadd.s32 v7, v8;
	v8 =	vld [tilespmem:s25+$0xFFFFFD30]  }
0x25a: {  	v7 =	vadd.s32 v11, v7;
	v11 =	vld [tilespmem:s25+$0xFFFFFDB0]  }
0x25b: {  	v7 =	vadd.s32 v12, v7;
	v12 =	vld [tilespmem:s25+$0xFFFFFE30]  }
0x25c: {  	v7 =	vadd.s32 v13, v7;
	v13 =	vld [tilespmem:s25+$0xFFFFFEB0]  }
0x25d: {  	v7 =	vadd.s32 v9, v7;
	v9 =	vadd.s32 v14, v15;
	v14 =	vld [tilespmem:s25+$0xFFFFFF30]  }
0x25e: {  	v7 =	vadd.s32 v10, v7;
	v8 =	vadd.s32 v8, v9;
	v9 =	vld [tilespmem:s25+$0xFFFFFFB0]  }
0x25f: {  	v3 =	vld [tilespmem:s24+$0xFFFFFFB0];
	v6 =	vadd.s32 v6, v7;
	v7 =	vadd.s32 v11, v8  }
0x260: {  	v48 =	vld [tilespmem:s26+$0xFFFFFD80];
	v4 =	vadd.s32 v4, v6;
	v6 =	vadd.s32 v12, v7  }
0x261: {  	v29 =	vld [tilespmem:s26+$0xFFFFFE00];
	[tilespmem:s24+$0x60] =	vst v4;
	v4 =	vadd.s32 v13, v6  }
0x262: {  	v49 =	vld [tilespmem:s26+$0xFFFFFE80];
	v4 =	vadd.s32 v14, v4  }
0x263: {  	v34 =	vld [tilespmem:s28+$0x10];
	v4 =	vadd.s32 v9, v4  }
0x264: {  	v51 =	vld [tilespmem:s26+$0xFFFFFF00];
	v3 =	vadd.s32 v3, v4  }
0x265: {  	v52 =	vld [tilespmem:s26+$0xFFFFFF80];
	[tilespmem:s24+$0xFFFFFFB0] =	vst v3  }
0x266: {  	v3 =	vld [tilespmem:s25+$0xFFFFFC40]  }
0x267: {  	v4 =	vld [tilespmem:s25+$0xFFFFFCC0]  }
0x268: {  	v6 =	vld [tilespmem:s25+$0xFFFFFD40]  }
0x269: {  	v10 =	vld [tilespmem:s25+$0xFFFFFDC0]  }
0x26a: {  	v11 =	vld [tilespmem:s25+$0xFFFFFE40]  }
0x26b: {  	v12 =	vld [tilespmem:s25+$0xFFFFFEC0]  }
0x26c: {  	v18 =	vld [tilespmem:s25+$0xFFFFFF40];
	v3 =	vadd.s32 v3, v4  }
0x26d: {  	v4 =	vld [tilespmem:s25+$0xFFFFFFC0];
	v3 =	vadd.s32 v6, v3  }
0x26e: {  	v53 =	vld [tilespmem:s28+$0xFFFFFF80];
	v3 =	vadd.s32 v10, v3  }
0x26f: {  	v16 =	vld [tilespmem:s24+$0xFFFFFFE0];
	v3 =	vadd.s32 v11, v3  }
0x270: {  	v5 =	vld [tilespmem:s24+$0xFFFFFFD0];
	v3 =	vadd.s32 v12, v3  }
0x271: {  	v15 =	vld [tilespmem:s25+$0x1F0];
	v3 =	vadd.s32 v18, v3  }
0x272: {  	v8 =	vld [tilespmem:s25+$0xF0];
	v4 =	vadd.s32 v4, v3  }
0x273: {  	v6 =	vld [tilespmem:s26+$0x80];
	v4 =	vadd.s32 v43, v4  }
0x274: {  	[tilespmem:s24+$0xFFFFFFC0] =	vst v4;
	v4 =	vld [tilespmem:s26+$0x0]  }
0x275: {  	v7 =	vld [tilespmem:s25+$0x70]  }
0x276: {  	v13 =	vld [tilespmem:s25+$0x2F0]  }
0x277: {  	v14 =	vld [tilespmem:s25+$0x270]  }
0x278: {  	v9 =	vld [tilespmem:s25+$0x170]  }
0x279: {  	v10 =	vld [tilespmem:s25+$0x3F0];
	v4 =	vadd.s32 v4, v6  }
0x27a: {  	v6 =	vld [tilespmem:s26+$0x380];
	v4 =	vadd.s32 v44, v4  }
0x27b: {  	v11 =	vld [tilespmem:s24+$0x70];
	v4 =	vadd.s32 v24, v4  }
0x27c: {  	v12 =	vld [tilespmem:s25+$0x370];
	v4 =	vadd.s32 v25, v4  }
0x27d: {  	v3 =	vld [tilespmem:s24+$0xFFFFFFF0];
	v4 =	vadd.s32 v26, v4  }
0x27e: {  	v21 =	vld [tilespmem:s25+$0xFFFFFC50];
	v4 =	vadd.s32 v27, v4  }
0x27f: {  	v23 =	vld [tilespmem:s25+$0xFFFFFCD0];
	v4 =	vadd.s32 v6, v4  }
0x280: {  	v22 =	vld [tilespmem:s25+$0xFFFFFD50];
	v4 =	vadd.s32 v45, v4  }
0x281: {  	v20 =	vld [tilespmem:s25+$0xFFFFFDD0];
	[tilespmem:s28+$0x0] =	vst v4  }
0x282: {  	v4 =	vld [tilespmem:s26+$0x10]  }
0x283: {  	v6 =	vld [tilespmem:s26+$0x90]  }
0x284: {  	v50 =	vld [tilespmem:s26+$0x110]  }
0x285: {  	v30 =	vld [tilespmem:s26+$0x190]  }
0x286: {  	v31 =	vld [tilespmem:s26+$0x210]  }
0x287: {  	v32 =	vld [tilespmem:s26+$0x290]  }
0x288: {  	v33 =	vld [tilespmem:s26+$0x310];
	v4 =	vadd.s32 v4, v6  }
0x289: {  	v6 =	vld [tilespmem:s26+$0x390];
	v4 =	vadd.s32 v50, v4  }
0x28a: {  	v19 =	vld [tilespmem:s25+$0xFFFFFE50];
	v4 =	vadd.s32 v30, v4  }
0x28b: {  	v18 =	vld [tilespmem:s25+$0xFFFFFED0];
	v4 =	vadd.s32 v31, v4  }
0x28c: {  	v24 =	vld [tilespmem:s28+$0xFFFFFFA0];
	v4 =	vadd.s32 v32, v4  }
0x28d: {  	v50 =	vld [tilespmem:s25+$0xFFFFFFD0];
	v4 =	vadd.s32 v33, v4  }
0x28e: {  	v33 =	vld [tilespmem:s28+$0xFFFFFF90];
	v4 =	vadd.s32 v6, v4  }
0x28f: {  	v6 =	vld [tilespmem:s28+$0xFFFFFFB0];
	v4 =	vadd.s32 v34, v4  }
0x290: {  	[tilespmem:s28+$0x10] =	vst v4;
	v4 =	vadd.s32 v46, v28;
	v46 =	vld [tilespmem:s28+$0x30]  }
0x291: {  	v54 =	vld [tilespmem:s26+$0x20]  }
0x292: {  	v55 =	vld [tilespmem:s26+$0xA0]  }
0x293: {  	v4 =	vadd.s32 v47, v4;
	v56 =	vld [tilespmem:s26+$0x120]  }
0x294: {  	v57 =	vld [tilespmem:s26+$0x1A0];
	v4 =	vadd.s32 v48, v4  }
0x295: {  	v58 =	vld [tilespmem:s26+$0x220];
	v4 =	vadd.s32 v29, v4  }
0x296: {  	v59 =	vld [tilespmem:s26+$0x2A0];
	v4 =	vadd.s32 v49, v4  }
0x297: {  	v60 =	vld [tilespmem:s26+$0x320];
	v4 =	vadd.s32 v51, v4  }
0x298: {  	v61 =	vld [tilespmem:s26+$0x3A0];
	v4 =	vadd.s32 v52, v4  }
0x299: {  	v49 =	vld [tilespmem:s25+$0xFFFFFF50];
	v4 =	vadd.s32 v53, v4  }
0x29a: {  	[tilespmem:s28+$0xFFFFFF80] =	vst v4;
	v4 =	vld [tilespmem:s28+$0x20]  }
0x29b: {  	v62 =	vld [tilespmem:s26+$0xFFFFFC10]  }
0x29c: {  	v25 =	vadd.s32 v54, v55;
	v63 =	vld [tilespmem:s26+$0xFFFFFC90]  }
0x29d: {  	v25 =	vadd.s32 v56, v25;
	v36 =	vld [tilespmem:s26+$0xFFFFFD10]  }
0x29e: {  	v25 =	vadd.s32 v57, v25;
	v37 =	vld [tilespmem:s26+$0xFFFFFD90]  }
0x29f: {  	v17 =	vadd.s32 v58, v25;
	v38 =	vld [tilespmem:s26+$0xFFFFFE10]  }
0x2a0: {  	v39 =	vld [tilespmem:s26+$0xFFFFFE90];
	v17 =	vadd.s32 v59, v17  }
0x2a1: {  	v47 =	vld [tilespmem:s26+$0xFFFFFF10];
	v17 =	vadd.s32 v60, v17  }
0x2a2: {  	v48 =	vld [tilespmem:s26+$0xFFFFFF90];
	v17 =	vadd.s32 v61, v17  }
0x2a3: {  	v59 =	vld [tilespmem:s28+$0x40];
	v4 =	vadd.s32 v4, v17  }
0x2a4: {  	v21 =	vadd.s32 v21, v23;
	v17 =	vld [tilespmem:s28+$0xFFFFFFC0];
	[tilespmem:s28+$0x20] =	vst v4  }
0x2a5: {  	v21 =	vadd.s32 v22, v21;
	v4 =	vld [tilespmem:s26+$0x30]  }
0x2a6: {  	v20 =	vadd.s32 v20, v21;
	v40 =	vld [tilespmem:s26+$0xB0]  }
0x2a7: {  	v19 =	vadd.s32 v19, v20;
	v25 =	vadd.s32 v62, v63;
	v41 =	vld [tilespmem:s26+$0x130]  }
0x2a8: {  	v18 =	vadd.s32 v18, v19;
	v42 =	vld [tilespmem:s26+$0x1B0];
	v25 =	vadd.s32 v36, v25  }
0x2a9: {  	v18 =	vadd.s32 v49, v18;
	v43 =	vld [tilespmem:s26+$0x230];
	v25 =	vadd.s32 v37, v25  }
0x2aa: {  	v18 =	vadd.s32 v50, v18;
	v35 =	vld [tilespmem:s26+$0x2B0];
	v25 =	vadd.s32 v38, v25  }
0x2ab: {  	v5 =	vadd.s32 v5, v18;
	v44 =	vld [tilespmem:s26+$0x330];
	v25 =	vadd.s32 v39, v25;
	v4 =	vadd.s32 v4, v40  }
0x2ac: {  	[tilespmem:s24+$0xFFFFFFD0] =	vst v5;
	v45 =	vld [tilespmem:s26+$0x3B0];
	v25 =	vadd.s32 v47, v25;
	v4 =	vadd.s32 v41, v4  }
0x2ad: {  	v20 =	vld [tilespmem:s25+$0xFFFFFC60];
	v25 =	vadd.s32 v48, v25;
	v4 =	vadd.s32 v42, v4  }
0x2ae: {  	v21 =	vld [tilespmem:s25+$0xFFFFFCE0];
	v25 =	vadd.s32 v33, v25;
	v4 =	vadd.s32 v43, v4  }
0x2af: {  	v22 =	vld [tilespmem:s25+$0xFFFFFD60];
	[tilespmem:s28+$0xFFFFFF90] =	vst v25;
	v4 =	vadd.s32 v35, v4  }
0x2b0: {  	v60 =	vld [tilespmem:s26+$0xFFFFFC20];
	v4 =	vadd.s32 v44, v4  }
0x2b1: {  	v61 =	vld [tilespmem:s26+$0xFFFFFCA0];
	v4 =	vadd.s32 v45, v4  }
0x2b2: {  	v62 =	vld [tilespmem:s26+$0xFFFFFD20];
	v4 =	vadd.s32 v46, v4  }
0x2b3: {  	v63 =	vld [tilespmem:s26+$0xFFFFFDA0];
	[tilespmem:s28+$0x30] =	vst v4  }
0x2b4: {  	v51 =	vld [tilespmem:s26+$0x40]  }
0x2b5: {  	v52 =	vld [tilespmem:s26+$0xC0]  }
0x2b6: {  	v53 =	vld [tilespmem:s26+$0x140]  }
0x2b7: {  	v54 =	vld [tilespmem:s26+$0x1C0]  }
0x2b8: {  	v55 =	vld [tilespmem:s26+$0x240]  }
0x2b9: {  	v56 =	vld [tilespmem:s26+$0x2C0]  }
0x2ba: {  	v57 =	vld [tilespmem:s26+$0x340];
	v27 =	vadd.s32 v51, v52  }
0x2bb: {  	v58 =	vld [tilespmem:s26+$0x3C0];
	v27 =	vadd.s32 v53, v27  }
0x2bc: {  	v36 =	vld [tilespmem:s26+$0xFFFFFE20];
	v26 =	vadd.s32 v54, v27  }
0x2bd: {  	v37 =	vld [tilespmem:s26+$0xFFFFFEA0];
	v26 =	vadd.s32 v55, v26  }
0x2be: {  	v47 =	vld [tilespmem:s26+$0xFFFFFF20];
	v26 =	vadd.s32 v56, v26  }
0x2bf: {  	v5 =	vld [tilespmem:s26+$0xFFFFFFA0];
	v26 =	vadd.s32 v57, v26  }
0x2c0: {  	v46 =	vld [tilespmem:s28+$0x50];
	v26 =	vadd.s32 v58, v26  }
0x2c1: {  	v4 =	vld [tilespmem:s28+$0xFFFFFFD0];
	v48 =	vadd.s32 v60, v61;
	v25 =	vadd.s32 v59, v26  }
0x2c2: {  	v23 =	vadd.s32 v62, v48;
	v48 =	vld [tilespmem:s25+$0xFFFFFFE0];
	[tilespmem:s28+$0x40] =	vst v25  }
0x2c3: {  	v25 =	vld [tilespmem:s26+$0x50]  }
0x2c4: {  	v38 =	vld [tilespmem:s26+$0xD0]  }
0x2c5: {  	v39 =	vld [tilespmem:s26+$0x150]  }
0x2c6: {  	v23 =	vadd.s32 v63, v23;
	v40 =	vld [tilespmem:s26+$0x1D0]  }
0x2c7: {  	v23 =	vadd.s32 v36, v23;
	v41 =	vld [tilespmem:s26+$0x250]  }
0x2c8: {  	v23 =	vadd.s32 v37, v23;
	v42 =	vld [tilespmem:s26+$0x2D0]  }
0x2c9: {  	v18 =	vadd.s32 v47, v23;
	v44 =	vld [tilespmem:s26+$0x350];
	v43 =	vadd.s32 v25, v38  }
0x2ca: {  	v5 =	vadd.s32 v5, v18;
	v45 =	vld [tilespmem:s26+$0x3D0];
	v19 =	vadd.s32 v39, v43  }
0x2cb: {  	v47 =	vld [tilespmem:s25+$0xFFFFFF60];
	v5 =	vadd.s32 v24, v5;
	v19 =	vadd.s32 v40, v19  }
0x2cc: {  	[tilespmem:s28+$0xFFFFFFA0] =	vst v5;
	v5 =	vld [tilespmem:s28+$0x60];
	v19 =	vadd.s32 v41, v19  }
0x2cd: {  	v60 =	vld [tilespmem:s26+$0xFFFFFDB0];
	v19 =	vadd.s32 v42, v19  }
0x2ce: {  	v61 =	vld [tilespmem:s26+$0xFFFFFE30];
	v19 =	vadd.s32 v44, v19  }
0x2cf: {  	v62 =	vld [tilespmem:s26+$0xFFFFFEB0];
	v19 =	vadd.s32 v45, v19  }
0x2d0: {  	v57 =	vld [tilespmem:s26+$0xFFFFFC30];
	v19 =	vadd.s32 v46, v19  }
0x2d1: {  	v58 =	vld [tilespmem:s26+$0xFFFFFCB0];
	[tilespmem:s28+$0x50] =	vst v19  }
0x2d2: {  	v49 =	vld [tilespmem:s26+$0x60]  }
0x2d3: {  	v50 =	vld [tilespmem:s26+$0xE0]  }
0x2d4: {  	v51 =	vld [tilespmem:s26+$0x160]  }
0x2d5: {  	v52 =	vld [tilespmem:s26+$0x1E0]  }
0x2d6: {  	v53 =	vld [tilespmem:s26+$0x260]  }
0x2d7: {  	v54 =	vld [tilespmem:s26+$0x2E0]  }
0x2d8: {  	v55 =	vld [tilespmem:s26+$0x360];
	v25 =	vadd.s32 v49, v50  }
0x2d9: {  	v56 =	vld [tilespmem:s26+$0x3E0];
	v25 =	vadd.s32 v51, v25  }
0x2da: {  	v59 =	vld [tilespmem:s26+$0xFFFFFD30];
	v25 =	vadd.s32 v52, v25  }
0x2db: {  	v41 =	vld [tilespmem:s26+$0xFFFFFF30];
	v25 =	vadd.s32 v53, v25  }
0x2dc: {  	v42 =	vld [tilespmem:s26+$0xFFFFFFB0];
	v23 =	vadd.s32 v54, v25  }
0x2dd: {  	v19 =	vld [tilespmem:s25+$0xFFFFFDE0];
	v18 =	vadd.s32 v55, v23  }
0x2de: {  	v45 =	vld [tilespmem:s25+$0xFFFFFE60];
	v18 =	vadd.s32 v56, v18  }
0x2df: {  	v46 =	vld [tilespmem:s25+$0xFFFFFEE0];
	v5 =	vadd.s32 v5, v18  }
0x2e0: {  	v20 =	vadd.s32 v20, v21;
	v44 =	vld [tilespmem:s28+$0x70];
	[tilespmem:s28+$0x60] =	vst v5  }
0x2e1: {  	v20 =	vadd.s32 v22, v20;
	v28 =	vld [tilespmem:s26+$0x70]  }
0x2e2: {  	v19 =	vadd.s32 v19, v20;
	v5 =	vadd.s32 v57, v58;
	v63 =	vld [tilespmem:s26+$0xF0]  }
0x2e3: {  	v18 =	vadd.s32 v45, v19;
	v36 =	vld [tilespmem:s26+$0x170];
	v5 =	vadd.s32 v59, v5  }
0x2e4: {  	v18 =	vadd.s32 v46, v18;
	v37 =	vld [tilespmem:s26+$0x1F0];
	v5 =	vadd.s32 v60, v5  }
0x2e5: {  	v38 =	vld [tilespmem:s26+$0x270];
	v18 =	vadd.s32 v47, v18;
	v5 =	vadd.s32 v61, v5  }
0x2e6: {  	v39 =	vld [tilespmem:s26+$0x2F0];
	v18 =	vadd.s32 v48, v18;
	v5 =	vadd.s32 v62, v5  }
0x2e7: {  	v40 =	vld [tilespmem:s26+$0x370];
	v16 =	vadd.s32 v16, v18;
	v5 =	vadd.s32 v41, v5  }
0x2e8: {  	v43 =	vld [tilespmem:s26+$0x3F0];
	[tilespmem:s24+$0xFFFFFFE0] =	vst v16;
	v5 =	vadd.s32 v42, v5  }
0x2e9: {  	v59 =	vld [tilespmem:s25+$0xFFFFFC70];
	v5 =	vadd.s32 v6, v5  }
0x2ea: {  	v60 =	vld [tilespmem:s25+$0xFFFFFCF0];
	[tilespmem:s28+$0xFFFFFFB0] =	vst v5  }
0x2eb: {  	v49 =	vld [tilespmem:s26+$0xFFFFFC40]  }
0x2ec: {  	v50 =	vld [tilespmem:s26+$0xFFFFFCC0]  }
0x2ed: {  	v51 =	vld [tilespmem:s26+$0xFFFFFD40]  }
0x2ee: {  	v52 =	vld [tilespmem:s26+$0xFFFFFDC0]  }
0x2ef: {  	v53 =	vld [tilespmem:s26+$0xFFFFFE40]  }
0x2f0: {  	v54 =	vld [tilespmem:s26+$0xFFFFFEC0]  }
0x2f1: {  	v56 =	vld [tilespmem:s26+$0xFFFFFF40];
	v55 =	vadd.s32 v49, v50  }
0x2f2: {  	v58 =	vld [tilespmem:s26+$0xFFFFFFC0];
	v57 =	vadd.s32 v51, v55  }
0x2f3: {  	v7 =	vadd.s32 v7, v8;
	v61 =	vld [tilespmem:s25+$0xFFFFFD70];
	v16 =	vadd.s32 v52, v57  }
0x2f4: {  	v7 =	vadd.s32 v9, v7;
	v62 =	vld [tilespmem:s25+$0xFFFFFDF0];
	v16 =	vadd.s32 v53, v16  }
0x2f5: {  	v7 =	vadd.s32 v15, v7;
	v15 =	vld [tilespmem:s25+$0xFFFFFEF0];
	v16 =	vadd.s32 v54, v16  }
0x2f6: {  	v7 =	vadd.s32 v14, v7;
	v14 =	vld [tilespmem:s25+$0xFFFFFF70];
	v8 =	vadd.s32 v56, v16  }
0x2f7: {  	v9 =	vadd.s32 v28, v63;
	v63 =	vld [tilespmem:s25+$0xFFFFFE70];
	v8 =	vadd.s32 v58, v8  }
0x2f8: {  	v6 =	vld [tilespmem:s28+$0xFFFFFFE0];
	v9 =	vadd.s32 v36, v9;
	v8 =	vadd.s32 v17, v8  }
0x2f9: {  	v5 =	vld [tilespmem:s28+$0xFFFFFFF0];
	v9 =	vadd.s32 v37, v9;
	[tilespmem:s28+$0xFFFFFFC0] =	vst v8  }
0x2fa: {  	v7 =	vadd.s32 v13, v7;
	v9 =	vadd.s32 v38, v9;
	v13 =	vadd.s32 v59, v60;
	v8 =	vld [tilespmem:s26+$0xFFFFFC50]  }
0x2fb: {  	v7 =	vadd.s32 v12, v7;
	v12 =	vadd.s32 v39, v9;
	v13 =	vadd.s32 v61, v13;
	v9 =	vld [tilespmem:s26+$0xFFFFFCD0]  }
0x2fc: {  	v7 =	vadd.s32 v10, v7;
	v12 =	vadd.s32 v40, v12;
	v13 =	vadd.s32 v62, v13;
	v10 =	vld [tilespmem:s26+$0xFFFFFD50]  }
0x2fd: {  	v7 =	vadd.s32 v11, v7;
	v12 =	vadd.s32 v43, v12;
	v13 =	vadd.s32 v63, v13;
	v11 =	vld [tilespmem:s26+$0xFFFFFDD0]  }
0x2fe: {  	[tilespmem:s24+$0x70] =	vst v7;
	v7 =	vadd.s32 v44, v12;
	v13 =	vadd.s32 v15, v13;
	v12 =	vld [tilespmem:s26+$0xFFFFFE50]  }
0x2ff: {  	s30 =	simm.s32 $0x2;
	s31 =	simm.s32 $0x9400;
	s29 =	simm.s32 $0x10180;
	[tilespmem:s28+$0x70] =	vst v7;
	v7 =	vadd.s32 v14, v13;
	v13 =	vld [tilespmem:s26+$0xFFFFFED0]  }
.LBB2_9:
0x300: {  	v14 =	vld [tilespmem:s31+$0x0];
	v8 =	vadd.s32 v8, v9  }
0x301: {  	v9 =	vld [tilespmem:s31+$0x80];
	v8 =	vadd.s32 v10, v8  }
0x302: {  	v10 =	vld [tilespmem:s31+$0x100];
	v8 =	vadd.s32 v11, v8  }
0x303: {  	v15 =	vld [tilespmem:s31+$0x180];
	v8 =	vadd.s32 v12, v8  }
0x304: {  	v12 =	vld [tilespmem:s31+$0x200];
	v11 =	vadd.s32 v13, v8  }
0x305: {  	v8 =	vld [tilespmem:s31+$0x280]  }
0x306: {  	v13 =	vld [tilespmem:s31+$0x300];
	v9 =	vadd.s32 v14, v9  }
0x307: {  	s28 =	sadd.s32 $0x100, s28;
	v14 =	vld [tilespmem:s31+$0x380];
	v9 =	vadd.s32 v10, v9  }
0x308: {  	s30 =	sadd.s32 $0x2, s30;
	v10 =	vld [tilespmem:s28+$0x0];
	v9 =	vadd.s32 v15, v9  }
0x309: {  	p2 =	slt.u32 s30, $0x1E;
	v15 =	vld [tilespmem:s31+$0xFFFFFC80];
	v9 =	vadd.s32 v12, v9  }
0x30a: {  	v12 =	vld [tilespmem:s31+$0xFFFFFC00];
	v8 =	vadd.s32 v8, v9  }
0x30b: {  	v9 =	vld [tilespmem:s31+$0xFFFFFD00];
	v8 =	vadd.s32 v13, v8  }
0x30c: {  	v13 =	vld [tilespmem:s31+$0xFFFFFD80];
	v8 =	vadd.s32 v14, v8  }
0x30d: {  	v14 =	vld [tilespmem:s31+$0xFFFFFE00];
	v8 =	vadd.s32 v10, v8  }
0x30e: {  	v10 =	vld [tilespmem:s31+$0xFFFFFE80];
	[tilespmem:s28+$0x0] =	vst v8  }
0x30f: {  	v8 =	vadd.s32 v12, v15;
	v12 =	vld [tilespmem:s31+$0x10]  }
0x310: {  	v8 =	vadd.s32 v9, v8;
	v9 =	vld [tilespmem:s31+$0x90]  }
0x311: {  	v8 =	vadd.s32 v13, v8;
	v13 =	vld [tilespmem:s31+$0x110]  }
0x312: {  	v8 =	vadd.s32 v14, v8;
	v14 =	vld [tilespmem:s31+$0x190]  }
0x313: {  	v8 =	vadd.s32 v10, v8;
	v10 =	vld [tilespmem:s31+$0x210]  }
0x314: {  	v15 =	vld [tilespmem:s31+$0x290]  }
0x315: {  	v16 =	vld [tilespmem:s31+$0x310];
	v9 =	vadd.s32 v12, v9  }
0x316: {  	v12 =	vld [tilespmem:s31+$0x390];
	v9 =	vadd.s32 v13, v9  }
0x317: {  	v13 =	vld [tilespmem:s28+$0x10];
	v9 =	vadd.s32 v14, v9  }
0x318: {  	v14 =	vld [tilespmem:s31+$0xFFFFFF00];
	v9 =	vadd.s32 v10, v9  }
0x319: {  	v17 =	vld [tilespmem:s31+$0xFFFFFF80];
	v9 =	vadd.s32 v15, v9  }
0x31a: {  	v15 =	vld [tilespmem:s28+$0xFFFFFF80];
	v9 =	vadd.s32 v16, v9  }
0x31b: {  	v16 =	vld [tilespmem:s28+$0xFFFFFF90];
	v9 =	vadd.s32 v12, v9  }
0x31c: {  	v10 =	vld [tilespmem:s28+$0xFFFFFFA0];
	v9 =	vadd.s32 v13, v9  }
0x31d: {  	v12 =	vadd.s32 v14, v8;
	v8 =	vld [tilespmem:s28+$0xFFFFFFB0];
	[tilespmem:s28+$0x10] =	vst v9  }
0x31e: {  	v9 =	vadd.s32 v17, v12;
	v12 =	vld [tilespmem:s31+$0x20]  }
0x31f: {  	v9 =	vadd.s32 v15, v9;
	v13 =	vld [tilespmem:s31+$0xA0]  }
0x320: {  	[tilespmem:s28+$0xFFFFFF80] =	vst v9;
	v9 =	vld [tilespmem:s31+$0x120]  }
0x321: {  	v14 =	vld [tilespmem:s31+$0x1A0]  }
0x322: {  	v15 =	vld [tilespmem:s31+$0x220]  }
0x323: {  	v17 =	vld [tilespmem:s31+$0x2A0]  }
0x324: {  	v18 =	vld [tilespmem:s31+$0x320];
	v12 =	vadd.s32 v12, v13  }
0x325: {  	v13 =	vld [tilespmem:s31+$0x3A0];
	v9 =	vadd.s32 v9, v12  }
0x326: {  	v12 =	vld [tilespmem:s28+$0x20];
	v9 =	vadd.s32 v14, v9  }
0x327: {  	v14 =	vld [tilespmem:s31+$0xFFFFFC10];
	v9 =	vadd.s32 v15, v9  }
0x328: {  	v15 =	vld [tilespmem:s31+$0xFFFFFC90];
	v9 =	vadd.s32 v17, v9  }
0x329: {  	v17 =	vld [tilespmem:s31+$0xFFFFFD10];
	v9 =	vadd.s32 v18, v9  }
0x32a: {  	v18 =	vld [tilespmem:s31+$0xFFFFFD90];
	v9 =	vadd.s32 v13, v9  }
0x32b: {  	v13 =	vld [tilespmem:s31+$0xFFFFFE10];
	v9 =	vadd.s32 v12, v9  }
0x32c: {  	v12 =	vld [tilespmem:s31+$0xFFFFFE90];
	[tilespmem:s28+$0x20] =	vst v9  }
0x32d: {  	v9 =	vadd.s32 v14, v15;
	v14 =	vld [tilespmem:s31+$0x30]  }
0x32e: {  	v9 =	vadd.s32 v17, v9;
	v15 =	vld [tilespmem:s31+$0xB0]  }
0x32f: {  	v9 =	vadd.s32 v18, v9;
	v17 =	vld [tilespmem:s31+$0x130]  }
0x330: {  	v9 =	vadd.s32 v13, v9;
	v13 =	vld [tilespmem:s31+$0x1B0]  }
0x331: {  	v12 =	vadd.s32 v12, v9;
	v9 =	vld [tilespmem:s31+$0x230]  }
0x332: {  	v18 =	vld [tilespmem:s31+$0x2B0]  }
0x333: {  	v19 =	vld [tilespmem:s31+$0x330];
	v14 =	vadd.s32 v14, v15  }
0x334: {  	v15 =	vld [tilespmem:s31+$0x3B0];
	v14 =	vadd.s32 v17, v14  }
0x335: {  	v17 =	vld [tilespmem:s28+$0x30];
	v13 =	vadd.s32 v13, v14  }
0x336: {  	v14 =	vld [tilespmem:s31+$0xFFFFFF10];
	v9 =	vadd.s32 v9, v13  }
0x337: {  	v13 =	vld [tilespmem:s31+$0xFFFFFF90];
	v18 =	vadd.s32 v18, v9  }
0x338: {  	v9 =	vld [tilespmem:s28+$0xFFFFFFC0];
	v18 =	vadd.s32 v19, v18  }
0x339: {  	v15 =	vadd.s32 v15, v18;
	v18 =	vld [tilespmem:s26+$0xFFFFFF50]  }
0x33a: {  	v15 =	vadd.s32 v17, v15;
	v17 =	vld [tilespmem:s26+$0xFFFFFFD0]  }
0x33b: {  	v12 =	vadd.s32 v14, v12;
	v14 =	vld [tilespmem:s28+$0xFFFFFFD0];
	[tilespmem:s28+$0x30] =	vst v15  }
0x33c: {  	v12 =	vadd.s32 v13, v12;
	v13 =	vld [tilespmem:s31+$0x40]  }
0x33d: {  	v12 =	vadd.s32 v16, v12;
	v15 =	vld [tilespmem:s31+$0xC0]  }
0x33e: {  	[tilespmem:s28+$0xFFFFFF90] =	vst v12;
	v12 =	vld [tilespmem:s31+$0x140];
	v11 =	vadd.s32 v18, v11  }
0x33f: {  	v16 =	vld [tilespmem:s31+$0x1C0];
	v11 =	vadd.s32 v17, v11  }
0x340: {  	v17 =	vld [tilespmem:s31+$0x240];
	v11 =	vadd.s32 v4, v11;
	v4 =	vmov v14  }
0x341: {  	v14 =	vld [tilespmem:s31+$0x2C0];
	[tilespmem:s29+$0xFFFFFFD0] =	vst v11  }
0x342: {  	v11 =	vld [tilespmem:s31+$0x340];
	v13 =	vadd.s32 v13, v15  }
0x343: {  	v15 =	vld [tilespmem:s31+$0x3C0];
	v12 =	vadd.s32 v12, v13  }
0x344: {  	v13 =	vld [tilespmem:s28+$0x40];
	v12 =	vadd.s32 v16, v12  }
0x345: {  	v16 =	vld [tilespmem:s31+$0xFFFFFC20];
	v12 =	vadd.s32 v17, v12  }
0x346: {  	v17 =	vld [tilespmem:s31+$0xFFFFFCA0];
	v12 =	vadd.s32 v14, v12  }
0x347: {  	v14 =	vld [tilespmem:s31+$0xFFFFFD20];
	v11 =	vadd.s32 v11, v12  }
0x348: {  	v12 =	vld [tilespmem:s31+$0xFFFFFDA0];
	v11 =	vadd.s32 v15, v11  }
0x349: {  	v15 =	vld [tilespmem:s31+$0xFFFFFE20];
	v11 =	vadd.s32 v13, v11  }
0x34a: {  	v13 =	vld [tilespmem:s31+$0xFFFFFEA0];
	[tilespmem:s28+$0x40] =	vst v11  }
0x34b: {  	v11 =	vadd.s32 v16, v17;
	v16 =	vld [tilespmem:s31+$0x50]  }
0x34c: {  	v11 =	vadd.s32 v14, v11;
	v14 =	vld [tilespmem:s31+$0xD0]  }
0x34d: {  	v11 =	vadd.s32 v12, v11;
	v12 =	vld [tilespmem:s31+$0x150]  }
0x34e: {  	v11 =	vadd.s32 v15, v11;
	v15 =	vld [tilespmem:s31+$0x1D0]  }
0x34f: {  	v11 =	vadd.s32 v13, v11;
	v13 =	vld [tilespmem:s31+$0x250]  }
0x350: {  	v17 =	vld [tilespmem:s31+$0x2D0]  }
0x351: {  	v18 =	vld [tilespmem:s31+$0x350];
	v14 =	vadd.s32 v16, v14  }
0x352: {  	v16 =	vld [tilespmem:s31+$0x3D0];
	v12 =	vadd.s32 v12, v14  }
0x353: {  	v14 =	vld [tilespmem:s28+$0x50];
	v12 =	vadd.s32 v15, v12  }
0x354: {  	v15 =	vld [tilespmem:s31+$0xFFFFFF20];
	v12 =	vadd.s32 v13, v12  }
0x355: {  	v13 =	vld [tilespmem:s31+$0xFFFFFFA0];
	v12 =	vadd.s32 v17, v12  }
0x356: {  	v12 =	vadd.s32 v18, v12;
	v17 =	vld [tilespmem:s26+$0xFFFFFC60]  }
0x357: {  	v12 =	vadd.s32 v16, v12;
	v16 =	vld [tilespmem:s26+$0xFFFFFCE0]  }
0x358: {  	v12 =	vadd.s32 v14, v12;
	v14 =	vld [tilespmem:s26+$0xFFFFFD60]  }
0x359: {  	v11 =	vadd.s32 v15, v11;
	[tilespmem:s28+$0x50] =	vst v12;
	v12 =	vld [tilespmem:s26+$0xFFFFFDE0]  }
0x35a: {  	v11 =	vadd.s32 v13, v11;
	v13 =	vld [tilespmem:s31+$0x60]  }
0x35b: {  	v10 =	vadd.s32 v10, v11;
	v11 =	vld [tilespmem:s31+$0xE0]  }
0x35c: {  	[tilespmem:s28+$0xFFFFFFA0] =	vst v10;
	v10 =	vld [tilespmem:s31+$0x160];
	v15 =	vadd.s32 v17, v16  }
0x35d: {  	v16 =	vld [tilespmem:s31+$0x1E0];
	v14 =	vadd.s32 v14, v15  }
0x35e: {  	v15 =	vld [tilespmem:s31+$0x260];
	v12 =	vadd.s32 v12, v14  }
0x35f: {  	v14 =	vld [tilespmem:s31+$0x2E0]  }
0x360: {  	v17 =	vld [tilespmem:s31+$0x360];
	v11 =	vadd.s32 v13, v11  }
0x361: {  	v13 =	vld [tilespmem:s31+$0x3E0];
	v10 =	vadd.s32 v10, v11  }
0x362: {  	v11 =	vld [tilespmem:s28+$0x60];
	v10 =	vadd.s32 v16, v10  }
0x363: {  	v16 =	vld [tilespmem:s31+$0xFFFFFC30];
	v10 =	vadd.s32 v15, v10  }
0x364: {  	v15 =	vld [tilespmem:s31+$0xFFFFFCB0];
	v10 =	vadd.s32 v14, v10  }
0x365: {  	v14 =	vld [tilespmem:s31+$0xFFFFFD30];
	v10 =	vadd.s32 v17, v10  }
0x366: {  	v17 =	vld [tilespmem:s31+$0xFFFFFDB0];
	v10 =	vadd.s32 v13, v10  }
0x367: {  	v13 =	vld [tilespmem:s31+$0xFFFFFE30];
	v10 =	vadd.s32 v11, v10  }
0x368: {  	v11 =	vld [tilespmem:s31+$0xFFFFFEB0];
	[tilespmem:s28+$0x60] =	vst v10  }
0x369: {  	v10 =	vadd.s32 v16, v15;
	v15 =	vld [tilespmem:s31+$0x70]  }
0x36a: {  	v10 =	vadd.s32 v14, v10;
	v14 =	vld [tilespmem:s31+$0xF0]  }
0x36b: {  	v10 =	vadd.s32 v17, v10;
	v16 =	vld [tilespmem:s31+$0x170]  }
0x36c: {  	v10 =	vadd.s32 v13, v10;
	v13 =	vld [tilespmem:s31+$0x1F0]  }
0x36d: {  	v10 =	vadd.s32 v11, v10;
	v11 =	vld [tilespmem:s31+$0x270]  }
0x36e: {  	v17 =	vld [tilespmem:s31+$0x2F0]  }
0x36f: {  	v18 =	vld [tilespmem:s31+$0x370];
	v14 =	vadd.s32 v15, v14  }
0x370: {  	v15 =	vld [tilespmem:s31+$0x3F0];
	v14 =	vadd.s32 v16, v14  }
0x371: {  	v16 =	vld [tilespmem:s28+$0x70];
	v13 =	vadd.s32 v13, v14  }
0x372: {  	v14 =	vld [tilespmem:s31+$0xFFFFFF30];
	v11 =	vadd.s32 v11, v13  }
0x373: {  	v13 =	vld [tilespmem:s31+$0xFFFFFFB0];
	v11 =	vadd.s32 v17, v11  }
0x374: {  	v11 =	vadd.s32 v18, v11;
	v17 =	vld [tilespmem:s26+$0xFFFFFE60]  }
0x375: {  	v11 =	vadd.s32 v15, v11;
	v15 =	vld [tilespmem:s26+$0xFFFFFEE0]  }
0x376: {  	v11 =	vadd.s32 v16, v11;
	v16 =	vld [tilespmem:s26+$0xFFFFFF60]  }
0x377: {  	v10 =	vadd.s32 v14, v10;
	[tilespmem:s28+$0x70] =	vst v11;
	v11 =	vld [tilespmem:s26+$0xFFFFFFE0]  }
0x378: {  	v10 =	vadd.s32 v13, v10;
	v13 =	vld [tilespmem:s28+$0xFFFFFFE0]  }
0x379: {  	v8 =	vadd.s32 v8, v10;
	v10 =	vadd.s32 v17, v12;
	v12 =	vld [tilespmem:s25+$0xFFFFFFF0];
	s25 =	smov.u32 s26;
	s26 =	smov.u32 s31  }
0x37a: {  	[tilespmem:s28+$0xFFFFFFB0] =	vst v8;
	v8 =	vld [tilespmem:s28+$0xFFFFFFF0];
	v10 =	vadd.s32 v15, v10  }
0x37b: {  	v14 =	vld [tilespmem:s31+$0xFFFFFC40];
	v10 =	vadd.s32 v16, v10  }
0x37c: {  	v15 =	vld [tilespmem:s31+$0xFFFFFCC0];
	v10 =	vadd.s32 v11, v10  }
0x37d: {  	v11 =	vld [tilespmem:s31+$0xFFFFFD40];
	v10 =	vadd.s32 v6, v10;
	v6 =	vmov v13  }
0x37e: {  	v13 =	vld [tilespmem:s31+$0xFFFFFDC0];
	[tilespmem:s29+$0xFFFFFFE0] =	vst v10;
	v7 =	vadd.s32 v12, v7  }
0x37f: {  	v10 =	vld [tilespmem:s31+$0xFFFFFE40];
	v7 =	vadd.s32 v3, v7;
	v3 =	vmov v5;
	v5 =	vmov v8  }
0x380: {  	v8 =	vld [tilespmem:s31+$0xFFFFFEC0];
	[tilespmem:s24+$0xFFFFFFF0] =	vst v7;
	s24 =	smov.u32 s29;
	s29 =	smov.u32 s28  }
0x381: {  	v7 =	vld [tilespmem:s31+$0xFFFFFF40];
	v12 =	vadd.s32 v14, v15  }
0x382: {  	v14 =	vld [tilespmem:s31+$0xFFFFFFC0];
	v11 =	vadd.s32 v11, v12  }
0x383: {  	v11 =	vadd.s32 v13, v11;
	v12 =	vld [tilespmem:s25+$0xFFFFFC70]  }
0x384: {  	v10 =	vadd.s32 v10, v11;
	v11 =	vld [tilespmem:s25+$0xFFFFFCF0]  }
0x385: {  	v8 =	vadd.s32 v8, v10;
	v10 =	vld [tilespmem:s25+$0xFFFFFD70]  }
0x386: {  	v7 =	vadd.s32 v7, v8;
	v13 =	vld [tilespmem:s25+$0xFFFFFDF0]  }
0x387: {  	v7 =	vadd.s32 v14, v7;
	v14 =	vld [tilespmem:s25+$0xFFFFFE70]  }
0x388: {  	v7 =	vadd.s32 v9, v7;
	v15 =	vld [tilespmem:s25+$0xFFFFFEF0]  }
0x389: {  	[tilespmem:s28+$0xFFFFFFC0] =	vst v7;
	v7 =	vld [tilespmem:s25+$0xFFFFFF70];
	v9 =	vadd.s32 v12, v11  }
0x38a: {  	v8 =	vld [tilespmem:s31+$0xFFFFFC50];
	v10 =	vadd.s32 v10, v9  }
.Ltmp5:
0x38b: {  	v9 =	vld [tilespmem:s31+$0xFFFFFCD0];
	v11 =	vadd.s32 v13, v10;
	(pc) =	sbr.rel @p2 .LBB2_9-.Ltmp5, $4  }
0x38c: {  	v10 =	vld [tilespmem:s31+$0xFFFFFD50];
	v12 =	vadd.s32 v14, v11  }
0x38d: {  	v11 =	vld [tilespmem:s31+$0xFFFFFDD0];
	v13 =	vadd.s32 v15, v12  }
0x38e: {  	v12 =	vld [tilespmem:s31+$0xFFFFFE50];
	v7 =	vadd.s32 v7, v13  }
0x38f: {  	s31 =	sadd.s32 $0x800, s31;
	v13 =	vld [tilespmem:s26+$0xFFFFFED0]  }
0x390: {  	v8 =	vadd.s32 v8, v9;
	v47 =	vld [tilespmem:s26+$0xFFFFFF50]  }
0x391: {  	v48 =	vld [tilespmem:s26+$0xFFFFFFD0];
	v8 =	vadd.s32 v10, v8  }
0x392: {  	v8 =	vadd.s32 v11, v8  }
0x393: {  	v8 =	vadd.s32 v12, v8  }
0x394: {  	v8 =	vadd.s32 v13, v8  }
0x395: {  	v8 =	vadd.s32 v47, v8  }
0x396: {  	v8 =	vadd.s32 v48, v8  }
0x397: {  	v4 =	vadd.s32 v4, v8  }
0x398: {  	[tilespmem:s29+$0xFFFFFFD0] =	vst v4  }
0x399: {  	v4 =	vld [tilespmem:s26+$0xFFFFFC60]  }
0x39a: {  	v49 =	vld [tilespmem:s26+$0xFFFFFCE0]  }
0x39b: {  	v50 =	vld [tilespmem:s26+$0xFFFFFD60]  }
0x39c: {  	v51 =	vld [tilespmem:s26+$0xFFFFFDE0]  }
0x39d: {  	v52 =	vld [tilespmem:s26+$0xFFFFFE60]  }
0x39e: {  	v53 =	vld [tilespmem:s26+$0xFFFFFEE0]  }
0x39f: {  	v54 =	vld [tilespmem:s26+$0xFFFFFF60];
	v4 =	vadd.s32 v4, v49  }
0x3a0: {  	v55 =	vld [tilespmem:s26+$0xFFFFFFE0];
	v4 =	vadd.s32 v50, v4  }
0x3a1: {  	v4 =	vadd.s32 v51, v4  }
0x3a2: {  	v4 =	vadd.s32 v52, v4  }
0x3a3: {  	v4 =	vadd.s32 v53, v4  }
0x3a4: {  	v4 =	vadd.s32 v54, v4  }
0x3a5: {  	v4 =	vadd.s32 v55, v4  }
0x3a6: {  	v4 =	vadd.s32 v6, v4  }
0x3a7: {  	v56 =	vld [tilespmem:s25+$0xFFFFFFF0];
	[tilespmem:s29+$0xFFFFFFE0] =	vst v4  }
0x3a8: {  	v4 =	vld [tilespmem:s26+$0xFFFFFC70]  }
0x3a9: {  	v57 =	vld [tilespmem:s26+$0xFFFFFCF0]  }
0x3aa: {  	v58 =	vld [tilespmem:s26+$0xFFFFFD70]  }
0x3ab: {  	v59 =	vld [tilespmem:s26+$0xFFFFFDF0]  }
0x3ac: {  	v60 =	vld [tilespmem:s26+$0xFFFFFE70]  }
0x3ad: {  	v61 =	vld [tilespmem:s26+$0xFFFFFEF0]  }
0x3ae: {  	v62 =	vld [tilespmem:s26+$0xFFFFFF70];
	v4 =	vadd.s32 v4, v57  }
0x3af: {  	v63 =	vld [tilespmem:s26+$0xFFFFFFF0];
	v4 =	vadd.s32 v58, v4  }
0x3b0: {  	v4 =	vadd.s32 v59, v4  }
0x3b1: {  	v4 =	vadd.s32 v60, v4  }
.Ltmp6:
0x3b2: {  	v4 =	vadd.s32 v61, v4;
	(pc) =	sbr.rel @p1 .LBB2_12-.Ltmp6, $4  }
0x3b3: {  	v6 =	vadd.s32 v56, v7;
	v4 =	vadd.s32 v62, v4  }
0x3b4: {  	v3 =	vadd.s32 v3, v6;
	v4 =	vadd.s32 v63, v4  }
0x3b5: {  	[tilespmem:s24+$0xFFFFFFF0] =	vst v3;
	v3 =	vadd.s32 v5, v4  }
0x3b6: {  	[tilespmem:s29+$0xFFFFFFF0] =	vst v3  }
0x3b7: {  	s24 =	sadd.s32 s23, s8  }
.Ltmp7:
0x3b8: {  	s24 =	sshll.u32 s24, $0x10;
	(pc) =	sbr.rel .LBB2_6-.Ltmp7, $4  }
0x3b9: {  	s24 =	sadd.s32 s4, s24  }
0x3ba: {  	s24 =	sshrl.u32 s24, $0x3  }
0x3bb: {  	s23 =	sadd.s32 $0x1, s23;
	s24 =	sadd.s32 s24, s5  }
0x3bc: {  	[tilespmem:s13], [sflag:$0x2] =	stream.linear.gather [hbm4b:s24+s3], $0x8000, $0x38;
	[tilespmem:$0x14100] =	vst v63  }
.LBB2_12:
0x3bd: {  	[spmem:s9] =	stream.strided.scatter [tilespmem:s18], [sflag:$0x3], $0x1000, s17, s16, $0x38;
	[tilespmem:$0x14100] =	vst v63  }
.Ltmp8:
0x3be: {  	_ =	swait.ge [sflag:s19], $0x1000;
	(pc) =	sbr.rel @p0 .LBB2_18-.Ltmp8, $3  }
0x3bf: {  	[sflag:s19] =	ssyncset.done $0x0  }
0x3c0: {  	[sflag:s19] =	ssyncadd.s32 $0xFFFFF000  }
0x3c1: {  	[bflag:$0x0] =	sbarrier.arrive $0xFFFF;
	_ =	sdelay $0x1  }
0x3c2: {  	[tilespmem:s20], [sflag:$0x3] =	stream.strided.gather [spmem:s10], $0x1000, s17, s16, $0x38;
	[tilespmem:$0x14100] =	vst v63  }
0x3c3: {  	_ =	swait.ge [sflag:s19], $0x1000  }
0x3c4: {  	[sflag:s19] =	ssyncset.done $0x0  }
0x3c5: {  	s23 =	simm.s32 $0x0;
	s24 =	simm.s32 $0x0;
	[sflag:s19] =	ssyncadd.s32 $0xFFFFF000  }
.LBB2_14:
0x3c6: {  	s25 =	sshra.s32 s24, $0x2  }
0x3c7: {  	v3 =	vld [tilespmem:s25+$0x10000]  }
0x3c8: {  	v4 =	vld [tilespmem:s25+$0x11000];
	_ =	sdelay $0x4  }
0x3c9: {  	v3 =	vadd.s32 v3, v4  }
0x3ca: {  	vm0 =	vlt.s32 v3, $0x100  }
0x3cb: {  	p1 =	sne.s32 s24, $0x3FC0;
	v3 =	vadd.s32 v1, v3  }
.Ltmp9:
0x3cc: {  	_ = 	snop;
	(pc) =	sbr.rel @p1 .LBB2_14-.Ltmp9, $3  }
0x3cd: {  	_ =	sdelay $0x1  }
0x3ce: {  	s25 =	simm.s32 $0x12000  }
0x3cf: {  	s24 =	sadd.s32 $0x40, s24;
	[tilespmem:v3+s25+$0x0] =	vst.idx.add.s32.msk vm0, v2  }
0x3d0: {  	s23 =	sand.u32 $0xF0, s23;
	v4 =	vld [tilespmem:s25+$0x0]  }
0x3d1: {  	v3 =	vld [tilespmem:s23+$0x12100]  }
0x3d2: {  	v5 =	vld [tilespmem:s23+$0x12200]  }
0x3d3: {  	v6 =	vld [tilespmem:s23+$0x12300]  }
0x3d4: {  	v7 =	vld [tilespmem:s23+$0x12400]  }
0x3d5: {  	v8 =	vld [tilespmem:s23+$0x12500]  }
0x3d6: {  	v3 =	vadd.s32 v4, v3;
	v4 =	vld [tilespmem:s23+$0x12600]  }
0x3d7: {  	v3 =	vadd.s32 v5, v3;
	v5 =	vld [tilespmem:s23+$0x12700]  }
0x3d8: {  	v3 =	vadd.s32 v6, v3;
	v6 =	vld [tilespmem:s23+$0x12800]  }
0x3d9: {  	v3 =	vadd.s32 v7, v3;
	v7 =	vld [tilespmem:s23+$0x12900]  }
0x3da: {  	v62 =	vld [tilespmem:s23+$0x12A00];
	v3 =	vadd.s32 v8, v3  }
0x3db: {  	v3 =	vadd.s32 v4, v3;
	v4 =	vld [tilespmem:s23+$0x12B00]  }
0x3dc: {  	v3 =	vadd.s32 v5, v3;
	v5 =	vld [tilespmem:s23+$0x12C00]  }
0x3dd: {  	v3 =	vadd.s32 v6, v3;
	v6 =	vld [tilespmem:s23+$0x12D00]  }
0x3de: {  	v3 =	vadd.s32 v7, v3;
	v7 =	vld [tilespmem:s23+$0x12E00]  }
0x3df: {  	v63 =	vld [tilespmem:s23+$0x12F00];
	v3 =	vadd.s32 v62, v3  }
0x3e0: {  	v3 =	vadd.s32 v4, v3  }
0x3e1: {  	v3 =	vadd.s32 v5, v3  }
0x3e2: {  	v3 =	vadd.s32 v6, v3  }
0x3e3: {  	v3 =	vadd.s32 v7, v3  }
0x3e4: {  	v3 =	vadd.s32 v63, v3  }
0x3e5: {  	v3 =	vcvt.s32.f32 v3  }
0x3e6: {  	s24 =	simm.s32 $0x10;
	s23 =	simm.s32 $0x13000  }
0x3e7: {  	s24 =	sand.u32 $0xF0, s24;
	v4 =	vimm.f32 $0.0e+00;
	[tilespmem:s23+$0x0] =	vst v3  }
0x3e8: {  	s26 =	simm.s32 $0x20;
	s25 =	simm.s32 $0x12010;
	v3 =	vadd.f32 v3, v4;
	v4 =	vld [tilespmem:s24+$0x12100]  }
.LBB2_16:
0x3e9: {  	p1 =	sne.s32 s26, $0xF0;
	v5 =	vld [tilespmem:s25+$0x0]  }
0x3ea: {  	v6 =	vld [tilespmem:s24+$0x12200]  }
0x3eb: {  	v7 =	vld [tilespmem:s24+$0x12300]  }
0x3ec: {  	v8 =	vld [tilespmem:s24+$0x12400]  }
0x3ed: {  	v9 =	vld [tilespmem:s24+$0x12500]  }
0x3ee: {  	v4 =	vadd.s32 v5, v4;
	v5 =	vld [tilespmem:s24+$0x12600]  }
0x3ef: {  	v4 =	vadd.s32 v6, v4;
	v6 =	vld [tilespmem:s24+$0x12700]  }
0x3f0: {  	v4 =	vadd.s32 v7, v4;
	v7 =	vld [tilespmem:s24+$0x12800]  }
0x3f1: {  	v4 =	vadd.s32 v8, v4;
	v8 =	vld [tilespmem:s24+$0x12900]  }
0x3f2: {  	v4 =	vadd.s32 v9, v4;
	v9 =	vld [tilespmem:s24+$0x12A00]  }
0x3f3: {  	v4 =	vadd.s32 v5, v4;
	v5 =	vld [tilespmem:s24+$0x12B00]  }
0x3f4: {  	v4 =	vadd.s32 v6, v4;
	v6 =	vld [tilespmem:s24+$0x12C00]  }
0x3f5: {  	v4 =	vadd.s32 v7, v4;
	v7 =	vld [tilespmem:s24+$0x12D00]  }
0x3f6: {  	v4 =	vadd.s32 v8, v4;
	v8 =	vld [tilespmem:s24+$0x12E00]  }
0x3f7: {  	v4 =	vadd.s32 v9, v4;
	v9 =	vld [tilespmem:s24+$0x12F00]  }
0x3f8: {  	v4 =	vadd.s32 v5, v4  }
0x3f9: {  	v4 =	vadd.s32 v6, v4  }
0x3fa: {  	v4 =	vadd.s32 v7, v4  }
0x3fb: {  	v4 =	vadd.s32 v8, v4  }
.Ltmp10:
0x3fc: {  	v4 =	vadd.s32 v9, v4;
	(pc) =	sbr.rel @p1 .LBB2_16-.Ltmp10, $4  }
0x3fd: {  	v4 =	vcvt.s32.f32 v4  }
0x3fe: {  	s23 =	sadd.s32 $0x10, s23  }
0x3ff: {  	s24 =	sand.u32 $0xF0, s26;
	[tilespmem:s23+$0x0] =	vst v4;
	v3 =	vadd.f32 v4, v3  }
0x400: {  	s25 =	sadd.s32 $0x10, s25;
	s26 =	sadd.s32 $0x10, s26;
	v4 =	vld [tilespmem:s24+$0x12100]  }
0x401: {  	v5 =	vld [tilespmem:s25+$0x0]  }
0x402: {  	v6 =	vld [tilespmem:s24+$0x12200]  }
0x403: {  	v7 =	vld [tilespmem:s24+$0x12300]  }
0x404: {  	v8 =	vld [tilespmem:s24+$0x12400]  }
0x405: {  	v9 =	vld [tilespmem:s24+$0x12500]  }
0x406: {  	v33 =	vld [tilespmem:s24+$0x12600];
	v4 =	vadd.s32 v5, v4  }
0x407: {  	v34 =	vld [tilespmem:s24+$0x12700];
	v4 =	vadd.s32 v6, v4  }
0x408: {  	v35 =	vld [tilespmem:s24+$0x12800];
	v4 =	vadd.s32 v7, v4  }
0x409: {  	v36 =	vld [tilespmem:s24+$0x12900];
	v4 =	vadd.s32 v8, v4  }
0x40a: {  	v37 =	vld [tilespmem:s24+$0x12A00];
	v4 =	vadd.s32 v9, v4  }
0x40b: {  	v38 =	vld [tilespmem:s24+$0x12B00];
	v4 =	vadd.s32 v33, v4  }
0x40c: {  	v39 =	vld [tilespmem:s24+$0x12C00];
	v4 =	vadd.s32 v34, v4  }
0x40d: {  	v40 =	vld [tilespmem:s24+$0x12D00];
	v4 =	vadd.s32 v35, v4  }
0x40e: {  	v41 =	vld [tilespmem:s24+$0x12E00];
	v4 =	vadd.s32 v36, v4  }
0x40f: {  	v42 =	vld [tilespmem:s24+$0x12F00];
	v4 =	vadd.s32 v37, v4  }
0x410: {  	v4 =	vadd.s32 v38, v4  }
0x411: {  	v4 =	vadd.s32 v39, v4  }
0x412: {  	v4 =	vadd.s32 v40, v4  }
0x413: {  	v4 =	vadd.s32 v41, v4  }
0x414: {  	v4 =	vadd.s32 v42, v4  }
0x415: {  	v4 =	vcvt.s32.f32 v4;
	_ =	sdelay $0x1  }
0x416: {  	v3 =	vadd.f32 v4, v3;
	_ =	sdelay $0x1  }
0x417: {  	(xrf2) =	vadd.scan.msk.f32 $0xffff, v3;
	_ =	sdelay $0x9  }
0x418: {  	v3, _, _ =	vpop (xrf2)  }
0x419: {  	v3 =	vbroadcast v3, $0xF;
	_ =	sdelay $0x1  }
0x41a: {  	(erf) = vrcp.f32 v3;
	_ =	sdelay $0x2  }
0x41b: {  	s23 =	sadd.s32 $0x10, s23  }
0x41c: {  	[tilespmem:s23+$0x0] =	vst v4  }
0x41d: {  	v3 =	vld [tilespmem:$0x13000]  }
0x41e: {  	v4 =	vld [tilespmem:$0x13010]  }
0x41f: {  	v44 =	vld [tilespmem:$0x13030]  }
0x420: {  	v43 =	vld [tilespmem:$0x13020]  }
0x421: {  	v47 =	vld [tilespmem:$0x13050];
	v45 =	vpop (erf)  }
0x422: {  	v46 =	vld [tilespmem:$0x13040];
	v3 =	vmul.f32 v3, v45  }
0x423: {  	v48 =	vld [tilespmem:$0x13070];
	v4 =	vmul.f32 v4, v45  }
0x424: {  	v10 =	vld [tilespmem:$0x13060];
	v49 =	vmul.f32 v44, v45;
	[tilespmem:$0x13000] =	vst v3  }
0x425: {  	v51 =	vld [tilespmem:$0x13090];
	v3 =	vmul.f32 v43, v45;
	[tilespmem:$0x13010] =	vst v4  }
0x426: {  	v50 =	vld [tilespmem:$0x13080];
	v52 =	vmul.f32 v47, v45;
	[tilespmem:$0x13030] =	vst v49  }
0x427: {  	v54 =	vld [tilespmem:$0x130B0];
	[tilespmem:$0x13020] =	vst v3;
	v3 =	vmul.f32 v46, v45  }
0x428: {  	v53 =	vld [tilespmem:$0x130A0];
	v55 =	vmul.f32 v48, v45;
	[tilespmem:$0x13050] =	vst v52  }
0x429: {  	v57 =	vld [tilespmem:$0x130D0];
	[tilespmem:$0x13040] =	vst v3;
	v3 =	vmul.f32 v10, v45  }
0x42a: {  	v56 =	vld [tilespmem:$0x130C0];
	v58 =	vmul.f32 v51, v45;
	[tilespmem:$0x13070] =	vst v55  }
0x42b: {  	v60 =	vld [tilespmem:$0x130F0];
	[tilespmem:$0x13060] =	vst v3;
	v3 =	vmul.f32 v50, v45  }
0x42c: {  	v59 =	vld [tilespmem:$0x130E0];
	v61 =	vmul.f32 v54, v45;
	[tilespmem:$0x13090] =	vst v58  }
0x42d: {  	[tilespmem:$0x13080] =	vst v3;
	v3 =	vmul.f32 v53, v45  }
0x42e: {  	v62 =	vmul.f32 v57, v45;
	[tilespmem:$0x130B0] =	vst v61  }
0x42f: {  	[tilespmem:$0x130A0] =	vst v3;
	v3 =	vmul.f32 v56, v45  }
0x430: {  	v63 =	vmul.f32 v60, v45;
	[tilespmem:$0x130D0] =	vst v62  }
0x431: {  	[tilespmem:$0x130C0] =	vst v3;
	v3 =	vmul.f32 v59, v45  }
0x432: {  	[tilespmem:$0x130F0] =	vst v63  }
.Ltmp11:
0x433: {  	[tilespmem:$0x130E0] =	vst v3;
	(pc) =	sbr.rel .LBB2_18-.Ltmp11, $4  }
0x434: {  	[hbm4b:s11+s16] =	stream.strided.scatter [tilespmem:s21], [sflag:$0x3], $0x100, s17, s16, $0x38;
	[tilespmem:$0x14100] =	vst v63  }
0x435: {  	_ =	swait.ge [sflag:s19], $0x100  }
0x436: {  	[sflag:s19] =	ssyncset.done $0x0  }
0x437: {  	[sflag:s19] =	ssyncadd.s32 $0xFFFFFF00  }
.LBB2_19:
0x438: {  	_ =	sfence.sel $0x180000  }
0x439: {  	[bflag:$0x0] =	sbarrier.arrive $0xFFFF  }
0x43a: {  	p0 =	sne.s32 s2, $0x0;
	_ =	strace $0x90000047  }
0x43b: {  	s0 =	sadd.s32 @!p0 $0x100000, s0;
	[bflag:$0x2] =	sbarrier.arrive $0xFFFF  }
0x43c: {  	[sflag:s0] =	ssyncadd.tile.s32 @!p0 $0x1;
	_ =	shalt  }
.Lfunc_end2:
_tile_overlayer_lowered:
.L_overlay_start_2:
0x43d: {  	(tag) =	ssettag $0x2  }
0x43e: {  	s0 =	rddreg [dreg:$0x0];
	s2 =	stileid.u32  }
0x43f: {  	s1 =	rddreg [dreg:$0x1];
	p0 =	sne.s32 s2, $0x0  }
0x440: {  	s3 =	rddreg [dreg:$0x2];
	[bflag:$0x3] =	sbarrier.arrive $0xFFFF;
	s2 =	simm.s32 @!p0 $0x1C03  }
0x441: {  	[timem:s3], [sflag:s2] =	dma.local @!p0 [hbm:s0], s1  }
0x442: {  	s0 =	simm.s32 @!p0 $0x3  }
0x443: {  	_ =	swait.ge @!p0 [sflag:s0], s1  }
0x444: {  	s1 =	ssub.s32 @!p0 $0x0, s1;
	[sflag:s0] =	ssyncset.done @!p0 $0x0  }
0x445: {  	[sflag:s0] =	ssyncadd.s32 @!p0 s1  }
0x446: {  	[bflag:$0x3] =	sbarrier.arrive $0xFFFF  }
0x447: {  	_ =	shalt  }

</sc_bundles>
